<compile_context>
chip_gen: v7x
topology: tpu7x:2x2x1
jax: 0.10.2.dev20260603
libtpu: 0.0.44.dev20260713+nightly
codegen_flags: <defaults>
</compile_context>

<pallas_src>
import functools

import jax
import jax.numpy as jnp
from jax import lax
from jax.experimental import pallas as pl
from jax.experimental.pallas import tpu as pltpu
from jax.experimental.pallas import tpu_sc as plsc

N = 10000
E = 320000
F_IN = 128
H = 256
C = 64

NC = 2
NS = 16
NW = NC * NS
K = 112
NP = 10240
EP = 322560
CH = EP // (NW * K)
RPT = NP // NS

RB = 2048
GRID = NP // RB
RBF = 1000

_f32 = jnp.float32


def _mesh():
    return plsc.VectorSubcoreMesh(core_axis_name="c", subcore_axis_name="s")


_SC_PARAMS = pltpu.CompilerParams(use_tc_tiling_on_sc=False)


_DEG_BATCH = 10


def _deg_call(ei, zd):
    @functools.partial(
        pl.kernel,
        out_type=[
            jax.ShapeDtypeStruct((NC, NP), _f32),
            jax.ShapeDtypeStruct((NC, NP), _f32),
        ],
        mesh=_mesh(),
        scratch_types=[
            pltpu.VMEM((CH, K), jnp.int32),
            pltpu.VMEM((CH, K), jnp.int32),
            pltpu.VMEM((K,), _f32),
            pltpu.VMEM_SHARED((NP,), _f32),
            pltpu.VMEM_SHARED((NP,), _f32),
            pltpu.SemaphoreType.DMA,
        ],
        compiler_params=_SC_PARAMS,
    )
    def deg_kernel(ei_hbm, zd_hbm, dout_hbm, din_hbm, isb, idb, ones_v, acc_o,
                   acc_i, sem):
        c = lax.axis_index("c")
        s = lax.axis_index("s")
        w = c * NS + s
        base = s * RPT
        pltpu.sync_copy(ei_hbm.at[0, w], isb)
        pltpu.sync_copy(ei_hbm.at[1, w], idb)
        pltpu.sync_copy(zd_hbm, acc_o.at[pl.ds(base, RPT)])
        pltpu.sync_copy(zd_hbm, acc_i.at[pl.ds(base, RPT)])

        @pl.loop(0, K // 16)
        def _(j):
            ones_v[pl.ds(j * 16, 16)] = jnp.full((16,), 1.0, _f32)

        plsc.subcore_barrier()

        @pl.loop(0, CH // _DEG_BATCH)
        def _(i):
            handles = []
            for b in range(_DEG_BATCH):
                j = i * _DEG_BATCH + b
                handles.append(
                    pltpu.async_copy(ones_v, acc_o.at[isb.at[j]], sem, add=True))
                handles.append(
                    pltpu.async_copy(ones_v, acc_i.at[idb.at[j]], sem, add=True))
            for h in handles:
                h.wait()

        plsc.subcore_barrier()
        pltpu.sync_copy(acc_o.at[pl.ds(base, RPT)], dout_hbm.at[c, pl.ds(base, RPT)])
        pltpu.sync_copy(acc_i.at[pl.ds(base, RPT)], din_hbm.at[c, pl.ds(base, RPT)])

    return deg_kernel(ei, zd)


def _prop_call(ei, x, zeros_f, F):
    @functools.partial(
        pl.kernel,
        out_type=jax.ShapeDtypeStruct((NC, NP, F), _f32),
        mesh=_mesh(),
        scratch_types=[
            pltpu.VMEM((3, K), jnp.int32),
            pltpu.VMEM((3, K), jnp.int32),
            pltpu.VMEM((K, F), _f32),
            pltpu.VMEM((K, F), _f32),
            pltpu.VMEM((K, F), _f32),
            pltpu.SemaphoreType.DMA,
            pltpu.SemaphoreType.DMA,
            pltpu.SemaphoreType.DMA,
            pltpu.SemaphoreType.DMA,
            pltpu.SemaphoreType.DMA,
            pltpu.SemaphoreType.DMA,
            pltpu.SemaphoreType.DMA,
            pltpu.SemaphoreType.DMA,
            pltpu.SemaphoreType.DMA,
            pltpu.VMEM_SHARED((NP, F), _f32),
        ],
        compiler_params=_SC_PARAMS,
    )
    def prop_kernel(ei_hbm, x_hbm, z_hbm, out_hbm, is3, id3, r0, r1, r2,
                    g0, g1, g2, i0, i1, i2, s0, s1, s2, acc):
        rows = (r0, r1, r2)
        gsem = (g0, g1, g2)
        isem = (i0, i1, i2)
        ssem = (s0, s1, s2)
        c = lax.axis_index("c")
        s = lax.axis_index("s")
        w = c * NS + s
        base = s * RPT

        def wait_idx(b):
            pltpu.make_async_copy(ei_hbm.at[0, w, 0], is3.at[b], isem[b]).wait()
            pltpu.make_async_copy(ei_hbm.at[1, w, 0], id3.at[b], isem[b]).wait()

        def fire_idx(row, b):
            pltpu.async_copy(ei_hbm.at[0, w, row], is3.at[b], isem[b])
            pltpu.async_copy(ei_hbm.at[1, w, row], id3.at[b], isem[b])

        def wait_gather(b):
            pltpu.make_async_copy(x_hbm.at[is3.at[0]], rows[b], gsem[b]).wait()

        def wait_scatter(b):
            pltpu.make_async_copy(rows[b], acc.at[id3.at[0]], ssem[b]).wait()

        pltpu.sync_copy(ei_hbm.at[0, w, 0], is3.at[0])
        pltpu.sync_copy(ei_hbm.at[1, w, 0], id3.at[0])
        pltpu.sync_copy(z_hbm, acc.at[pl.ds(base, RPT)])
        plsc.subcore_barrier()
        pltpu.async_copy(x_hbm.at[is3.at[0]], rows[0], gsem[0])
        fire_idx(1, 1)

        @pl.loop(0, CH // 3)
        def _(i):
            for b in range(3):
                j = 3 * i + b
                b1 = (b + 1) % 3
                b2 = (b + 2) % 3
                jn2 = jnp.minimum(j + 2, CH - 1)
                wait_idx(b1)
                if b == 0:
                    @pl.when(i > 0)
                    def _():
                        wait_scatter(b2)
                else:
                    wait_scatter(b2)
                pltpu.async_copy(x_hbm.at[is3.at[b1]], rows[b1], gsem[b1])
                wait_gather(b)
                pltpu.async_copy(rows[b], acc.at[id3.at[b]], ssem[b], add=True)
                fire_idx(jn2, b2)

        wait_gather(CH % 3)
        wait_scatter((CH - 1) % 3)
        wait_idx((CH + 1) % 3)
        plsc.subcore_barrier()
        pltpu.sync_copy(acc.at[pl.ds(base, RPT)], out_hbm.at[c, pl.ds(base, RPT)])

    return prop_kernel(ei, x, zeros_f)


def _inv_sqrt_deg(dp):
    d = dp[0] + dp[1]
    return 1.0 / jnp.sqrt(jnp.maximum(d, 1.0))


def _scale_body(x_ref, dop_ref, dip_ref, o_ref, io_ref, ii_ref):
    inv_o = _inv_sqrt_deg(dop_ref[...])
    o_ref[...] = x_ref[...] * inv_o[:, None]
    io_ref[...] = inv_o[:, None]
    ii_ref[...] = _inv_sqrt_deg(dip_ref[...])[:, None]


def _mm_body(p_ref, ii_ref, io_ref, w1_ref, b1_ref, w2_ref, o_ref):
    a = (p_ref[0] + p_ref[1]) * ii_ref[...]
    h = jnp.dot(a, w1_ref[...], preferred_element_type=_f32) + b1_ref[...]
    h = jnp.maximum(h, 0.0)
    t = jnp.dot(h, w2_ref[...], preferred_element_type=_f32)
    o_ref[...] = t * io_ref[...]


def _final_body(p_ref, ii_ref, b2_ref, o_ref):
    o_ref[...] = (p_ref[0] + p_ref[1]) * ii_ref[...] + b2_ref[...]


def kernel(features, edge_index, W1, b1, W2, b2):
    xpad = jnp.pad(features, ((0, NP - N), (0, 0)))
    pad_idx = (N + (jnp.arange(EP - E, dtype=jnp.int32) % 128))
    pad = jnp.stack([pad_idx, pad_idx])
    ei = jnp.concatenate([edge_index.astype(jnp.int32), pad], axis=1)
    ei = ei.reshape(2, NW, CH, K)
    zd = jnp.zeros((RPT,), _f32)
    z128 = jnp.zeros((RPT, F_IN), _f32)
    z64 = jnp.zeros((RPT, C), _f32)

    dout_p, din_p = _deg_call(ei, zd)

    xs, inv_o, inv_i = pl.pallas_call(
        _scale_body,
        grid=(GRID,),
        in_specs=[
            pl.BlockSpec((RB, F_IN), lambda i: (i, 0)),
            pl.BlockSpec((NC, RB), lambda i: (0, i)),
            pl.BlockSpec((NC, RB), lambda i: (0, i)),
        ],
        out_specs=[
            pl.BlockSpec((RB, F_IN), lambda i: (i, 0)),
            pl.BlockSpec((RB, 1), lambda i: (i, 0)),
            pl.BlockSpec((RB, 1), lambda i: (i, 0)),
        ],
        out_shape=[
            jax.ShapeDtypeStruct((NP, F_IN), _f32),
            jax.ShapeDtypeStruct((NP, 1), _f32),
            jax.ShapeDtypeStruct((NP, 1), _f32),
        ],
    )(xpad, dout_p, din_p)

    agg1_p = _prop_call(ei, xs, z128, F_IN)

    t = pl.pallas_call(
        _mm_body,
        grid=(GRID,),
        in_specs=[
            pl.BlockSpec((NC, RB, F_IN), lambda i: (0, i, 0)),
            pl.BlockSpec((RB, 1), lambda i: (i, 0)),
            pl.BlockSpec((RB, 1), lambda i: (i, 0)),
            pl.BlockSpec((F_IN, H), lambda i: (0, 0)),
            pl.BlockSpec((1, H), lambda i: (0, 0)),
            pl.BlockSpec((H, C), lambda i: (0, 0)),
        ],
        out_specs=pl.BlockSpec((RB, C), lambda i: (i, 0)),
        out_shape=jax.ShapeDtypeStruct((NP, C), _f32),
    )(agg1_p, inv_i, inv_o, W1, b1.reshape(1, H), W2)

    agg2_p = _prop_call(ei, t, z64, C)

    out = pl.pallas_call(
        _final_body,
        grid=(N // RBF,),
        in_specs=[
            pl.BlockSpec((NC, RBF, C), lambda i: (0, i, 0)),
            pl.BlockSpec((RBF, 1), lambda i: (i, 0)),
            pl.BlockSpec((1, C), lambda i: (0, 0)),
        ],
        out_specs=pl.BlockSpec((RBF, C), lambda i: (i, 0)),
        out_shape=jax.ShapeDtypeStruct((N, C), _f32),
    )(agg2_p, inv_i, b2.reshape(1, C))

    return out

# --- scband reference (transcript-rebuilt; emitter-appended) ---
"""Pipeline reference for scband-gcn-77489799954446 (READ-ONLY COPY).

The authoritative reference and input builder live on the scoring server;
editing this copy changes nothing except your own understanding.
"""

import jax, jax.numpy as jnp
import numpy as np

N = 10000
E = 320000
F_IN = 128
H = 256
C = 64


def setup_inputs(seed: int = 0) -> dict:
    key = jax.random.key(seed)
    k1, k2, k3, k4, k5, k6 = jax.random.split(key, 6)
    features = jax.random.normal(k1, (N, F_IN), dtype=jnp.float32)
    edge_index = jax.random.randint(k2, (2, E), 0, N, dtype=jnp.int32)
    W1 = jax.random.normal(k3, (F_IN, H), dtype=jnp.float32) * (1.0 / np.sqrt(F_IN))
    b1 = jnp.zeros((H,), dtype=jnp.float32)
    W2 = jax.random.normal(k4, (H, C), dtype=jnp.float32) * (1.0 / np.sqrt(H))
    b2 = jnp.zeros((C,), dtype=jnp.float32)
    return {"features": features, "edge_index": edge_index, "W1": W1, "b1": b1, "W2": W2, "b2": b2}


def _graph_conv(x, W, b, src, dst, inv_sqrt_deg_out, inv_sqrt_deg_in, activation=None):
    # DGL GraphConv with norm='both': h = D_in^{-1/2} A D_out^{-1/2} X W + b
    h = x * inv_sqrt_deg_out[:, None]
    msg = jnp.take(h, src, axis=0)                      # gather over source nodes
    agg = jnp.zeros((x.shape[0], x.shape[1]), dtype=x.dtype).at[dst].add(msg)  # scatter-add to dst
    agg = agg * inv_sqrt_deg_in[:, None]
    out = agg @ W + b
    if activation is not None:
        out = activation(out)
    return out


def reference(features, edge_index, W1, b1, W2, b2):
    src = edge_index[0]
    dst = edge_index[1]
    ones = jnp.ones((E,), dtype=jnp.float32)
    deg_out = jnp.zeros((N,), dtype=jnp.float32).at[src].add(ones)
    deg_in = jnp.zeros((N,), dtype=jnp.float32).at[dst].add(ones)
    inv_out = 1.0 / jnp.sqrt(jnp.clip(deg_out, 1.0, None))
    inv_in = 1.0 / jnp.sqrt(jnp.clip(deg_in, 1.0, None))
    h = _graph_conv(features, W1, b1, src, dst, inv_out, inv_in, activation=jax.nn.relu)
    # dropout is identity in eval mode
    out = _graph_conv(h, W2, b2, src, dst, inv_out, inv_in, activation=None)
    return out

if __name__ == "__main__":
    import jax
    _d = setup_inputs()
    print(jax.jit(kernel)(*tuple(_d.values())))

</pallas_src>

<mosaic_0001>
#map = affine_map<(d0, d1) -> (0, 0, 0, 0)>
#map1 = affine_map<(d0, d1) -> (0)>
#map2 = affine_map<(d0, d1) -> (0, 0)>
module attributes {stable_mosaic.version = 14 : i64} {
  func.func @deg_kernel(%arg0: i32, %arg1: i32, %arg2: memref<2x32x90x112xi32, #tpu.memory_space<hbm>>, %arg3: memref<640xf32, #tpu.memory_space<hbm>>, %arg4: memref<2x10240xf32, #tpu.memory_space<hbm>>, %arg5: memref<2x10240xf32, #tpu.memory_space<hbm>>, %arg6: memref<90x112xi32, #tpu.memory_space<vmem>>, %arg7: memref<90x112xi32, #tpu.memory_space<vmem>>, %arg8: memref<112xf32, #tpu.memory_space<vmem>>, %arg9: memref<10240xf32, #tpu.memory_space<vmem_shared>>, %arg10: memref<10240xf32, #tpu.memory_space<vmem_shared>>, %arg11: memref<!tpu.dma_semaphore, #tpu.memory_space<semaphore_mem>>) attributes {dimension_semantics = [#tpu.dimension_semantics<core_parallel>, #tpu.dimension_semantics<subcore_parallel>], iteration_bounds = array<i64: 2, 16>, scalar_prefetch = 0 : i64, scratch_operands = 6 : i64, tpu.core_type = #tpu.core_type<sc_vector_subcore>, window_params = [{transform_indices = #map}, {transform_indices = #map1}, {transform_indices = #map2}, {transform_indices = #map2}]} {
    %mul3A = arith.constant 16 : i32
    %mul3A_0 = arith.muli %arg0, %mul3A : i32
    %add3A = arith.addi %mul3A_0, %arg1 : i32
    %mul3A_1 = arith.constant 640 : i32
    %mul3A_2 = arith.muli %arg1, %mul3A_1 : i32
    %run_scoped3A = arith.constant 0 : i32
    "tpu.region"() ({
      %run_scoped3A_14 = tpu.sem_alloc : memref<!tpu.dma_semaphore, #tpu.memory_space<semaphore_mem>>
      %dma_start3A = arith.constant 0 : i32
      %dma_start3A_15 = arith.constant 0 : i32
      %dma_start3A_16 = tpu.memref_slice %arg2[%run_scoped3A, %add3A, %dma_start3A, %dma_start3A_15] : memref<2x32x90x112xi32, #tpu.memory_space<hbm>> -> memref<1x1x90x112xi32, #tpu.memory_space<hbm>>
      %dma_start3A_17 = tpu.memref_squeeze %dma_start3A_16 : memref<1x1x90x112xi32, #tpu.memory_space<hbm>> -> memref<90x112xi32, #tpu.memory_space<hbm>>
      %dma_start3A_18 = arith.constant 0 : i32
      %dma_start3A_19 = arith.constant 0 : i32
      %dma_start3A_20 = tpu.memref_slice %arg2[%run_scoped3A, %add3A, %dma_start3A_18, %dma_start3A_19] : memref<2x32x90x112xi32, #tpu.memory_space<hbm>> -> memref<1x1x90x112xi32, #tpu.memory_space<hbm>>
      %dma_start3A_21 = tpu.memref_squeeze %dma_start3A_20 : memref<1x1x90x112xi32, #tpu.memory_space<hbm>> -> memref<90x112xi32, #tpu.memory_space<hbm>>
      tpu.enqueue_dma source(%dma_start3A_21 : memref<90x112xi32, #tpu.memory_space<hbm>>) target(%arg6 : memref<90x112xi32, #tpu.memory_space<vmem>>) target_semaphore(%run_scoped3A_14 : memref<!tpu.dma_semaphore, #tpu.memory_space<semaphore_mem>>)
      %dma_wait3A = arith.constant 0 : i32
      %dma_wait3A_22 = arith.constant 0 : i32
      %dma_wait3A_23 = tpu.memref_slice %arg2[%run_scoped3A, %add3A, %dma_wait3A, %dma_wait3A_22] : memref<2x32x90x112xi32, #tpu.memory_space<hbm>> -> memref<1x1x90x112xi32, #tpu.memory_space<hbm>>
      %dma_wait3A_24 = tpu.memref_squeeze %dma_wait3A_23 : memref<1x1x90x112xi32, #tpu.memory_space<hbm>> -> memref<90x112xi32, #tpu.memory_space<hbm>>
      %dma_wait3A_25 = arith.constant 0 : i32
      %dma_wait3A_26 = arith.constant 0 : i32
      %dma_wait3A_27 = tpu.memref_slice %arg2[%run_scoped3A, %add3A, %dma_wait3A_25, %dma_wait3A_26] : memref<2x32x90x112xi32, #tpu.memory_space<hbm>> -> memref<1x1x90x112xi32, #tpu.memory_space<hbm>>
      %dma_wait3A_28 = tpu.memref_squeeze %dma_wait3A_27 : memref<1x1x90x112xi32, #tpu.memory_space<hbm>> -> memref<90x112xi32, #tpu.memory_space<hbm>>
      tpu.wait_dma2 semaphore(%run_scoped3A_14 : memref<!tpu.dma_semaphore, #tpu.memory_space<semaphore_mem>>) src(%dma_wait3A_28 : memref<90x112xi32, #tpu.memory_space<hbm>>) dst(%arg6 : memref<90x112xi32, #tpu.memory_space<vmem>>)
      tpu.yield
    }) : () -> ()
    %run_scoped3A_3 = arith.constant 1 : i32
    "tpu.region"() ({
      %run_scoped3A_14 = tpu.sem_alloc : memref<!tpu.dma_semaphore, #tpu.memory_space<semaphore_mem>>
      %dma_start3A = arith.constant 0 : i32
      %dma_start3A_15 = arith.constant 0 : i32
      %dma_start3A_16 = tpu.memref_slice %arg2[%run_scoped3A_3, %add3A, %dma_start3A, %dma_start3A_15] : memref<2x32x90x112xi32, #tpu.memory_space<hbm>> -> memref<1x1x90x112xi32, #tpu.memory_space<hbm>>
      %dma_start3A_17 = tpu.memref_squeeze %dma_start3A_16 : memref<1x1x90x112xi32, #tpu.memory_space<hbm>> -> memref<90x112xi32, #tpu.memory_space<hbm>>
      %dma_start3A_18 = arith.constant 0 : i32
      %dma_start3A_19 = arith.constant 0 : i32
      %dma_start3A_20 = tpu.memref_slice %arg2[%run_scoped3A_3, %add3A, %dma_start3A_18, %dma_start3A_19] : memref<2x32x90x112xi32, #tpu.memory_space<hbm>> -> memref<1x1x90x112xi32, #tpu.memory_space<hbm>>
      %dma_start3A_21 = tpu.memref_squeeze %dma_start3A_20 : memref<1x1x90x112xi32, #tpu.memory_space<hbm>> -> memref<90x112xi32, #tpu.memory_space<hbm>>
      tpu.enqueue_dma source(%dma_start3A_21 : memref<90x112xi32, #tpu.memory_space<hbm>>) target(%arg7 : memref<90x112xi32, #tpu.memory_space<vmem>>) target_semaphore(%run_scoped3A_14 : memref<!tpu.dma_semaphore, #tpu.memory_space<semaphore_mem>>)
      %dma_wait3A = arith.constant 0 : i32
      %dma_wait3A_22 = arith.constant 0 : i32
      %dma_wait3A_23 = tpu.memref_slice %arg2[%run_scoped3A_3, %add3A, %dma_wait3A, %dma_wait3A_22] : memref<2x32x90x112xi32, #tpu.memory_space<hbm>> -> memref<1x1x90x112xi32, #tpu.memory_space<hbm>>
      %dma_wait3A_24 = tpu.memref_squeeze %dma_wait3A_23 : memref<1x1x90x112xi32, #tpu.memory_space<hbm>> -> memref<90x112xi32, #tpu.memory_space<hbm>>
      %dma_wait3A_25 = arith.constant 0 : i32
      %dma_wait3A_26 = arith.constant 0 : i32
      %dma_wait3A_27 = tpu.memref_slice %arg2[%run_scoped3A_3, %add3A, %dma_wait3A_25, %dma_wait3A_26] : memref<2x32x90x112xi32, #tpu.memory_space<hbm>> -> memref<1x1x90x112xi32, #tpu.memory_space<hbm>>
      %dma_wait3A_28 = tpu.memref_squeeze %dma_wait3A_27 : memref<1x1x90x112xi32, #tpu.memory_space<hbm>> -> memref<90x112xi32, #tpu.memory_space<hbm>>
      tpu.wait_dma2 semaphore(%run_scoped3A_14 : memref<!tpu.dma_semaphore, #tpu.memory_space<semaphore_mem>>) src(%dma_wait3A_28 : memref<90x112xi32, #tpu.memory_space<hbm>>) dst(%arg7 : memref<90x112xi32, #tpu.memory_space<vmem>>)
      tpu.yield
    }) : () -> ()
    "tpu.region"() ({
      %run_scoped3A_14 = tpu.sem_alloc : memref<!tpu.dma_semaphore, #tpu.memory_space<semaphore_mem>>
      %dma_start3A = tpu.memref_slice %arg9[%mul3A_2] : memref<10240xf32, #tpu.memory_space<vmem_shared>> -> memref<640xf32, #tpu.memory_space<vmem_shared>>
      tpu.enqueue_dma source(%arg3 : memref<640xf32, #tpu.memory_space<hbm>>) target(%dma_start3A : memref<640xf32, #tpu.memory_space<vmem_shared>>) target_semaphore(%run_scoped3A_14 : memref<!tpu.dma_semaphore, #tpu.memory_space<semaphore_mem>>)
      %dma_wait3A = tpu.memref_slice %arg9[%mul3A_2] : memref<10240xf32, #tpu.memory_space<vmem_shared>> -> memref<640xf32, #tpu.memory_space<vmem_shared>>
      tpu.wait_dma2 semaphore(%run_scoped3A_14 : memref<!tpu.dma_semaphore, #tpu.memory_space<semaphore_mem>>) src(%arg3 : memref<640xf32, #tpu.memory_space<hbm>>) dst(%dma_wait3A : memref<640xf32, #tpu.memory_space<vmem_shared>>)
      tpu.yield
    }) : () -> ()
    "tpu.region"() ({
      %run_scoped3A_14 = tpu.sem_alloc : memref<!tpu.dma_semaphore, #tpu.memory_space<semaphore_mem>>
      %dma_start3A = tpu.memref_slice %arg10[%mul3A_2] : memref<10240xf32, #tpu.memory_space<vmem_shared>> -> memref<640xf32, #tpu.memory_space<vmem_shared>>
      tpu.enqueue_dma source(%arg3 : memref<640xf32, #tpu.memory_space<hbm>>) target(%dma_start3A : memref<640xf32, #tpu.memory_space<vmem_shared>>) target_semaphore(%run_scoped3A_14 : memref<!tpu.dma_semaphore, #tpu.memory_space<semaphore_mem>>)
      %dma_wait3A = tpu.memref_slice %arg10[%mul3A_2] : memref<10240xf32, #tpu.memory_space<vmem_shared>> -> memref<640xf32, #tpu.memory_space<vmem_shared>>
      tpu.wait_dma2 semaphore(%run_scoped3A_14 : memref<!tpu.dma_semaphore, #tpu.memory_space<semaphore_mem>>) src(%arg3 : memref<640xf32, #tpu.memory_space<hbm>>) dst(%dma_wait3A : memref<640xf32, #tpu.memory_space<vmem_shared>>)
      tpu.yield
    }) : () -> ()
    %scan3A = arith.constant 0 : i32
    %scan3A_4 = arith.constant 7 : i32
    %scan3A_5 = arith.addi %scan3A, %scan3A_4 : i32
    %scan3A_6 = arith.constant 1 : i32
    scf.for %scan3A_14 = %scan3A to %scan3A_5 step %scan3A_6  : i32 {
      %mul3A_15 = arith.constant 1 : i32
      %mul3A_16 = arith.muli %scan3A_14, %mul3A_15 : i32
      %add3A_17 = arith.constant 0 : i32
      %add3A_18 = arith.addi %add3A_17, %mul3A_16 : i32
      %broadcast_in_dim3A = arith.constant 1.000000e+00 : f32
      %broadcast_in_dim3A_19 = vector.broadcast %broadcast_in_dim3A : f32 to vector<16xf32>
      %mul3A_20 = arith.constant 16 : i32
      %mul3A_21 = arith.muli %add3A_18, %mul3A_20 : i32
      %swap3A = arith.index_cast %mul3A_21 : i32 to index
      %swap3A_22 = tpu.vector_load %arg8[%swap3A] {strides = array<i32>} : memref<112xf32, #tpu.memory_space<vmem>>, vector<16xf32>,
      %swap3A_23 = vector.shape_cast %swap3A_22 : vector<16xf32> to vector<16xf32>
      %swap3A_24 = vector.shape_cast %broadcast_in_dim3A_19 : vector<16xf32> to vector<16xf32>
      tpu.vector_store %arg8[%swap3A], %swap3A_24 {strides = array<i32>} : memref<112xf32, #tpu.memory_space<vmem>>, vector<16xf32>,
    }
    %scan3A_7 = arith.constant 7 : i32
    %barrier3A = arith.constant 0 : index
    tpu.barrier barrier_id(%barrier3A)
    %scan3A_8 = arith.constant 0 : i32
    %scan3A_9 = arith.constant 9 : i32
    %scan3A_10 = arith.addi %scan3A_8, %scan3A_9 : i32
    %scan3A_11 = arith.constant 1 : i32
    scf.for %scan3A_14 = %scan3A_8 to %scan3A_10 step %scan3A_11  : i32 {
      %mul3A_15 = arith.constant 1 : i32
      %mul3A_16 = arith.muli %scan3A_14, %mul3A_15 : i32
      %add3A_17 = arith.constant 0 : i32
      %add3A_18 = arith.addi %add3A_17, %mul3A_16 : i32
      %mul3A_19 = arith.constant 10 : i32
      %mul3A_20 = arith.muli %add3A_18, %mul3A_19 : i32
      %add3A_21 = arith.constant 0 : i32
      %add3A_22 = arith.addi %mul3A_20, %add3A_21 : i32
      %dma_start3A = arith.constant 0 : i32
      %dma_start3A_23 = tpu.memref_slice %arg6[%add3A_22, %dma_start3A] : memref<90x112xi32, #tpu.memory_space<vmem>> -> memref<1x112xi32, #tpu.memory_space<vmem>>
      %dma_start3A_24 = tpu.memref_squeeze %dma_start3A_23 : memref<1x112xi32, #tpu.memory_space<vmem>> -> memref<112xi32, #tpu.memory_space<vmem>>
      %dma_start3A_25 = arith.constant 0 : i32
      %dma_start3A_26 = tpu.memref_slice %arg9[%dma_start3A_25] : memref<10240xf32, #tpu.memory_space<vmem_shared>> -> memref<10240xf32, #tpu.memory_space<vmem_shared>>
      tpu.enqueue_indirect_dma source(%arg8 : memref<112xf32, #tpu.memory_space<vmem>>) target(%dma_start3A_26 : memref<10240xf32, #tpu.memory_space<vmem_shared>>) offsets(%dma_start3A_24 : memref<112xi32, #tpu.memory_space<vmem>>) semaphore(%arg11 : memref<!tpu.dma_semaphore, #tpu.memory_space<semaphore_mem>>) {add = true}
      %dma_start3A_27 = arith.constant 0 : i32
      %dma_start3A_28 = tpu.memref_slice %arg7[%add3A_22, %dma_start3A_27] : memref<90x112xi32, #tpu.memory_space<vmem>> -> memref<1x112xi32, #tpu.memory_space<vmem>>
      %dma_start3A_29 = tpu.memref_squeeze %dma_start3A_28 : memref<1x112xi32, #tpu.memory_space<vmem>> -> memref<112xi32, #tpu.memory_space<vmem>>
      %dma_start3A_30 = arith.constant 0 : i32
      %dma_start3A_31 = tpu.memref_slice %arg10[%dma_start3A_30] : memref<10240xf32, #tpu.memory_space<vmem_shared>> -> memref<10240xf32, #tpu.memory_space<vmem_shared>>
      tpu.enqueue_indirect_dma source(%arg8 : memref<112xf32, #tpu.memory_space<vmem>>) target(%dma_start3A_31 : memref<10240xf32, #tpu.memory_space<vmem_shared>>) offsets(%dma_start3A_29 : memref<112xi32, #tpu.memory_space<vmem>>) semaphore(%arg11 : memref<!tpu.dma_semaphore, #tpu.memory_space<semaphore_mem>>) {add = true}
      %mul3A_32 = arith.constant 10 : i32
      %mul3A_33 = arith.muli %add3A_18, %mul3A_32 : i32
      %add3A_34 = arith.constant 1 : i32
      %add3A_35 = arith.addi %mul3A_33, %add3A_34 : i32
      %dma_start3A_36 = arith.constant 0 : i32
      %dma_start3A_37 = tpu.memref_slice %arg6[%add3A_35, %dma_start3A_36] : memref<90x112xi32, #tpu.memory_space<vmem>> -> memref<1x112xi32, #tpu.memory_space<vmem>>
      %dma_start3A_38 = tpu.memref_squeeze %dma_start3A_37 : memref<1x112xi32, #tpu.memory_space<vmem>> -> memref<112xi32, #tpu.memory_space<vmem>>
      %dma_start3A_39 = arith.constant 0 : i32
      %dma_start3A_40 = tpu.memref_slice %arg9[%dma_start3A_39] : memref<10240xf32, #tpu.memory_space<vmem_shared>> -> memref<10240xf32, #tpu.memory_space<vmem_shared>>
      tpu.enqueue_indirect_dma source(%arg8 : memref<112xf32, #tpu.memory_space<vmem>>) target(%dma_start3A_40 : memref<10240xf32, #tpu.memory_space<vmem_shared>>) offsets(%dma_start3A_38 : memref<112xi32, #tpu.memory_space<vmem>>) semaphore(%arg11 : memref<!tpu.dma_semaphore, #tpu.memory_space<semaphore_mem>>) {add = true}
      %dma_start3A_41 = arith.constant 0 : i32
      %dma_start3A_42 = tpu.memref_slice %arg7[%add3A_35, %dma_start3A_41] : memref<90x112xi32, #tpu.memory_space<vmem>> -> memref<1x112xi32, #tpu.memory_space<vmem>>
      %dma_start3A_43 = tpu.memref_squeeze %dma_start3A_42 : memref<1x112xi32, #tpu.memory_space<vmem>> -> memref<112xi32, #tpu.memory_space<vmem>>
      %dma_start3A_44 = arith.constant 0 : i32
      %dma_start3A_45 = tpu.memref_slice %arg10[%dma_start3A_44] : memref<10240xf32, #tpu.memory_space<vmem_shared>> -> memref<10240xf32, #tpu.memory_space<vmem_shared>>
      tpu.enqueue_indirect_dma source(%arg8 : memref<112xf32, #tpu.memory_space<vmem>>) target(%dma_start3A_45 : memref<10240xf32, #tpu.memory_space<vmem_shared>>) offsets(%dma_start3A_43 : memref<112xi32, #tpu.memory_space<vmem>>) semaphore(%arg11 : memref<!tpu.dma_semaphore, #tpu.memory_space<semaphore_mem>>) {add = true}
      %mul3A_46 = arith.constant 10 : i32
      %mul3A_47 = arith.muli %add3A_18, %mul3A_46 : i32
      %add3A_48 = arith.constant 2 : i32
      %add3A_49 = arith.addi %mul3A_47, %add3A_48 : i32
      %dma_start3A_50 = arith.constant 0 : i32
      %dma_start3A_51 = tpu.memref_slice %arg6[%add3A_49, %dma_start3A_50] : memref<90x112xi32, #tpu.memory_space<vmem>> -> memref<1x112xi32, #tpu.memory_space<vmem>>
      %dma_start3A_52 = tpu.memref_squeeze %dma_start3A_51 : memref<1x112xi32, #tpu.memory_space<vmem>> -> memref<112xi32, #tpu.memory_space<vmem>>
      %dma_start3A_53 = arith.constant 0 : i32
      %dma_start3A_54 = tpu.memref_slice %arg9[%dma_start3A_53] : memref<10240xf32, #tpu.memory_space<vmem_shared>> -> memref<10240xf32, #tpu.memory_space<vmem_shared>>
      tpu.enqueue_indirect_dma source(%arg8 : memref<112xf32, #tpu.memory_space<vmem>>) target(%dma_start3A_54 : memref<10240xf32, #tpu.memory_space<vmem_shared>>) offsets(%dma_start3A_52 : memref<112xi32, #tpu.memory_space<vmem>>) semaphore(%arg11 : memref<!tpu.dma_semaphore, #tpu.memory_space<semaphore_mem>>) {add = true}
      %dma_start3A_55 = arith.constant 0 : i32
      %dma_start3A_56 = tpu.memref_slice %arg7[%add3A_49, %dma_start3A_55] : memref<90x112xi32, #tpu.memory_space<vmem>> -> memref<1x112xi32, #tpu.memory_space<vmem>>
      %dma_start3A_57 = tpu.memref_squeeze %dma_start3A_56 : memref<1x112xi32, #tpu.memory_space<vmem>> -> memref<112xi32, #tpu.memory_space<vmem>>
      %dma_start3A_58 = arith.constant 0 : i32
      %dma_start3A_59 = tpu.memref_slice %arg10[%dma_start3A_58] : memref<10240xf32, #tpu.memory_space<vmem_shared>> -> memref<10240xf32, #tpu.memory_space<vmem_shared>>
      tpu.enqueue_indirect_dma source(%arg8 : memref<112xf32, #tpu.memory_space<vmem>>) target(%dma_start3A_59 : memref<10240xf32, #tpu.memory_space<vmem_shared>>) offsets(%dma_start3A_57 : memref<112xi32, #tpu.memory_space<vmem>>) semaphore(%arg11 : memref<!tpu.dma_semaphore, #tpu.memory_space<semaphore_mem>>) {add = true}
      %mul3A_60 = arith.constant 10 : i32
      %mul3A_61 = arith.muli %add3A_18, %mul3A_60 : i32
      %add3A_62 = arith.constant 3 : i32
      %add3A_63 = arith.addi %mul3A_61, %add3A_62 : i32
      %dma_start3A_64 = arith.constant 0 : i32
      %dma_start3A_65 = tpu.memref_slice %arg6[%add3A_63, %dma_start3A_64] : memref<90x112xi32, #tpu.memory_space<vmem>> -> memref<1x112xi32, #tpu.memory_space<vmem>>
      %dma_start3A_66 = tpu.memref_squeeze %dma_start3A_65 : memref<1x112xi32, #tpu.memory_space<vmem>> -> memref<112xi32, #tpu.memory_space<vmem>>
      %dma_start3A_67 = arith.constant 0 : i32
      %dma_start3A_68 = tpu.memref_slice %arg9[%dma_start3A_67] : memref<10240xf32, #tpu.memory_space<vmem_shared>> -> memref<10240xf32, #tpu.memory_space<vmem_shared>>
      tpu.enqueue_indirect_dma source(%arg8 : memref<112xf32, #tpu.memory_space<vmem>>) target(%dma_start3A_68 : memref<10240xf32, #tpu.memory_space<vmem_shared>>) offsets(%dma_start3A_66 : memref<112xi32, #tpu.memory_space<vmem>>) semaphore(%arg11 : memref<!tpu.dma_semaphore, #tpu.memory_space<semaphore_mem>>) {add = true}
      %dma_start3A_69 = arith.constant 0 : i32
      %dma_start3A_70 = tpu.memref_slice %arg7[%add3A_63, %dma_start3A_69] : memref<90x112xi32, #tpu.memory_space<vmem>> -> memref<1x112xi32, #tpu.memory_space<vmem>>
      %dma_start3A_71 = tpu.memref_squeeze %dma_start3A_70 : memref<1x112xi32, #tpu.memory_space<vmem>> -> memref<112xi32, #tpu.memory_space<vmem>>
      %dma_start3A_72 = arith.constant 0 : i32
      %dma_start3A_73 = tpu.memref_slice %arg10[%dma_start3A_72] : memref<10240xf32, #tpu.memory_space<vmem_shared>> -> memref<10240xf32, #tpu.memory_space<vmem_shared>>
      tpu.enqueue_indirect_dma source(%arg8 : memref<112xf32, #tpu.memory_space<vmem>>) target(%dma_start3A_73 : memref<10240xf32, #tpu.memory_space<vmem_shared>>) offsets(%dma_start3A_71 : memref<112xi32, #tpu.memory_space<vmem>>) semaphore(%arg11 : memref<!tpu.dma_semaphore, #tpu.memory_space<semaphore_mem>>) {add = true}
      %mul3A_74 = arith.constant 10 : i32
      %mul3A_75 = arith.muli %add3A_18, %mul3A_74 : i32
      %add3A_76 = arith.constant 4 : i32
      %add3A_77 = arith.addi %mul3A_75, %add3A_76 : i32
      %dma_start3A_78 = arith.constant 0 : i32
      %dma_start3A_79 = tpu.memref_slice %arg6[%add3A_77, %dma_start3A_78] : memref<90x112xi32, #tpu.memory_space<vmem>> -> memref<1x112xi32, #tpu.memory_space<vmem>>
      %dma_start3A_80 = tpu.memref_squeeze %dma_start3A_79 : memref<1x112xi32, #tpu.memory_space<vmem>> -> memref<112xi32, #tpu.memory_space<vmem>>
      %dma_start3A_81 = arith.constant 0 : i32
      %dma_start3A_82 = tpu.memref_slice %arg9[%dma_start3A_81] : memref<10240xf32, #tpu.memory_space<vmem_shared>> -> memref<10240xf32, #tpu.memory_space<vmem_shared>>
      tpu.enqueue_indirect_dma source(%arg8 : memref<112xf32, #tpu.memory_space<vmem>>) target(%dma_start3A_82 : memref<10240xf32, #tpu.memory_space<vmem_shared>>) offsets(%dma_start3A_80 : memref<112xi32, #tpu.memory_space<vmem>>) semaphore(%arg11 : memref<!tpu.dma_semaphore, #tpu.memory_space<semaphore_mem>>) {add = true}
      %dma_start3A_83 = arith.constant 0 : i32
      %dma_start3A_84 = tpu.memref_slice %arg7[%add3A_77, %dma_start3A_83] : memref<90x112xi32, #tpu.memory_space<vmem>> -> memref<1x112xi32, #tpu.memory_space<vmem>>
      %dma_start3A_85 = tpu.memref_squeeze %dma_start3A_84 : memref<1x112xi32, #tpu.memory_space<vmem>> -> memref<112xi32, #tpu.memory_space<vmem>>
      %dma_start3A_86 = arith.constant 0 : i32
      %dma_start3A_87 = tpu.memref_slice %arg10[%dma_start3A_86] : memref<10240xf32, #tpu.memory_space<vmem_shared>> -> memref<10240xf32, #tpu.memory_space<vmem_shared>>
      tpu.enqueue_indirect_dma source(%arg8 : memref<112xf32, #tpu.memory_space<vmem>>) target(%dma_start3A_87 : memref<10240xf32, #tpu.memory_space<vmem_shared>>) offsets(%dma_start3A_85 : memref<112xi32, #tpu.memory_space<vmem>>) semaphore(%arg11 : memref<!tpu.dma_semaphore, #tpu.memory_space<semaphore_mem>>) {add = true}
      %mul3A_88 = arith.constant 10 : i32
      %mul3A_89 = arith.muli %add3A_18, %mul3A_88 : i32
      %add3A_90 = arith.constant 5 : i32
      %add3A_91 = arith.addi %mul3A_89, %add3A_90 : i32
      %dma_start3A_92 = arith.constant 0 : i32
      %dma_start3A_93 = tpu.memref_slice %arg6[%add3A_91, %dma_start3A_92] : memref<90x112xi32, #tpu.memory_space<vmem>> -> memref<1x112xi32, #tpu.memory_space<vmem>>
      %dma_start3A_94 = tpu.memref_squeeze %dma_start3A_93 : memref<1x112xi32, #tpu.memory_space<vmem>> -> memref<112xi32, #tpu.memory_space<vmem>>
      %dma_start3A_95 = arith.constant 0 : i32
      %dma_start3A_96 = tpu.memref_slice %arg9[%dma_start3A_95] : memref<10240xf32, #tpu.memory_space<vmem_shared>> -> memref<10240xf32, #tpu.memory_space<vmem_shared>>
      tpu.enqueue_indirect_dma source(%arg8 : memref<112xf32, #tpu.memory_space<vmem>>) target(%dma_start3A_96 : memref<10240xf32, #tpu.memory_space<vmem_shared>>) offsets(%dma_start3A_94 : memref<112xi32, #tpu.memory_space<vmem>>) semaphore(%arg11 : memref<!tpu.dma_semaphore, #tpu.memory_space<semaphore_mem>>) {add = true}
      %dma_start3A_97 = arith.constant 0 : i32
      %dma_start3A_98 = tpu.memref_slice %arg7[%add3A_91, %dma_start3A_97] : memref<90x112xi32, #tpu.memory_space<vmem>> -> memref<1x112xi32, #tpu.memory_space<vmem>>
      %dma_start3A_99 = tpu.memref_squeeze %dma_start3A_98 : memref<1x112xi32, #tpu.memory_space<vmem>> -> memref<112xi32, #tpu.memory_space<vmem>>
      %dma_start3A_100 = arith.constant 0 : i32
      %dma_start3A_101 = tpu.memref_slice %arg10[%dma_start3A_100] : memref<10240xf32, #tpu.memory_space<vmem_shared>> -> memref<10240xf32, #tpu.memory_space<vmem_shared>>
      tpu.enqueue_indirect_dma source(%arg8 : memref<112xf32, #tpu.memory_space<vmem>>) target(%dma_start3A_101 : memref<10240xf32, #tpu.memory_space<vmem_shared>>) offsets(%dma_start3A_99 : memref<112xi32, #tpu.memory_space<vmem>>) semaphore(%arg11 : memref<!tpu.dma_semaphore, #tpu.memory_space<semaphore_mem>>) {add = true}
      %mul3A_102 = arith.constant 10 : i32
      %mul3A_103 = arith.muli %add3A_18, %mul3A_102 : i32
      %add3A_104 = arith.constant 6 : i32
      %add3A_105 = arith.addi %mul3A_103, %add3A_104 : i32
      %dma_start3A_106 = arith.constant 0 : i32
      %dma_start3A_107 = tpu.memref_slice %arg6[%add3A_105, %dma_start3A_106] : memref<90x112xi32, #tpu.memory_space<vmem>> -> memref<1x112xi32, #tpu.memory_space<vmem>>
      %dma_start3A_108 = tpu.memref_squeeze %dma_start3A_107 : memref<1x112xi32, #tpu.memory_space<vmem>> -> memref<112xi32, #tpu.memory_space<vmem>>
      %dma_start3A_109 = arith.constant 0 : i32
      %dma_start3A_110 = tpu.memref_slice %arg9[%dma_start3A_109] : memref<10240xf32, #tpu.memory_space<vmem_shared>> -> memref<10240xf32, #tpu.memory_space<vmem_shared>>
      tpu.enqueue_indirect_dma source(%arg8 : memref<112xf32, #tpu.memory_space<vmem>>) target(%dma_start3A_110 : memref<10240xf32, #tpu.memory_space<vmem_shared>>) offsets(%dma_start3A_108 : memref<112xi32, #tpu.memory_space<vmem>>) semaphore(%arg11 : memref<!tpu.dma_semaphore, #tpu.memory_space<semaphore_mem>>) {add = true}
      %dma_start3A_111 = arith.constant 0 : i32
      %dma_start3A_112 = tpu.memref_slice %arg7[%add3A_105, %dma_start3A_111] : memref<90x112xi32, #tpu.memory_space<vmem>> -> memref<1x112xi32, #tpu.memory_space<vmem>>
      %dma_start3A_113 = tpu.memref_squeeze %dma_start3A_112 : memref<1x112xi32, #tpu.memory_space<vmem>> -> memref<112xi32, #tpu.memory_space<vmem>>
      %dma_start3A_114 = arith.constant 0 : i32
      %dma_start3A_115 = tpu.memref_slice %arg10[%dma_start3A_114] : memref<10240xf32, #tpu.memory_space<vmem_shared>> -> memref<10240xf32, #tpu.memory_space<vmem_shared>>
      tpu.enqueue_indirect_dma source(%arg8 : memref<112xf32, #tpu.memory_space<vmem>>) target(%dma_start3A_115 : memref<10240xf32, #tpu.memory_space<vmem_shared>>) offsets(%dma_start3A_113 : memref<112xi32, #tpu.memory_space<vmem>>) semaphore(%arg11 : memref<!tpu.dma_semaphore, #tpu.memory_space<semaphore_mem>>) {add = true}
      %mul3A_116 = arith.constant 10 : i32
      %mul3A_117 = arith.muli %add3A_18, %mul3A_116 : i32
      %add3A_118 = arith.constant 7 : i32
      %add3A_119 = arith.addi %mul3A_117, %add3A_118 : i32
      %dma_start3A_120 = arith.constant 0 : i32
      %dma_start3A_121 = tpu.memref_slice %arg6[%add3A_119, %dma_start3A_120] : memref<90x112xi32, #tpu.memory_space<vmem>> -> memref<1x112xi32, #tpu.memory_space<vmem>>
      %dma_start3A_122 = tpu.memref_squeeze %dma_start3A_121 : memref<1x112xi32, #tpu.memory_space<vmem>> -> memref<112xi32, #tpu.memory_space<vmem>>
      %dma_start3A_123 = arith.constant 0 : i32
      %dma_start3A_124 = tpu.memref_slice %arg9[%dma_start3A_123] : memref<10240xf32, #tpu.memory_space<vmem_shared>> -> memref<10240xf32, #tpu.memory_space<vmem_shared>>
      tpu.enqueue_indirect_dma source(%arg8 : memref<112xf32, #tpu.memory_space<vmem>>) target(%dma_start3A_124 : memref<10240xf32, #tpu.memory_space<vmem_shared>>) offsets(%dma_start3A_122 : memref<112xi32, #tpu.memory_space<vmem>>) semaphore(%arg11 : memref<!tpu.dma_semaphore, #tpu.memory_space<semaphore_mem>>) {add = true}
      %dma_start3A_125 = arith.constant 0 : i32
      %dma_start3A_126 = tpu.memref_slice %arg7[%add3A_119, %dma_start3A_125] : memref<90x112xi32, #tpu.memory_space<vmem>> -> memref<1x112xi32, #tpu.memory_space<vmem>>
      %dma_start3A_127 = tpu.memref_squeeze %dma_start3A_126 : memref<1x112xi32, #tpu.memory_space<vmem>> -> memref<112xi32, #tpu.memory_space<vmem>>
      %dma_start3A_128 = arith.constant 0 : i32
      %dma_start3A_129 = tpu.memref_slice %arg10[%dma_start3A_128] : memref<10240xf32, #tpu.memory_space<vmem_shared>> -> memref<10240xf32, #tpu.memory_space<vmem_shared>>
      tpu.enqueue_indirect_dma source(%arg8 : memref<112xf32, #tpu.memory_space<vmem>>) target(%dma_start3A_129 : memref<10240xf32, #tpu.memory_space<vmem_shared>>) offsets(%dma_start3A_127 : memref<112xi32, #tpu.memory_space<vmem>>) semaphore(%arg11 : memref<!tpu.dma_semaphore, #tpu.memory_space<semaphore_mem>>) {add = true}
      %mul3A_130 = arith.constant 10 : i32
      %mul3A_131 = arith.muli %add3A_18, %mul3A_130 : i32
      %add3A_132 = arith.constant 8 : i32
      %add3A_133 = arith.addi %mul3A_131, %add3A_132 : i32
      %dma_start3A_134 = arith.constant 0 : i32
      %dma_start3A_135 = tpu.memref_slice %arg6[%add3A_133, %dma_start3A_134] : memref<90x112xi32, #tpu.memory_space<vmem>> -> memref<1x112xi32, #tpu.memory_space<vmem>>
      %dma_start3A_136 = tpu.memref_squeeze %dma_start3A_135 : memref<1x112xi32, #tpu.memory_space<vmem>> -> memref<112xi32, #tpu.memory_space<vmem>>
      %dma_start3A_137 = arith.constant 0 : i32
      %dma_start3A_138 = tpu.memref_slice %arg9[%dma_start3A_137] : memref<10240xf32, #tpu.memory_space<vmem_shared>> -> memref<10240xf32, #tpu.memory_space<vmem_shared>>
      tpu.enqueue_indirect_dma source(%arg8 : memref<112xf32, #tpu.memory_space<vmem>>) target(%dma_start3A_138 : memref<10240xf32, #tpu.memory_space<vmem_shared>>) offsets(%dma_start3A_136 : memref<112xi32, #tpu.memory_space<vmem>>) semaphore(%arg11 : memref<!tpu.dma_semaphore, #tpu.memory_space<semaphore_mem>>) {add = true}
      %dma_start3A_139 = arith.constant 0 : i32
      %dma_start3A_140 = tpu.memref_slice %arg7[%add3A_133, %dma_start3A_139] : memref<90x112xi32, #tpu.memory_space<vmem>> -> memref<1x112xi32, #tpu.memory_space<vmem>>
      %dma_start3A_141 = tpu.memref_squeeze %dma_start3A_140 : memref<1x112xi32, #tpu.memory_space<vmem>> -> memref<112xi32, #tpu.memory_space<vmem>>
      %dma_start3A_142 = arith.constant 0 : i32
      %dma_start3A_143 = tpu.memref_slice %arg10[%dma_start3A_142] : memref<10240xf32, #tpu.memory_space<vmem_shared>> -> memref<10240xf32, #tpu.memory_space<vmem_shared>>
      tpu.enqueue_indirect_dma source(%arg8 : memref<112xf32, #tpu.memory_space<vmem>>) target(%dma_start3A_143 : memref<10240xf32, #tpu.memory_space<vmem_shared>>) offsets(%dma_start3A_141 : memref<112xi32, #tpu.memory_space<vmem>>) semaphore(%arg11 : memref<!tpu.dma_semaphore, #tpu.memory_space<semaphore_mem>>) {add = true}
      %mul3A_144 = arith.constant 10 : i32
      %mul3A_145 = arith.muli %add3A_18, %mul3A_144 : i32
      %add3A_146 = arith.constant 9 : i32
      %add3A_147 = arith.addi %mul3A_145, %add3A_146 : i32
      %dma_start3A_148 = arith.constant 0 : i32
      %dma_start3A_149 = tpu.memref_slice %arg6[%add3A_147, %dma_start3A_148] : memref<90x112xi32, #tpu.memory_space<vmem>> -> memref<1x112xi32, #tpu.memory_space<vmem>>
      %dma_start3A_150 = tpu.memref_squeeze %dma_start3A_149 : memref<1x112xi32, #tpu.memory_space<vmem>> -> memref<112xi32, #tpu.memory_space<vmem>>
      %dma_start3A_151 = arith.constant 0 : i32
      %dma_start3A_152 = tpu.memref_slice %arg9[%dma_start3A_151] : memref<10240xf32, #tpu.memory_space<vmem_shared>> -> memref<10240xf32, #tpu.memory_space<vmem_shared>>
      tpu.enqueue_indirect_dma source(%arg8 : memref<112xf32, #tpu.memory_space<vmem>>) target(%dma_start3A_152 : memref<10240xf32, #tpu.memory_space<vmem_shared>>) offsets(%dma_start3A_150 : memref<112xi32, #tpu.memory_space<vmem>>) semaphore(%arg11 : memref<!tpu.dma_semaphore, #tpu.memory_space<semaphore_mem>>) {add = true}
      %dma_start3A_153 = arith.constant 0 : i32
      %dma_start3A_154 = tpu.memref_slice %arg7[%add3A_147, %dma_start3A_153] : memref<90x112xi32, #tpu.memory_space<vmem>> -> memref<1x112xi32, #tpu.memory_space<vmem>>
      %dma_start3A_155 = tpu.memref_squeeze %dma_start3A_154 : memref<1x112xi32, #tpu.memory_space<vmem>> -> memref<112xi32, #tpu.memory_space<vmem>>
      %dma_start3A_156 = arith.constant 0 : i32
      %dma_start3A_157 = tpu.memref_slice %arg10[%dma_start3A_156] : memref<10240xf32, #tpu.memory_space<vmem_shared>> -> memref<10240xf32, #tpu.memory_space<vmem_shared>>
      tpu.enqueue_indirect_dma source(%arg8 : memref<112xf32, #tpu.memory_space<vmem>>) target(%dma_start3A_157 : memref<10240xf32, #tpu.memory_space<vmem_shared>>) offsets(%dma_start3A_155 : memref<112xi32, #tpu.memory_space<vmem>>) semaphore(%arg11 : memref<!tpu.dma_semaphore, #tpu.memory_space<semaphore_mem>>) {add = true}
      %dma_wait3A = arith.constant 0 : i32
      %dma_wait3A_158 = tpu.memref_slice %arg6[%add3A_22, %dma_wait3A] : memref<90x112xi32, #tpu.memory_space<vmem>> -> memref<1x112xi32, #tpu.memory_space<vmem>>
      %dma_wait3A_159 = tpu.memref_squeeze %dma_wait3A_158 : memref<1x112xi32, #tpu.memory_space<vmem>> -> memref<112xi32, #tpu.memory_space<vmem>>
      %dma_wait3A_160 = arith.constant 0 : i32
      %dma_wait3A_161 = tpu.memref_slice %arg9[%dma_wait3A_160] : memref<10240xf32, #tpu.memory_space<vmem_shared>> -> memref<10240xf32, #tpu.memory_space<vmem_shared>>
      tpu.wait_indirect_dma semaphore(%arg11 : memref<!tpu.dma_semaphore, #tpu.memory_space<semaphore_mem>>) src(%arg8 : memref<112xf32, #tpu.memory_space<vmem>>) dst(%dma_wait3A_161 : memref<10240xf32, #tpu.memory_space<vmem_shared>>)
      %dma_wait3A_162 = arith.constant 0 : i32
      %dma_wait3A_163 = tpu.memref_slice %arg7[%add3A_22, %dma_wait3A_162] : memref<90x112xi32, #tpu.memory_space<vmem>> -> memref<1x112xi32, #tpu.memory_space<vmem>>
      %dma_wait3A_164 = tpu.memref_squeeze %dma_wait3A_163 : memref<1x112xi32, #tpu.memory_space<vmem>> -> memref<112xi32, #tpu.memory_space<vmem>>
      %dma_wait3A_165 = arith.constant 0 : i32
      %dma_wait3A_166 = tpu.memref_slice %arg10[%dma_wait3A_165] : memref<10240xf32, #tpu.memory_space<vmem_shared>> -> memref<10240xf32, #tpu.memory_space<vmem_shared>>
      tpu.wait_indirect_dma semaphore(%arg11 : memref<!tpu.dma_semaphore, #tpu.memory_space<semaphore_mem>>) src(%arg8 : memref<112xf32, #tpu.memory_space<vmem>>) dst(%dma_wait3A_166 : memref<10240xf32, #tpu.memory_space<vmem_shared>>)
      %dma_wait3A_167 = arith.constant 0 : i32
      %dma_wait3A_168 = tpu.memref_slice %arg6[%add3A_35, %dma_wait3A_167] : memref<90x112xi32, #tpu.memory_space<vmem>> -> memref<1x112xi32, #tpu.memory_space<vmem>>
      %dma_wait3A_169 = tpu.memref_squeeze %dma_wait3A_168 : memref<1x112xi32, #tpu.memory_space<vmem>> -> memref<112xi32, #tpu.memory_space<vmem>>
      %dma_wait3A_170 = arith.constant 0 : i32
      %dma_wait3A_171 = tpu.memref_slice %arg9[%dma_wait3A_170] : memref<10240xf32, #tpu.memory_space<vmem_shared>> -> memref<10240xf32, #tpu.memory_space<vmem_shared>>
      tpu.wait_indirect_dma semaphore(%arg11 : memref<!tpu.dma_semaphore, #tpu.memory_space<semaphore_mem>>) src(%arg8 : memref<112xf32, #tpu.memory_space<vmem>>) dst(%dma_wait3A_171 : memref<10240xf32, #tpu.memory_space<vmem_shared>>)
      %dma_wait3A_172 = arith.constant 0 : i32
      %dma_wait3A_173 = tpu.memref_slice %arg7[%add3A_35, %dma_wait3A_172] : memref<90x112xi32, #tpu.memory_space<vmem>> -> memref<1x112xi32, #tpu.memory_space<vmem>>
      %dma_wait3A_174 = tpu.memref_squeeze %dma_wait3A_173 : memref<1x112xi32, #tpu.memory_space<vmem>> -> memref<112xi32, #tpu.memory_space<vmem>>
      %dma_wait3A_175 = arith.constant 0 : i32
      %dma_wait3A_176 = tpu.memref_slice %arg10[%dma_wait3A_175] : memref<10240xf32, #tpu.memory_space<vmem_shared>> -> memref<10240xf32, #tpu.memory_space<vmem_shared>>
      tpu.wait_indirect_dma semaphore(%arg11 : memref<!tpu.dma_semaphore, #tpu.memory_space<semaphore_mem>>) src(%arg8 : memref<112xf32, #tpu.memory_space<vmem>>) dst(%dma_wait3A_176 : memref<10240xf32, #tpu.memory_space<vmem_shared>>)
      %dma_wait3A_177 = arith.constant 0 : i32
      %dma_wait3A_178 = tpu.memref_slice %arg6[%add3A_49, %dma_wait3A_177] : memref<90x112xi32, #tpu.memory_space<vmem>> -> memref<1x112xi32, #tpu.memory_space<vmem>>
      %dma_wait3A_179 = tpu.memref_squeeze %dma_wait3A_178 : memref<1x112xi32, #tpu.memory_space<vmem>> -> memref<112xi32, #tpu.memory_space<vmem>>
      %dma_wait3A_180 = arith.constant 0 : i32
      %dma_wait3A_181 = tpu.memref_slice %arg9[%dma_wait3A_180] : memref<10240xf32, #tpu.memory_space<vmem_shared>> -> memref<10240xf32, #tpu.memory_space<vmem_shared>>
      tpu.wait_indirect_dma semaphore(%arg11 : memref<!tpu.dma_semaphore, #tpu.memory_space<semaphore_mem>>) src(%arg8 : memref<112xf32, #tpu.memory_space<vmem>>) dst(%dma_wait3A_181 : memref<10240xf32, #tpu.memory_space<vmem_shared>>)
      %dma_wait3A_182 = arith.constant 0 : i32
      %dma_wait3A_183 = tpu.memref_slice %arg7[%add3A_49, %dma_wait3A_182] : memref<90x112xi32, #tpu.memory_space<vmem>> -> memref<1x112xi32, #tpu.memory_space<vmem>>
      %dma_wait3A_184 = tpu.memref_squeeze %dma_wait3A_183 : memref<1x112xi32, #tpu.memory_space<vmem>> -> memref<112xi32, #tpu.memory_space<vmem>>
      %dma_wait3A_185 = arith.constant 0 : i32
      %dma_wait3A_186 = tpu.memref_slice %arg10[%dma_wait3A_185] : memref<10240xf32, #tpu.memory_space<vmem_shared>> -> memref<10240xf32, #tpu.memory_space<vmem_shared>>
      tpu.wait_indirect_dma semaphore(%arg11 : memref<!tpu.dma_semaphore, #tpu.memory_space<semaphore_mem>>) src(%arg8 : memref<112xf32, #tpu.memory_space<vmem>>) dst(%dma_wait3A_186 : memref<10240xf32, #tpu.memory_space<vmem_shared>>)
      %dma_wait3A_187 = arith.constant 0 : i32
      %dma_wait3A_188 = tpu.memref_slice %arg6[%add3A_63, %dma_wait3A_187] : memref<90x112xi32, #tpu.memory_space<vmem>> -> memref<1x112xi32, #tpu.memory_space<vmem>>
      %dma_wait3A_189 = tpu.memref_squeeze %dma_wait3A_188 : memref<1x112xi32, #tpu.memory_space<vmem>> -> memref<112xi32, #tpu.memory_space<vmem>>
      %dma_wait3A_190 = arith.constant 0 : i32
      %dma_wait3A_191 = tpu.memref_slice %arg9[%dma_wait3A_190] : memref<10240xf32, #tpu.memory_space<vmem_shared>> -> memref<10240xf32, #tpu.memory_space<vmem_shared>>
      tpu.wait_indirect_dma semaphore(%arg11 : memref<!tpu.dma_semaphore, #tpu.memory_space<semaphore_mem>>) src(%arg8 : memref<112xf32, #tpu.memory_space<vmem>>) dst(%dma_wait3A_191 : memref<10240xf32, #tpu.memory_space<vmem_shared>>)
      %dma_wait3A_192 = arith.constant 0 : i32
      %dma_wait3A_193 = tpu.memref_slice %arg7[%add3A_63, %dma_wait3A_192] : memref<90x112xi32, #tpu.memory_space<vmem>> -> memref<1x112xi32, #tpu.memory_space<vmem>>
      %dma_wait3A_194 = tpu.memref_squeeze %dma_wait3A_193 : memref<1x112xi32, #tpu.memory_space<vmem>> -> memref<112xi32, #tpu.memory_space<vmem>>
      %dma_wait3A_195 = arith.constant 0 : i32
      %dma_wait3A_196 = tpu.memref_slice %arg10[%dma_wait3A_195] : memref<10240xf32, #tpu.memory_space<vmem_shared>> -> memref<10240xf32, #tpu.memory_space<vmem_shared>>
      tpu.wait_indirect_dma semaphore(%arg11 : memref<!tpu.dma_semaphore, #tpu.memory_space<semaphore_mem>>) src(%arg8 : memref<112xf32, #tpu.memory_space<vmem>>) dst(%dma_wait3A_196 : memref<10240xf32, #tpu.memory_space<vmem_shared>>)
      %dma_wait3A_197 = arith.constant 0 : i32
      %dma_wait3A_198 = tpu.memref_slice %arg6[%add3A_77, %dma_wait3A_197] : memref<90x112xi32, #tpu.memory_space<vmem>> -> memref<1x112xi32, #tpu.memory_space<vmem>>
      %dma_wait3A_199 = tpu.memref_squeeze %dma_wait3A_198 : memref<1x112xi32, #tpu.memory_space<vmem>> -> memref<112xi32, #tpu.memory_space<vmem>>
      %dma_wait3A_200 = arith.constant 0 : i32
      %dma_wait3A_201 = tpu.memref_slice %arg9[%dma_wait3A_200] : memref<10240xf32, #tpu.memory_space<vmem_shared>> -> memref<10240xf32, #tpu.memory_space<vmem_shared>>
      tpu.wait_indirect_dma semaphore(%arg11 : memref<!tpu.dma_semaphore, #tpu.memory_space<semaphore_mem>>) src(%arg8 : memref<112xf32, #tpu.memory_space<vmem>>) dst(%dma_wait3A_201 : memref<10240xf32, #tpu.memory_space<vmem_shared>>)
      %dma_wait3A_202 = arith.constant 0 : i32
      %dma_wait3A_203 = tpu.memref_slice %arg7[%add3A_77, %dma_wait3A_202] : memref<90x112xi32, #tpu.memory_space<vmem>> -> memref<1x112xi32, #tpu.memory_space<vmem>>
      %dma_wait3A_204 = tpu.memref_squeeze %dma_wait3A_203 : memref<1x112xi32, #tpu.memory_space<vmem>> -> memref<112xi32, #tpu.memory_space<vmem>>
      %dma_wait3A_205 = arith.constant 0 : i32
      %dma_wait3A_206 = tpu.memref_slice %arg10[%dma_wait3A_205] : memref<10240xf32, #tpu.memory_space<vmem_shared>> -> memref<10240xf32, #tpu.memory_space<vmem_shared>>
      tpu.wait_indirect_dma semaphore(%arg11 : memref<!tpu.dma_semaphore, #tpu.memory_space<semaphore_mem>>) src(%arg8 : memref<112xf32, #tpu.memory_space<vmem>>) dst(%dma_wait3A_206 : memref<10240xf32, #tpu.memory_space<vmem_shared>>)
      %dma_wait3A_207 = arith.constant 0 : i32
      %dma_wait3A_208 = tpu.memref_slice %arg6[%add3A_91, %dma_wait3A_207] : memref<90x112xi32, #tpu.memory_space<vmem>> -> memref<1x112xi32, #tpu.memory_space<vmem>>
      %dma_wait3A_209 = tpu.memref_squeeze %dma_wait3A_208 : memref<1x112xi32, #tpu.memory_space<vmem>> -> memref<112xi32, #tpu.memory_space<vmem>>
      %dma_wait3A_210 = arith.constant 0 : i32
      %dma_wait3A_211 = tpu.memref_slice %arg9[%dma_wait3A_210] : memref<10240xf32, #tpu.memory_space<vmem_shared>> -> memref<10240xf32, #tpu.memory_space<vmem_shared>>
      tpu.wait_indirect_dma semaphore(%arg11 : memref<!tpu.dma_semaphore, #tpu.memory_space<semaphore_mem>>) src(%arg8 : memref<112xf32, #tpu.memory_space<vmem>>) dst(%dma_wait3A_211 : memref<10240xf32, #tpu.memory_space<vmem_shared>>)
      %dma_wait3A_212 = arith.constant 0 : i32
      %dma_wait3A_213 = tpu.memref_slice %arg7[%add3A_91, %dma_wait3A_212] : memref<90x112xi32, #tpu.memory_space<vmem>> -> memref<1x112xi32, #tpu.memory_space<vmem>>
      %dma_wait3A_214 = tpu.memref_squeeze %dma_wait3A_213 : memref<1x112xi32, #tpu.memory_space<vmem>> -> memref<112xi32, #tpu.memory_space<vmem>>
      %dma_wait3A_215 = arith.constant 0 : i32
      %dma_wait3A_216 = tpu.memref_slice %arg10[%dma_wait3A_215] : memref<10240xf32, #tpu.memory_space<vmem_shared>> -> memref<10240xf32, #tpu.memory_space<vmem_shared>>
      tpu.wait_indirect_dma semaphore(%arg11 : memref<!tpu.dma_semaphore, #tpu.memory_space<semaphore_mem>>) src(%arg8 : memref<112xf32, #tpu.memory_space<vmem>>) dst(%dma_wait3A_216 : memref<10240xf32, #tpu.memory_space<vmem_shared>>)
      %dma_wait3A_217 = arith.constant 0 : i32
      %dma_wait3A_218 = tpu.memref_slice %arg6[%add3A_105, %dma_wait3A_217] : memref<90x112xi32, #tpu.memory_space<vmem>> -> memref<1x112xi32, #tpu.memory_space<vmem>>
      %dma_wait3A_219 = tpu.memref_squeeze %dma_wait3A_218 : memref<1x112xi32, #tpu.memory_space<vmem>> -> memref<112xi32, #tpu.memory_space<vmem>>
      %dma_wait3A_220 = arith.constant 0 : i32
      %dma_wait3A_221 = tpu.memref_slice %arg9[%dma_wait3A_220] : memref<10240xf32, #tpu.memory_space<vmem_shared>> -> memref<10240xf32, #tpu.memory_space<vmem_shared>>
      tpu.wait_indirect_dma semaphore(%arg11 : memref<!tpu.dma_semaphore, #tpu.memory_space<semaphore_mem>>) src(%arg8 : memref<112xf32, #tpu.memory_space<vmem>>) dst(%dma_wait3A_221 : memref<10240xf32, #tpu.memory_space<vmem_shared>>)
      %dma_wait3A_222 = arith.constant 0 : i32
      %dma_wait3A_223 = tpu.memref_slice %arg7[%add3A_105, %dma_wait3A_222] : memref<90x112xi32, #tpu.memory_space<vmem>> -> memref<1x112xi32, #tpu.memory_space<vmem>>
      %dma_wait3A_224 = tpu.memref_squeeze %dma_wait3A_223 : memref<1x112xi32, #tpu.memory_space<vmem>> -> memref<112xi32, #tpu.memory_space<vmem>>
      %dma_wait3A_225 = arith.constant 0 : i32
      %dma_wait3A_226 = tpu.memref_slice %arg10[%dma_wait3A_225] : memref<10240xf32, #tpu.memory_space<vmem_shared>> -> memref<10240xf32, #tpu.memory_space<vmem_shared>>
      tpu.wait_indirect_dma semaphore(%arg11 : memref<!tpu.dma_semaphore, #tpu.memory_space<semaphore_mem>>) src(%arg8 : memref<112xf32, #tpu.memory_space<vmem>>) dst(%dma_wait3A_226 : memref<10240xf32, #tpu.memory_space<vmem_shared>>)
      %dma_wait3A_227 = arith.constant 0 : i32
      %dma_wait3A_228 = tpu.memref_slice %arg6[%add3A_119, %dma_wait3A_227] : memref<90x112xi32, #tpu.memory_space<vmem>> -> memref<1x112xi32, #tpu.memory_space<vmem>>
      %dma_wait3A_229 = tpu.memref_squeeze %dma_wait3A_228 : memref<1x112xi32, #tpu.memory_space<vmem>> -> memref<112xi32, #tpu.memory_space<vmem>>
      %dma_wait3A_230 = arith.constant 0 : i32
      %dma_wait3A_231 = tpu.memref_slice %arg9[%dma_wait3A_230] : memref<10240xf32, #tpu.memory_space<vmem_shared>> -> memref<10240xf32, #tpu.memory_space<vmem_shared>>
      tpu.wait_indirect_dma semaphore(%arg11 : memref<!tpu.dma_semaphore, #tpu.memory_space<semaphore_mem>>) src(%arg8 : memref<112xf32, #tpu.memory_space<vmem>>) dst(%dma_wait3A_231 : memref<10240xf32, #tpu.memory_space<vmem_shared>>)
      %dma_wait3A_232 = arith.constant 0 : i32
      %dma_wait3A_233 = tpu.memref_slice %arg7[%add3A_119, %dma_wait3A_232] : memref<90x112xi32, #tpu.memory_space<vmem>> -> memref<1x112xi32, #tpu.memory_space<vmem>>
      %dma_wait3A_234 = tpu.memref_squeeze %dma_wait3A_233 : memref<1x112xi32, #tpu.memory_space<vmem>> -> memref<112xi32, #tpu.memory_space<vmem>>
      %dma_wait3A_235 = arith.constant 0 : i32
      %dma_wait3A_236 = tpu.memref_slice %arg10[%dma_wait3A_235] : memref<10240xf32, #tpu.memory_space<vmem_shared>> -> memref<10240xf32, #tpu.memory_space<vmem_shared>>
      tpu.wait_indirect_dma semaphore(%arg11 : memref<!tpu.dma_semaphore, #tpu.memory_space<semaphore_mem>>) src(%arg8 : memref<112xf32, #tpu.memory_space<vmem>>) dst(%dma_wait3A_236 : memref<10240xf32, #tpu.memory_space<vmem_shared>>)
      %dma_wait3A_237 = arith.constant 0 : i32
      %dma_wait3A_238 = tpu.memref_slice %arg6[%add3A_133, %dma_wait3A_237] : memref<90x112xi32, #tpu.memory_space<vmem>> -> memref<1x112xi32, #tpu.memory_space<vmem>>
      %dma_wait3A_239 = tpu.memref_squeeze %dma_wait3A_238 : memref<1x112xi32, #tpu.memory_space<vmem>> -> memref<112xi32, #tpu.memory_space<vmem>>
      %dma_wait3A_240 = arith.constant 0 : i32
      %dma_wait3A_241 = tpu.memref_slice %arg9[%dma_wait3A_240] : memref<10240xf32, #tpu.memory_space<vmem_shared>> -> memref<10240xf32, #tpu.memory_space<vmem_shared>>
      tpu.wait_indirect_dma semaphore(%arg11 : memref<!tpu.dma_semaphore, #tpu.memory_space<semaphore_mem>>) src(%arg8 : memref<112xf32, #tpu.memory_space<vmem>>) dst(%dma_wait3A_241 : memref<10240xf32, #tpu.memory_space<vmem_shared>>)
      %dma_wait3A_242 = arith.constant 0 : i32
      %dma_wait3A_243 = tpu.memref_slice %arg7[%add3A_133, %dma_wait3A_242] : memref<90x112xi32, #tpu.memory_space<vmem>> -> memref<1x112xi32, #tpu.memory_space<vmem>>
      %dma_wait3A_244 = tpu.memref_squeeze %dma_wait3A_243 : memref<1x112xi32, #tpu.memory_space<vmem>> -> memref<112xi32, #tpu.memory_space<vmem>>
      %dma_wait3A_245 = arith.constant 0 : i32
      %dma_wait3A_246 = tpu.memref_slice %arg10[%dma_wait3A_245] : memref<10240xf32, #tpu.memory_space<vmem_shared>> -> memref<10240xf32, #tpu.memory_space<vmem_shared>>
      tpu.wait_indirect_dma semaphore(%arg11 : memref<!tpu.dma_semaphore, #tpu.memory_space<semaphore_mem>>) src(%arg8 : memref<112xf32, #tpu.memory_space<vmem>>) dst(%dma_wait3A_246 : memref<10240xf32, #tpu.memory_space<vmem_shared>>)
      %dma_wait3A_247 = arith.constant 0 : i32
      %dma_wait3A_248 = tpu.memref_slice %arg6[%add3A_147, %dma_wait3A_247] : memref<90x112xi32, #tpu.memory_space<vmem>> -> memref<1x112xi32, #tpu.memory_space<vmem>>
      %dma_wait3A_249 = tpu.memref_squeeze %dma_wait3A_248 : memref<1x112xi32, #tpu.memory_space<vmem>> -> memref<112xi32, #tpu.memory_space<vmem>>
      %dma_wait3A_250 = arith.constant 0 : i32
      %dma_wait3A_251 = tpu.memref_slice %arg9[%dma_wait3A_250] : memref<10240xf32, #tpu.memory_space<vmem_shared>> -> memref<10240xf32, #tpu.memory_space<vmem_shared>>
      tpu.wait_indirect_dma semaphore(%arg11 : memref<!tpu.dma_semaphore, #tpu.memory_space<semaphore_mem>>) src(%arg8 : memref<112xf32, #tpu.memory_space<vmem>>) dst(%dma_wait3A_251 : memref<10240xf32, #tpu.memory_space<vmem_shared>>)
      %dma_wait3A_252 = arith.constant 0 : i32
      %dma_wait3A_253 = tpu.memref_slice %arg7[%add3A_147, %dma_wait3A_252] : memref<90x112xi32, #tpu.memory_space<vmem>> -> memref<1x112xi32, #tpu.memory_space<vmem>>
      %dma_wait3A_254 = tpu.memref_squeeze %dma_wait3A_253 : memref<1x112xi32, #tpu.memory_space<vmem>> -> memref<112xi32, #tpu.memory_space<vmem>>
      %dma_wait3A_255 = arith.constant 0 : i32
      %dma_wait3A_256 = tpu.memref_slice %arg10[%dma_wait3A_255] : memref<10240xf32, #tpu.memory_space<vmem_shared>> -> memref<10240xf32, #tpu.memory_space<vmem_shared>>
      tpu.wait_indirect_dma semaphore(%arg11 : memref<!tpu.dma_semaphore, #tpu.memory_space<semaphore_mem>>) src(%arg8 : memref<112xf32, #tpu.memory_space<vmem>>) dst(%dma_wait3A_256 : memref<10240xf32, #tpu.memory_space<vmem_shared>>)
    }
    %scan3A_12 = arith.constant 9 : i32
    %barrier3A_13 = arith.constant 0 : index
    tpu.barrier barrier_id(%barrier3A_13)
    "tpu.region"() ({
      %run_scoped3A_14 = tpu.sem_alloc : memref<!tpu.dma_semaphore, #tpu.memory_space<semaphore_mem>>
      %dma_start3A = tpu.memref_slice %arg4[%arg0, %mul3A_2] : memref<2x10240xf32, #tpu.memory_space<hbm>> -> memref<1x640xf32, #tpu.memory_space<hbm>>
      %dma_start3A_15 = tpu.memref_squeeze %dma_start3A : memref<1x640xf32, #tpu.memory_space<hbm>> -> memref<640xf32, #tpu.memory_space<hbm>>
      %dma_start3A_16 = tpu.memref_slice %arg9[%mul3A_2] : memref<10240xf32, #tpu.memory_space<vmem_shared>> -> memref<640xf32, #tpu.memory_space<vmem_shared>>
      tpu.enqueue_dma source(%dma_start3A_16 : memref<640xf32, #tpu.memory_space<vmem_shared>>) target(%dma_start3A_15 : memref<640xf32, #tpu.memory_space<hbm>>) target_semaphore(%run_scoped3A_14 : memref<!tpu.dma_semaphore, #tpu.memory_space<semaphore_mem>>)
      %dma_wait3A = tpu.memref_slice %arg4[%arg0, %mul3A_2] : memref<2x10240xf32, #tpu.memory_space<hbm>> -> memref<1x640xf32, #tpu.memory_space<hbm>>
      %dma_wait3A_17 = tpu.memref_squeeze %dma_wait3A : memref<1x640xf32, #tpu.memory_space<hbm>> -> memref<640xf32, #tpu.memory_space<hbm>>
      %dma_wait3A_18 = tpu.memref_slice %arg9[%mul3A_2] : memref<10240xf32, #tpu.memory_space<vmem_shared>> -> memref<640xf32, #tpu.memory_space<vmem_shared>>
      tpu.wait_dma2 semaphore(%run_scoped3A_14 : memref<!tpu.dma_semaphore, #tpu.memory_space<semaphore_mem>>) src(%dma_wait3A_18 : memref<640xf32, #tpu.memory_space<vmem_shared>>) dst(%dma_wait3A_17 : memref<640xf32, #tpu.memory_space<hbm>>)
      tpu.yield
    }) : () -> ()
    "tpu.region"() ({
      %run_scoped3A_14 = tpu.sem_alloc : memref<!tpu.dma_semaphore, #tpu.memory_space<semaphore_mem>>
      %dma_start3A = tpu.memref_slice %arg5[%arg0, %mul3A_2] : memref<2x10240xf32, #tpu.memory_space<hbm>> -> memref<1x640xf32, #tpu.memory_space<hbm>>
      %dma_start3A_15 = tpu.memref_squeeze %dma_start3A : memref<1x640xf32, #tpu.memory_space<hbm>> -> memref<640xf32, #tpu.memory_space<hbm>>
      %dma_start3A_16 = tpu.memref_slice %arg10[%mul3A_2] : memref<10240xf32, #tpu.memory_space<vmem_shared>> -> memref<640xf32, #tpu.memory_space<vmem_shared>>
      tpu.enqueue_dma source(%dma_start3A_16 : memref<640xf32, #tpu.memory_space<vmem_shared>>) target(%dma_start3A_15 : memref<640xf32, #tpu.memory_space<hbm>>) target_semaphore(%run_scoped3A_14 : memref<!tpu.dma_semaphore, #tpu.memory_space<semaphore_mem>>)
      %dma_wait3A = tpu.memref_slice %arg5[%arg0, %mul3A_2] : memref<2x10240xf32, #tpu.memory_space<hbm>> -> memref<1x640xf32, #tpu.memory_space<hbm>>
      %dma_wait3A_17 = tpu.memref_squeeze %dma_wait3A : memref<1x640xf32, #tpu.memory_space<hbm>> -> memref<640xf32, #tpu.memory_space<hbm>>
      %dma_wait3A_18 = tpu.memref_slice %arg10[%mul3A_2] : memref<10240xf32, #tpu.memory_space<vmem_shared>> -> memref<640xf32, #tpu.memory_space<vmem_shared>>
      tpu.wait_dma2 semaphore(%run_scoped3A_14 : memref<!tpu.dma_semaphore, #tpu.memory_space<semaphore_mem>>) src(%dma_wait3A_18 : memref<640xf32, #tpu.memory_space<vmem_shared>>) dst(%dma_wait3A_17 : memref<640xf32, #tpu.memory_space<hbm>>)
      tpu.yield
    }) : () -> ()
    return
  }
}

#map = affine_map<(d0, d1) -> (0, 0, 0, 0)>
#map1 = affine_map<(d0, d1) -> (0, 0)>
#map2 = affine_map<(d0, d1) -> (0, 0, 0)>
module attributes {stable_mosaic.version = 14 : i64} {
  func.func @prop_kernel(%arg0: i32, %arg1: i32, %arg2: memref<2x32x90x112xi32, #tpu.memory_space<hbm>>, %arg3: memref<10240x128xf32, #tpu.memory_space<hbm>>, %arg4: memref<640x128xf32, #tpu.memory_space<hbm>>, %arg5: memref<2x10240x128xf32, #tpu.memory_space<hbm>>, %arg6: memref<3x112xi32, #tpu.memory_space<vmem>>, %arg7: memref<3x112xi32, #tpu.memory_space<vmem>>, %arg8: memref<112x128xf32, #tpu.memory_space<vmem>>, %arg9: memref<112x128xf32, #tpu.memory_space<vmem>>, %arg10: memref<112x128xf32, #tpu.memory_space<vmem>>, %arg11: memref<!tpu.dma_semaphore, #tpu.memory_space<semaphore_mem>>, %arg12: memref<!tpu.dma_semaphore, #tpu.memory_space<semaphore_mem>>, %arg13: memref<!tpu.dma_semaphore, #tpu.memory_space<semaphore_mem>>, %arg14: memref<!tpu.dma_semaphore, #tpu.memory_space<semaphore_mem>>, %arg15: memref<!tpu.dma_semaphore, #tpu.memory_space<semaphore_mem>>, %arg16: memref<!tpu.dma_semaphore, #tpu.memory_space<semaphore_mem>>, %arg17: memref<!tpu.dma_semaphore, #tpu.memory_space<semaphore_mem>>, %arg18: memref<!tpu.dma_semaphore, #tpu.memory_space<semaphore_mem>>, %arg19: memref<!tpu.dma_semaphore, #tpu.memory_space<semaphore_mem>>, %arg20: memref<10240x128xf32, #tpu.memory_space<vmem_shared>>) attributes {dimension_semantics = [#tpu.dimension_semantics<core_parallel>, #tpu.dimension_semantics<subcore_parallel>], iteration_bounds = array<i64: 2, 16>, scalar_prefetch = 0 : i64, scratch_operands = 15 : i64, tpu.core_type = #tpu.core_type<sc_vector_subcore>, window_params = [{transform_indices = #map}, {transform_indices = #map1}, {transform_indices = #map1}, {transform_indices = #map2}]} {
    %mul3A = arith.constant 16 : i32
    %mul3A_0 = arith.muli %arg0, %mul3A : i32
    %add3A = arith.addi %mul3A_0, %arg1 : i32
    %mul3A_1 = arith.constant 640 : i32
    %mul3A_2 = arith.muli %arg1, %mul3A_1 : i32
    %run_scoped3A = arith.constant 0 : i32
    %run_scoped3A_3 = arith.constant 0 : i32
    %run_scoped3A_4 = arith.constant 0 : i32
    "tpu.region"() ({
      %run_scoped3A_92 = tpu.sem_alloc : memref<!tpu.dma_semaphore, #tpu.memory_space<semaphore_mem>>
      %dma_start3A_93 = arith.constant 0 : i32
      %dma_start3A_94 = tpu.memref_slice %arg6[%run_scoped3A_4, %dma_start3A_93] : memref<3x112xi32, #tpu.memory_space<vmem>> -> memref<1x112xi32, #tpu.memory_space<vmem>>
      %dma_start3A_95 = tpu.memref_squeeze %dma_start3A_94 : memref<1x112xi32, #tpu.memory_space<vmem>> -> memref<112xi32, #tpu.memory_space<vmem>>
      %dma_start3A_96 = arith.constant 0 : i32
      %dma_start3A_97 = tpu.memref_slice %arg2[%run_scoped3A, %add3A, %run_scoped3A_3, %dma_start3A_96] : memref<2x32x90x112xi32, #tpu.memory_space<hbm>> -> memref<1x1x1x112xi32, #tpu.memory_space<hbm>>
      %dma_start3A_98 = tpu.memref_squeeze %dma_start3A_97 : memref<1x1x1x112xi32, #tpu.memory_space<hbm>> -> memref<112xi32, #tpu.memory_space<hbm>>
      %dma_start3A_99 = arith.constant 0 : i32
      %dma_start3A_100 = tpu.memref_slice %arg6[%run_scoped3A_4, %dma_start3A_99] : memref<3x112xi32, #tpu.memory_space<vmem>> -> memref<1x112xi32, #tpu.memory_space<vmem>>
      %dma_start3A_101 = tpu.memref_squeeze %dma_start3A_100 : memref<1x112xi32, #tpu.memory_space<vmem>> -> memref<112xi32, #tpu.memory_space<vmem>>
      %dma_start3A_102 = arith.constant 0 : i32
      %dma_start3A_103 = tpu.memref_slice %arg2[%run_scoped3A, %add3A, %run_scoped3A_3, %dma_start3A_102] : memref<2x32x90x112xi32, #tpu.memory_space<hbm>> -> memref<1x1x1x112xi32, #tpu.memory_space<hbm>>
      %dma_start3A_104 = tpu.memref_squeeze %dma_start3A_103 : memref<1x1x1x112xi32, #tpu.memory_space<hbm>> -> memref<112xi32, #tpu.memory_space<hbm>>
      tpu.enqueue_dma source(%dma_start3A_104 : memref<112xi32, #tpu.memory_space<hbm>>) target(%dma_start3A_101 : memref<112xi32, #tpu.memory_space<vmem>>) target_semaphore(%run_scoped3A_92 : memref<!tpu.dma_semaphore, #tpu.memory_space<semaphore_mem>>)
      %dma_wait3A_105 = arith.constant 0 : i32
      %dma_wait3A_106 = tpu.memref_slice %arg6[%run_scoped3A_4, %dma_wait3A_105] : memref<3x112xi32, #tpu.memory_space<vmem>> -> memref<1x112xi32, #tpu.memory_space<vmem>>
      %dma_wait3A_107 = tpu.memref_squeeze %dma_wait3A_106 : memref<1x112xi32, #tpu.memory_space<vmem>> -> memref<112xi32, #tpu.memory_space<vmem>>
      %dma_wait3A_108 = arith.constant 0 : i32
      %dma_wait3A_109 = tpu.memref_slice %arg2[%run_scoped3A, %add3A, %run_scoped3A_3, %dma_wait3A_108] : memref<2x32x90x112xi32, #tpu.memory_space<hbm>> -> memref<1x1x1x112xi32, #tpu.memory_space<hbm>>
      %dma_wait3A_110 = tpu.memref_squeeze %dma_wait3A_109 : memref<1x1x1x112xi32, #tpu.memory_space<hbm>> -> memref<112xi32, #tpu.memory_space<hbm>>
      %dma_wait3A_111 = arith.constant 0 : i32
      %dma_wait3A_112 = tpu.memref_slice %arg6[%run_scoped3A_4, %dma_wait3A_111] : memref<3x112xi32, #tpu.memory_space<vmem>> -> memref<1x112xi32, #tpu.memory_space<vmem>>
      %dma_wait3A_113 = tpu.memref_squeeze %dma_wait3A_112 : memref<1x112xi32, #tpu.memory_space<vmem>> -> memref<112xi32, #tpu.memory_space<vmem>>
      %dma_wait3A_114 = arith.constant 0 : i32
      %dma_wait3A_115 = tpu.memref_slice %arg2[%run_scoped3A, %add3A, %run_scoped3A_3, %dma_wait3A_114] : memref<2x32x90x112xi32, #tpu.memory_space<hbm>> -> memref<1x1x1x112xi32, #tpu.memory_space<hbm>>
      %dma_wait3A_116 = tpu.memref_squeeze %dma_wait3A_115 : memref<1x1x1x112xi32, #tpu.memory_space<hbm>> -> memref<112xi32, #tpu.memory_space<hbm>>
      tpu.wait_dma2 semaphore(%run_scoped3A_92 : memref<!tpu.dma_semaphore, #tpu.memory_space<semaphore_mem>>) src(%dma_wait3A_116 : memref<112xi32, #tpu.memory_space<hbm>>) dst(%dma_wait3A_113 : memref<112xi32, #tpu.memory_space<vmem>>)
      tpu.yield
    }) : () -> ()
    %run_scoped3A_5 = arith.constant 1 : i32
    %run_scoped3A_6 = arith.constant 0 : i32
    %run_scoped3A_7 = arith.constant 0 : i32
    "tpu.region"() ({
      %run_scoped3A_92 = tpu.sem_alloc : memref<!tpu.dma_semaphore, #tpu.memory_space<semaphore_mem>>
      %dma_start3A_93 = arith.constant 0 : i32
      %dma_start3A_94 = tpu.memref_slice %arg7[%run_scoped3A_7, %dma_start3A_93] : memref<3x112xi32, #tpu.memory_space<vmem>> -> memref<1x112xi32, #tpu.memory_space<vmem>>
      %dma_start3A_95 = tpu.memref_squeeze %dma_start3A_94 : memref<1x112xi32, #tpu.memory_space<vmem>> -> memref<112xi32, #tpu.memory_space<vmem>>
      %dma_start3A_96 = arith.constant 0 : i32
      %dma_start3A_97 = tpu.memref_slice %arg2[%run_scoped3A_5, %add3A, %run_scoped3A_6, %dma_start3A_96] : memref<2x32x90x112xi32, #tpu.memory_space<hbm>> -> memref<1x1x1x112xi32, #tpu.memory_space<hbm>>
      %dma_start3A_98 = tpu.memref_squeeze %dma_start3A_97 : memref<1x1x1x112xi32, #tpu.memory_space<hbm>> -> memref<112xi32, #tpu.memory_space<hbm>>
      %dma_start3A_99 = arith.constant 0 : i32
      %dma_start3A_100 = tpu.memref_slice %arg7[%run_scoped3A_7, %dma_start3A_99] : memref<3x112xi32, #tpu.memory_space<vmem>> -> memref<1x112xi32, #tpu.memory_space<vmem>>
      %dma_start3A_101 = tpu.memref_squeeze %dma_start3A_100 : memref<1x112xi32, #tpu.memory_space<vmem>> -> memref<112xi32, #tpu.memory_space<vmem>>
      %dma_start3A_102 = arith.constant 0 : i32
      %dma_start3A_103 = tpu.memref_slice %arg2[%run_scoped3A_5, %add3A, %run_scoped3A_6, %dma_start3A_102] : memref<2x32x90x112xi32, #tpu.memory_space<hbm>> -> memref<1x1x1x112xi32, #tpu.memory_space<hbm>>
      %dma_start3A_104 = tpu.memref_squeeze %dma_start3A_103 : memref<1x1x1x112xi32, #tpu.memory_space<hbm>> -> memref<112xi32, #tpu.memory_space<hbm>>
      tpu.enqueue_dma source(%dma_start3A_104 : memref<112xi32, #tpu.memory_space<hbm>>) target(%dma_start3A_101 : memref<112xi32, #tpu.memory_space<vmem>>) target_semaphore(%run_scoped3A_92 : memref<!tpu.dma_semaphore, #tpu.memory_space<semaphore_mem>>)
      %dma_wait3A_105 = arith.constant 0 : i32
      %dma_wait3A_106 = tpu.memref_slice %arg7[%run_scoped3A_7, %dma_wait3A_105] : memref<3x112xi32, #tpu.memory_space<vmem>> -> memref<1x112xi32, #tpu.memory_space<vmem>>
      %dma_wait3A_107 = tpu.memref_squeeze %dma_wait3A_106 : memref<1x112xi32, #tpu.memory_space<vmem>> -> memref<112xi32, #tpu.memory_space<vmem>>
      %dma_wait3A_108 = arith.constant 0 : i32
      %dma_wait3A_109 = tpu.memref_slice %arg2[%run_scoped3A_5, %add3A, %run_scoped3A_6, %dma_wait3A_108] : memref<2x32x90x112xi32, #tpu.memory_space<hbm>> -> memref<1x1x1x112xi32, #tpu.memory_space<hbm>>
      %dma_wait3A_110 = tpu.memref_squeeze %dma_wait3A_109 : memref<1x1x1x112xi32, #tpu.memory_space<hbm>> -> memref<112xi32, #tpu.memory_space<hbm>>
      %dma_wait3A_111 = arith.constant 0 : i32
      %dma_wait3A_112 = tpu.memref_slice %arg7[%run_scoped3A_7, %dma_wait3A_111] : memref<3x112xi32, #tpu.memory_space<vmem>> -> memref<1x112xi32, #tpu.memory_space<vmem>>
      %dma_wait3A_113 = tpu.memref_squeeze %dma_wait3A_112 : memref<1x112xi32, #tpu.memory_space<vmem>> -> memref<112xi32, #tpu.memory_space<vmem>>
      %dma_wait3A_114 = arith.constant 0 : i32
      %dma_wait3A_115 = tpu.memref_slice %arg2[%run_scoped3A_5, %add3A, %run_scoped3A_6, %dma_wait3A_114] : memref<2x32x90x112xi32, #tpu.memory_space<hbm>> -> memref<1x1x1x112xi32, #tpu.memory_space<hbm>>
      %dma_wait3A_116 = tpu.memref_squeeze %dma_wait3A_115 : memref<1x1x1x112xi32, #tpu.memory_space<hbm>> -> memref<112xi32, #tpu.memory_space<hbm>>
      tpu.wait_dma2 semaphore(%run_scoped3A_92 : memref<!tpu.dma_semaphore, #tpu.memory_space<semaphore_mem>>) src(%dma_wait3A_116 : memref<112xi32, #tpu.memory_space<hbm>>) dst(%dma_wait3A_113 : memref<112xi32, #tpu.memory_space<vmem>>)
      tpu.yield
    }) : () -> ()
    "tpu.region"() ({
      %run_scoped3A_92 = tpu.sem_alloc : memref<!tpu.dma_semaphore, #tpu.memory_space<semaphore_mem>>
      %dma_start3A_93 = arith.constant 0 : i32
      %dma_start3A_94 = tpu.memref_slice %arg20[%mul3A_2, %dma_start3A_93] : memref<10240x128xf32, #tpu.memory_space<vmem_shared>> -> memref<640x128xf32, #tpu.memory_space<vmem_shared>>
      tpu.enqueue_dma source(%arg4 : memref<640x128xf32, #tpu.memory_space<hbm>>) target(%dma_start3A_94 : memref<640x128xf32, #tpu.memory_space<vmem_shared>>) target_semaphore(%run_scoped3A_92 : memref<!tpu.dma_semaphore, #tpu.memory_space<semaphore_mem>>)
      %dma_wait3A_95 = arith.constant 0 : i32
      %dma_wait3A_96 = tpu.memref_slice %arg20[%mul3A_2, %dma_wait3A_95] : memref<10240x128xf32, #tpu.memory_space<vmem_shared>> -> memref<640x128xf32, #tpu.memory_space<vmem_shared>>
      tpu.wait_dma2 semaphore(%run_scoped3A_92 : memref<!tpu.dma_semaphore, #tpu.memory_space<semaphore_mem>>) src(%arg4 : memref<640x128xf32, #tpu.memory_space<hbm>>) dst(%dma_wait3A_96 : memref<640x128xf32, #tpu.memory_space<vmem_shared>>)
      tpu.yield
    }) : () -> ()
    %barrier3A = arith.constant 0 : index
    tpu.barrier barrier_id(%barrier3A)
    %dma_start3A = arith.constant 0 : i32
    %dma_start3A_8 = arith.constant 0 : i32
    %dma_start3A_9 = tpu.memref_slice %arg6[%dma_start3A, %dma_start3A_8] : memref<3x112xi32, #tpu.memory_space<vmem>> -> memref<1x112xi32, #tpu.memory_space<vmem>>
    %dma_start3A_10 = tpu.memref_squeeze %dma_start3A_9 : memref<1x112xi32, #tpu.memory_space<vmem>> -> memref<112xi32, #tpu.memory_space<vmem>>
    %dma_start3A_11 = arith.constant 0 : i32
    %dma_start3A_12 = arith.constant 0 : i32
    %dma_start3A_13 = tpu.memref_slice %arg3[%dma_start3A_11, %dma_start3A_12] : memref<10240x128xf32, #tpu.memory_space<hbm>> -> memref<10240x128xf32, #tpu.memory_space<hbm>>
    tpu.enqueue_indirect_dma source(%dma_start3A_13 : memref<10240x128xf32, #tpu.memory_space<hbm>>) target(%arg8 : memref<112x128xf32, #tpu.memory_space<vmem>>) offsets(%dma_start3A_10 : memref<112xi32, #tpu.memory_space<vmem>>) semaphore(%arg11 : memref<!tpu.dma_semaphore, #tpu.memory_space<semaphore_mem>>)
    %dma_start3A_14 = arith.constant 0 : i32
    %dma_start3A_15 = arith.constant 1 : i32
    %dma_start3A_16 = arith.constant 1 : i32
    %dma_start3A_17 = arith.constant 0 : i32
    %dma_start3A_18 = tpu.memref_slice %arg6[%dma_start3A_16, %dma_start3A_17] : memref<3x112xi32, #tpu.memory_space<vmem>> -> memref<1x112xi32, #tpu.memory_space<vmem>>
    %dma_start3A_19 = tpu.memref_squeeze %dma_start3A_18 : memref<1x112xi32, #tpu.memory_space<vmem>> -> memref<112xi32, #tpu.memory_space<vmem>>
    %dma_start3A_20 = arith.constant 0 : i32
    %dma_start3A_21 = tpu.memref_slice %arg2[%dma_start3A_14, %add3A, %dma_start3A_15, %dma_start3A_20] : memref<2x32x90x112xi32, #tpu.memory_space<hbm>> -> memref<1x1x1x112xi32, #tpu.memory_space<hbm>>
    %dma_start3A_22 = tpu.memref_squeeze %dma_start3A_21 : memref<1x1x1x112xi32, #tpu.memory_space<hbm>> -> memref<112xi32, #tpu.memory_space<hbm>>
    %dma_start3A_23 = arith.constant 0 : i32
    %dma_start3A_24 = tpu.memref_slice %arg6[%dma_start3A_16, %dma_start3A_23] : memref<3x112xi32, #tpu.memory_space<vmem>> -> memref<1x112xi32, #tpu.memory_space<vmem>>
    %dma_start3A_25 = tpu.memref_squeeze %dma_start3A_24 : memref<1x112xi32, #tpu.memory_space<vmem>> -> memref<112xi32, #tpu.memory_space<vmem>>
    %dma_start3A_26 = arith.constant 0 : i32
    %dma_start3A_27 = tpu.memref_slice %arg2[%dma_start3A_14, %add3A, %dma_start3A_15, %dma_start3A_26] : memref<2x32x90x112xi32, #tpu.memory_space<hbm>> -> memref<1x1x1x112xi32, #tpu.memory_space<hbm>>
    %dma_start3A_28 = tpu.memref_squeeze %dma_start3A_27 : memref<1x1x1x112xi32, #tpu.memory_space<hbm>> -> memref<112xi32, #tpu.memory_space<hbm>>
    tpu.enqueue_dma source(%dma_start3A_28 : memref<112xi32, #tpu.memory_space<hbm>>) target(%dma_start3A_25 : memref<112xi32, #tpu.memory_space<vmem>>) target_semaphore(%arg15 : memref<!tpu.dma_semaphore, #tpu.memory_space<semaphore_mem>>)
    %dma_start3A_29 = arith.constant 1 : i32
    %dma_start3A_30 = arith.constant 1 : i32
    %dma_start3A_31 = arith.constant 1 : i32
    %dma_start3A_32 = arith.constant 0 : i32
    %dma_start3A_33 = tpu.memref_slice %arg7[%dma_start3A_31, %dma_start3A_32] : memref<3x112xi32, #tpu.memory_space<vmem>> -> memref<1x112xi32, #tpu.memory_space<vmem>>
    %dma_start3A_34 = tpu.memref_squeeze %dma_start3A_33 : memref<1x112xi32, #tpu.memory_space<vmem>> -> memref<112xi32, #tpu.memory_space<vmem>>
    %dma_start3A_35 = arith.constant 0 : i32
    %dma_start3A_36 = tpu.memref_slice %arg2[%dma_start3A_29, %add3A, %dma_start3A_30, %dma_start3A_35] : memref<2x32x90x112xi32, #tpu.memory_space<hbm>> -> memref<1x1x1x112xi32, #tpu.memory_space<hbm>>
    %dma_start3A_37 = tpu.memref_squeeze %dma_start3A_36 : memref<1x1x1x112xi32, #tpu.memory_space<hbm>> -> memref<112xi32, #tpu.memory_space<hbm>>
    %dma_start3A_38 = arith.constant 0 : i32
    %dma_start3A_39 = tpu.memref_slice %arg7[%dma_start3A_31, %dma_start3A_38] : memref<3x112xi32, #tpu.memory_space<vmem>> -> memref<1x112xi32, #tpu.memory_space<vmem>>
    %dma_start3A_40 = tpu.memref_squeeze %dma_start3A_39 : memref<1x112xi32, #tpu.memory_space<vmem>> -> memref<112xi32, #tpu.memory_space<vmem>>
    %dma_start3A_41 = arith.constant 0 : i32
    %dma_start3A_42 = tpu.memref_slice %arg2[%dma_start3A_29, %add3A, %dma_start3A_30, %dma_start3A_41] : memref<2x32x90x112xi32, #tpu.memory_space<hbm>> -> memref<1x1x1x112xi32, #tpu.memory_space<hbm>>
    %dma_start3A_43 = tpu.memref_squeeze %dma_start3A_42 : memref<1x1x1x112xi32, #tpu.memory_space<hbm>> -> memref<112xi32, #tpu.memory_space<hbm>>
    tpu.enqueue_dma source(%dma_start3A_43 : memref<112xi32, #tpu.memory_space<hbm>>) target(%dma_start3A_40 : memref<112xi32, #tpu.memory_space<vmem>>) target_semaphore(%arg15 : memref<!tpu.dma_semaphore, #tpu.memory_space<semaphore_mem>>)
    %scan3A = arith.constant 0 : i32
    %scan3A_44 = arith.constant 30 : i32
    %scan3A_45 = arith.addi %scan3A, %scan3A_44 : i32
    %scan3A_46 = arith.constant 1 : i32
    scf.for %scan3A_92 = %scan3A to %scan3A_45 step %scan3A_46  : i32 {
      %mul3A_93 = arith.constant 1 : i32
      %mul3A_94 = arith.muli %scan3A_92, %mul3A_93 : i32
      %add3A_95 = arith.constant 0 : i32
      %add3A_96 = arith.addi %add3A_95, %mul3A_94 : i32
      %mul3A_97 = arith.constant 3 : i32
      %mul3A_98 = arith.muli %mul3A_97, %add3A_96 : i32
      %add3A_99 = arith.constant 0 : i32
      %add3A_100 = arith.addi %mul3A_98, %add3A_99 : i32
      %add3A_101 = arith.constant 2 : i32
      %add3A_102 = arith.addi %add3A_100, %add3A_101 : i32
      %min3A = arith.constant 89 : i32
      %min3A_103 = arith.minsi %add3A_102, %min3A : i32
      %dma_wait3A_104 = arith.constant 0 : i32
      %dma_wait3A_105 = arith.constant 0 : i32
      %dma_wait3A_106 = arith.constant 1 : i32
      %dma_wait3A_107 = arith.constant 0 : i32
      %dma_wait3A_108 = tpu.memref_slice %arg6[%dma_wait3A_106, %dma_wait3A_107] : memref<3x112xi32, #tpu.memory_space<vmem>> -> memref<1x112xi32, #tpu.memory_space<vmem>>
      %dma_wait3A_109 = tpu.memref_squeeze %dma_wait3A_108 : memref<1x112xi32, #tpu.memory_space<vmem>> -> memref<112xi32, #tpu.memory_space<vmem>>
      %dma_wait3A_110 = arith.constant 0 : i32
      %dma_wait3A_111 = tpu.memref_slice %arg2[%dma_wait3A_104, %add3A, %dma_wait3A_105, %dma_wait3A_110] : memref<2x32x90x112xi32, #tpu.memory_space<hbm>> -> memref<1x1x1x112xi32, #tpu.memory_space<hbm>>
      %dma_wait3A_112 = tpu.memref_squeeze %dma_wait3A_111 : memref<1x1x1x112xi32, #tpu.memory_space<hbm>> -> memref<112xi32, #tpu.memory_space<hbm>>
      %dma_wait3A_113 = arith.constant 0 : i32
      %dma_wait3A_114 = tpu.memref_slice %arg6[%dma_wait3A_106, %dma_wait3A_113] : memref<3x112xi32, #tpu.memory_space<vmem>> -> memref<1x112xi32, #tpu.memory_space<vmem>>
      %dma_wait3A_115 = tpu.memref_squeeze %dma_wait3A_114 : memref<1x112xi32, #tpu.memory_space<vmem>> -> memref<112xi32, #tpu.memory_space<vmem>>
      %dma_wait3A_116 = arith.constant 0 : i32
      %dma_wait3A_117 = tpu.memref_slice %arg2[%dma_wait3A_104, %add3A, %dma_wait3A_105, %dma_wait3A_116] : memref<2x32x90x112xi32, #tpu.memory_space<hbm>> -> memref<1x1x1x112xi32, #tpu.memory_space<hbm>>
      %dma_wait3A_118 = tpu.memref_squeeze %dma_wait3A_117 : memref<1x1x1x112xi32, #tpu.memory_space<hbm>> -> memref<112xi32, #tpu.memory_space<hbm>>
      tpu.wait_dma2 semaphore(%arg15 : memref<!tpu.dma_semaphore, #tpu.memory_space<semaphore_mem>>) src(%dma_wait3A_118 : memref<112xi32, #tpu.memory_space<hbm>>) dst(%dma_wait3A_115 : memref<112xi32, #tpu.memory_space<vmem>>)
      %dma_wait3A_119 = arith.constant 1 : i32
      %dma_wait3A_120 = arith.constant 0 : i32
      %dma_wait3A_121 = arith.constant 1 : i32
      %dma_wait3A_122 = arith.constant 0 : i32
      %dma_wait3A_123 = tpu.memref_slice %arg7[%dma_wait3A_121, %dma_wait3A_122] : memref<3x112xi32, #tpu.memory_space<vmem>> -> memref<1x112xi32, #tpu.memory_space<vmem>>
      %dma_wait3A_124 = tpu.memref_squeeze %dma_wait3A_123 : memref<1x112xi32, #tpu.memory_space<vmem>> -> memref<112xi32, #tpu.memory_space<vmem>>
      %dma_wait3A_125 = arith.constant 0 : i32
      %dma_wait3A_126 = tpu.memref_slice %arg2[%dma_wait3A_119, %add3A, %dma_wait3A_120, %dma_wait3A_125] : memref<2x32x90x112xi32, #tpu.memory_space<hbm>> -> memref<1x1x1x112xi32, #tpu.memory_space<hbm>>
      %dma_wait3A_127 = tpu.memref_squeeze %dma_wait3A_126 : memref<1x1x1x112xi32, #tpu.memory_space<hbm>> -> memref<112xi32, #tpu.memory_space<hbm>>
      %dma_wait3A_128 = arith.constant 0 : i32
      %dma_wait3A_129 = tpu.memref_slice %arg7[%dma_wait3A_121, %dma_wait3A_128] : memref<3x112xi32, #tpu.memory_space<vmem>> -> memref<1x112xi32, #tpu.memory_space<vmem>>
      %dma_wait3A_130 = tpu.memref_squeeze %dma_wait3A_129 : memref<1x112xi32, #tpu.memory_space<vmem>> -> memref<112xi32, #tpu.memory_space<vmem>>
      %dma_wait3A_131 = arith.constant 0 : i32
      %dma_wait3A_132 = tpu.memref_slice %arg2[%dma_wait3A_119, %add3A, %dma_wait3A_120, %dma_wait3A_131] : memref<2x32x90x112xi32, #tpu.memory_space<hbm>> -> memref<1x1x1x112xi32, #tpu.memory_space<hbm>>
      %dma_wait3A_133 = tpu.memref_squeeze %dma_wait3A_132 : memref<1x1x1x112xi32, #tpu.memory_space<hbm>> -> memref<112xi32, #tpu.memory_space<hbm>>
      tpu.wait_dma2 semaphore(%arg15 : memref<!tpu.dma_semaphore, #tpu.memory_space<semaphore_mem>>) src(%dma_wait3A_133 : memref<112xi32, #tpu.memory_space<hbm>>) dst(%dma_wait3A_130 : memref<112xi32, #tpu.memory_space<vmem>>)
      %gt3A = arith.constant 0 : i32
      %gt3A_134 = arith.cmpi sgt, %add3A_96, %gt3A : i32
      %convert_element_type3A = arith.extui %gt3A_134 : i1 to i32
      %cond3A = arith.constant 0 : i32
      %cond3A_135 = arith.cmpi ne, %convert_element_type3A, %cond3A : i32
      scf.if %cond3A_135 {
        %dma_wait3A_373 = arith.constant 0 : i32
        %dma_wait3A_374 = arith.constant 0 : i32
        %dma_wait3A_375 = tpu.memref_slice %arg7[%dma_wait3A_373, %dma_wait3A_374] : memref<3x112xi32, #tpu.memory_space<vmem>> -> memref<1x112xi32, #tpu.memory_space<vmem>>
        %dma_wait3A_376 = tpu.memref_squeeze %dma_wait3A_375 : memref<1x112xi32, #tpu.memory_space<vmem>> -> memref<112xi32, #tpu.memory_space<vmem>>
        %dma_wait3A_377 = arith.constant 0 : i32
        %dma_wait3A_378 = arith.constant 0 : i32
        %dma_wait3A_379 = tpu.memref_slice %arg20[%dma_wait3A_377, %dma_wait3A_378] : memref<10240x128xf32, #tpu.memory_space<vmem_shared>> -> memref<10240x128xf32, #tpu.memory_space<vmem_shared>>
        tpu.wait_indirect_dma semaphore(%arg19 : memref<!tpu.dma_semaphore, #tpu.memory_space<semaphore_mem>>) src(%arg10 : memref<112x128xf32, #tpu.memory_space<vmem>>) dst(%dma_wait3A_379 : memref<10240x128xf32, #tpu.memory_space<vmem_shared>>)
      } else {
      }
      %dma_start3A_136 = arith.constant 1 : i32
      %dma_start3A_137 = arith.constant 0 : i32
      %dma_start3A_138 = tpu.memref_slice %arg6[%dma_start3A_136, %dma_start3A_137] : memref<3x112xi32, #tpu.memory_space<vmem>> -> memref<1x112xi32, #tpu.memory_space<vmem>>
      %dma_start3A_139 = tpu.memref_squeeze %dma_start3A_138 : memref<1x112xi32, #tpu.memory_space<vmem>> -> memref<112xi32, #tpu.memory_space<vmem>>
      %dma_start3A_140 = arith.constant 0 : i32
      %dma_start3A_141 = arith.constant 0 : i32
      %dma_start3A_142 = tpu.memref_slice %arg3[%dma_start3A_140, %dma_start3A_141] : memref<10240x128xf32, #tpu.memory_space<hbm>> -> memref<10240x128xf32, #tpu.memory_space<hbm>>
      tpu.enqueue_indirect_dma source(%dma_start3A_142 : memref<10240x128xf32, #tpu.memory_space<hbm>>) target(%arg9 : memref<112x128xf32, #tpu.memory_space<vmem>>) offsets(%dma_start3A_139 : memref<112xi32, #tpu.memory_space<vmem>>) semaphore(%arg12 : memref<!tpu.dma_semaphore, #tpu.memory_space<semaphore_mem>>)
      %dma_wait3A_143 = arith.constant 0 : i32
      %dma_wait3A_144 = arith.constant 0 : i32
      %dma_wait3A_145 = tpu.memref_slice %arg6[%dma_wait3A_143, %dma_wait3A_144] : memref<3x112xi32, #tpu.memory_space<vmem>> -> memref<1x112xi32, #tpu.memory_space<vmem>>
      %dma_wait3A_146 = tpu.memref_squeeze %dma_wait3A_145 : memref<1x112xi32, #tpu.memory_space<vmem>> -> memref<112xi32, #tpu.memory_space<vmem>>
      %dma_wait3A_147 = arith.constant 0 : i32
      %dma_wait3A_148 = arith.constant 0 : i32
      %dma_wait3A_149 = tpu.memref_slice %arg3[%dma_wait3A_147, %dma_wait3A_148] : memref<10240x128xf32, #tpu.memory_space<hbm>> -> memref<10240x128xf32, #tpu.memory_space<hbm>>
      tpu.wait_indirect_dma semaphore(%arg11 : memref<!tpu.dma_semaphore, #tpu.memory_space<semaphore_mem>>) src(%dma_wait3A_149 : memref<10240x128xf32, #tpu.memory_space<hbm>>) dst(%arg8 : memref<112x128xf32, #tpu.memory_space<vmem>>)
      %dma_start3A_150 = arith.constant 0 : i32
      %dma_start3A_151 = arith.constant 0 : i32
      %dma_start3A_152 = tpu.memref_slice %arg7[%dma_start3A_150, %dma_start3A_151] : memref<3x112xi32, #tpu.memory_space<vmem>> -> memref<1x112xi32, #tpu.memory_space<vmem>>
      %dma_start3A_153 = tpu.memref_squeeze %dma_start3A_152 : memref<1x112xi32, #tpu.memory_space<vmem>> -> memref<112xi32, #tpu.memory_space<vmem>>
      %dma_start3A_154 = arith.constant 0 : i32
      %dma_start3A_155 = arith.constant 0 : i32
      %dma_start3A_156 = tpu.memref_slice %arg20[%dma_start3A_154, %dma_start3A_155] : memref<10240x128xf32, #tpu.memory_space<vmem_shared>> -> memref<10240x128xf32, #tpu.memory_space<vmem_shared>>
      tpu.enqueue_indirect_dma source(%arg8 : memref<112x128xf32, #tpu.memory_space<vmem>>) target(%dma_start3A_156 : memref<10240x128xf32, #tpu.memory_space<vmem_shared>>) offsets(%dma_start3A_153 : memref<112xi32, #tpu.memory_space<vmem>>) semaphore(%arg17 : memref<!tpu.dma_semaphore, #tpu.memory_space<semaphore_mem>>) {add = true}
      %dma_start3A_157 = arith.constant 0 : i32
      %dma_start3A_158 = arith.constant 2 : i32
      %dma_start3A_159 = arith.constant 0 : i32
      %dma_start3A_160 = tpu.memref_slice %arg6[%dma_start3A_158, %dma_start3A_159] : memref<3x112xi32, #tpu.memory_space<vmem>> -> memref<1x112xi32, #tpu.memory_space<vmem>>
      %dma_start3A_161 = tpu.memref_squeeze %dma_start3A_160 : memref<1x112xi32, #tpu.memory_space<vmem>> -> memref<112xi32, #tpu.memory_space<vmem>>
      %dma_start3A_162 = arith.constant 0 : i32
      %dma_start3A_163 = tpu.memref_slice %arg2[%dma_start3A_157, %add3A, %min3A_103, %dma_start3A_162] : memref<2x32x90x112xi32, #tpu.memory_space<hbm>> -> memref<1x1x1x112xi32, #tpu.memory_space<hbm>>
      %dma_start3A_164 = tpu.memref_squeeze %dma_start3A_163 : memref<1x1x1x112xi32, #tpu.memory_space<hbm>> -> memref<112xi32, #tpu.memory_space<hbm>>
      %dma_start3A_165 = arith.constant 0 : i32
      %dma_start3A_166 = tpu.memref_slice %arg6[%dma_start3A_158, %dma_start3A_165] : memref<3x112xi32, #tpu.memory_space<vmem>> -> memref<1x112xi32, #tpu.memory_space<vmem>>
      %dma_start3A_167 = tpu.memref_squeeze %dma_start3A_166 : memref<1x112xi32, #tpu.memory_space<vmem>> -> memref<112xi32, #tpu.memory_space<vmem>>
      %dma_start3A_168 = arith.constant 0 : i32
      %dma_start3A_169 = tpu.memref_slice %arg2[%dma_start3A_157, %add3A, %min3A_103, %dma_start3A_168] : memref<2x32x90x112xi32, #tpu.memory_space<hbm>> -> memref<1x1x1x112xi32, #tpu.memory_space<hbm>>
      %dma_start3A_170 = tpu.memref_squeeze %dma_start3A_169 : memref<1x1x1x112xi32, #tpu.memory_space<hbm>> -> memref<112xi32, #tpu.memory_space<hbm>>
      tpu.enqueue_dma source(%dma_start3A_170 : memref<112xi32, #tpu.memory_space<hbm>>) target(%dma_start3A_167 : memref<112xi32, #tpu.memory_space<vmem>>) target_semaphore(%arg16 : memref<!tpu.dma_semaphore, #tpu.memory_space<semaphore_mem>>)
      %dma_start3A_171 = arith.constant 1 : i32
      %dma_start3A_172 = arith.constant 2 : i32
      %dma_start3A_173 = arith.constant 0 : i32
      %dma_start3A_174 = tpu.memref_slice %arg7[%dma_start3A_172, %dma_start3A_173] : memref<3x112xi32, #tpu.memory_space<vmem>> -> memref<1x112xi32, #tpu.memory_space<vmem>>
      %dma_start3A_175 = tpu.memref_squeeze %dma_start3A_174 : memref<1x112xi32, #tpu.memory_space<vmem>> -> memref<112xi32, #tpu.memory_space<vmem>>
      %dma_start3A_176 = arith.constant 0 : i32
      %dma_start3A_177 = tpu.memref_slice %arg2[%dma_start3A_171, %add3A, %min3A_103, %dma_start3A_176] : memref<2x32x90x112xi32, #tpu.memory_space<hbm>> -> memref<1x1x1x112xi32, #tpu.memory_space<hbm>>
      %dma_start3A_178 = tpu.memref_squeeze %dma_start3A_177 : memref<1x1x1x112xi32, #tpu.memory_space<hbm>> -> memref<112xi32, #tpu.memory_space<hbm>>
      %dma_start3A_179 = arith.constant 0 : i32
      %dma_start3A_180 = tpu.memref_slice %arg7[%dma_start3A_172, %dma_start3A_179] : memref<3x112xi32, #tpu.memory_space<vmem>> -> memref<1x112xi32, #tpu.memory_space<vmem>>
      %dma_start3A_181 = tpu.memref_squeeze %dma_start3A_180 : memref<1x112xi32, #tpu.memory_space<vmem>> -> memref<112xi32, #tpu.memory_space<vmem>>
      %dma_start3A_182 = arith.constant 0 : i32
      %dma_start3A_183 = tpu.memref_slice %arg2[%dma_start3A_171, %add3A, %min3A_103, %dma_start3A_182] : memref<2x32x90x112xi32, #tpu.memory_space<hbm>> -> memref<1x1x1x112xi32, #tpu.memory_space<hbm>>
      %dma_start3A_184 = tpu.memref_squeeze %dma_start3A_183 : memref<1x1x1x112xi32, #tpu.memory_space<hbm>> -> memref<112xi32, #tpu.memory_space<hbm>>
      tpu.enqueue_dma source(%dma_start3A_184 : memref<112xi32, #tpu.memory_space<hbm>>) target(%dma_start3A_181 : memref<112xi32, #tpu.memory_space<vmem>>) target_semaphore(%arg16 : memref<!tpu.dma_semaphore, #tpu.memory_space<semaphore_mem>>)
      %mul3A_185 = arith.constant 3 : i32
      %mul3A_186 = arith.muli %mul3A_185, %add3A_96 : i32
      %add3A_187 = arith.constant 1 : i32
      %add3A_188 = arith.addi %mul3A_186, %add3A_187 : i32
      %add3A_189 = arith.constant 2 : i32
      %add3A_190 = arith.addi %add3A_188, %add3A_189 : i32
      %min3A_191 = arith.constant 89 : i32
      %min3A_192 = arith.minsi %add3A_190, %min3A_191 : i32
      %dma_wait3A_193 = arith.constant 0 : i32
      %dma_wait3A_194 = arith.constant 0 : i32
      %dma_wait3A_195 = arith.constant 2 : i32
      %dma_wait3A_196 = arith.constant 0 : i32
      %dma_wait3A_197 = tpu.memref_slice %arg6[%dma_wait3A_195, %dma_wait3A_196] : memref<3x112xi32, #tpu.memory_space<vmem>> -> memref<1x112xi32, #tpu.memory_space<vmem>>
      %dma_wait3A_198 = tpu.memref_squeeze %dma_wait3A_197 : memref<1x112xi32, #tpu.memory_space<vmem>> -> memref<112xi32, #tpu.memory_space<vmem>>
      %dma_wait3A_199 = arith.constant 0 : i32
      %dma_wait3A_200 = tpu.memref_slice %arg2[%dma_wait3A_193, %add3A, %dma_wait3A_194, %dma_wait3A_199] : memref<2x32x90x112xi32, #tpu.memory_space<hbm>> -> memref<1x1x1x112xi32, #tpu.memory_space<hbm>>
      %dma_wait3A_201 = tpu.memref_squeeze %dma_wait3A_200 : memref<1x1x1x112xi32, #tpu.memory_space<hbm>> -> memref<112xi32, #tpu.memory_space<hbm>>
      %dma_wait3A_202 = arith.constant 0 : i32
      %dma_wait3A_203 = tpu.memref_slice %arg6[%dma_wait3A_195, %dma_wait3A_202] : memref<3x112xi32, #tpu.memory_space<vmem>> -> memref<1x112xi32, #tpu.memory_space<vmem>>
      %dma_wait3A_204 = tpu.memref_squeeze %dma_wait3A_203 : memref<1x112xi32, #tpu.memory_space<vmem>> -> memref<112xi32, #tpu.memory_space<vmem>>
      %dma_wait3A_205 = arith.constant 0 : i32
      %dma_wait3A_206 = tpu.memref_slice %arg2[%dma_wait3A_193, %add3A, %dma_wait3A_194, %dma_wait3A_205] : memref<2x32x90x112xi32, #tpu.memory_space<hbm>> -> memref<1x1x1x112xi32, #tpu.memory_space<hbm>>
      %dma_wait3A_207 = tpu.memref_squeeze %dma_wait3A_206 : memref<1x1x1x112xi32, #tpu.memory_space<hbm>> -> memref<112xi32, #tpu.memory_space<hbm>>
      tpu.wait_dma2 semaphore(%arg16 : memref<!tpu.dma_semaphore, #tpu.memory_space<semaphore_mem>>) src(%dma_wait3A_207 : memref<112xi32, #tpu.memory_space<hbm>>) dst(%dma_wait3A_204 : memref<112xi32, #tpu.memory_space<vmem>>)
      %dma_wait3A_208 = arith.constant 1 : i32
      %dma_wait3A_209 = arith.constant 0 : i32
      %dma_wait3A_210 = arith.constant 2 : i32
      %dma_wait3A_211 = arith.constant 0 : i32
      %dma_wait3A_212 = tpu.memref_slice %arg7[%dma_wait3A_210, %dma_wait3A_211] : memref<3x112xi32, #tpu.memory_space<vmem>> -> memref<1x112xi32, #tpu.memory_space<vmem>>
      %dma_wait3A_213 = tpu.memref_squeeze %dma_wait3A_212 : memref<1x112xi32, #tpu.memory_space<vmem>> -> memref<112xi32, #tpu.memory_space<vmem>>
      %dma_wait3A_214 = arith.constant 0 : i32
      %dma_wait3A_215 = tpu.memref_slice %arg2[%dma_wait3A_208, %add3A, %dma_wait3A_209, %dma_wait3A_214] : memref<2x32x90x112xi32, #tpu.memory_space<hbm>> -> memref<1x1x1x112xi32, #tpu.memory_space<hbm>>
      %dma_wait3A_216 = tpu.memref_squeeze %dma_wait3A_215 : memref<1x1x1x112xi32, #tpu.memory_space<hbm>> -> memref<112xi32, #tpu.memory_space<hbm>>
      %dma_wait3A_217 = arith.constant 0 : i32
      %dma_wait3A_218 = tpu.memref_slice %arg7[%dma_wait3A_210, %dma_wait3A_217] : memref<3x112xi32, #tpu.memory_space<vmem>> -> memref<1x112xi32, #tpu.memory_space<vmem>>
      %dma_wait3A_219 = tpu.memref_squeeze %dma_wait3A_218 : memref<1x112xi32, #tpu.memory_space<vmem>> -> memref<112xi32, #tpu.memory_space<vmem>>
      %dma_wait3A_220 = arith.constant 0 : i32
      %dma_wait3A_221 = tpu.memref_slice %arg2[%dma_wait3A_208, %add3A, %dma_wait3A_209, %dma_wait3A_220] : memref<2x32x90x112xi32, #tpu.memory_space<hbm>> -> memref<1x1x1x112xi32, #tpu.memory_space<hbm>>
      %dma_wait3A_222 = tpu.memref_squeeze %dma_wait3A_221 : memref<1x1x1x112xi32, #tpu.memory_space<hbm>> -> memref<112xi32, #tpu.memory_space<hbm>>
      tpu.wait_dma2 semaphore(%arg16 : memref<!tpu.dma_semaphore, #tpu.memory_space<semaphore_mem>>) src(%dma_wait3A_222 : memref<112xi32, #tpu.memory_space<hbm>>) dst(%dma_wait3A_219 : memref<112xi32, #tpu.memory_space<vmem>>)
      %dma_wait3A_223 = arith.constant 0 : i32
      %dma_wait3A_224 = arith.constant 0 : i32
      %dma_wait3A_225 = tpu.memref_slice %arg7[%dma_wait3A_223, %dma_wait3A_224] : memref<3x112xi32, #tpu.memory_space<vmem>> -> memref<1x112xi32, #tpu.memory_space<vmem>>
      %dma_wait3A_226 = tpu.memref_squeeze %dma_wait3A_225 : memref<1x112xi32, #tpu.memory_space<vmem>> -> memref<112xi32, #tpu.memory_space<vmem>>
      %dma_wait3A_227 = arith.constant 0 : i32
      %dma_wait3A_228 = arith.constant 0 : i32
      %dma_wait3A_229 = tpu.memref_slice %arg20[%dma_wait3A_227, %dma_wait3A_228] : memref<10240x128xf32, #tpu.memory_space<vmem_shared>> -> memref<10240x128xf32, #tpu.memory_space<vmem_shared>>
      tpu.wait_indirect_dma semaphore(%arg17 : memref<!tpu.dma_semaphore, #tpu.memory_space<semaphore_mem>>) src(%arg8 : memref<112x128xf32, #tpu.memory_space<vmem>>) dst(%dma_wait3A_229 : memref<10240x128xf32, #tpu.memory_space<vmem_shared>>)
      %dma_start3A_230 = arith.constant 2 : i32
      %dma_start3A_231 = arith.constant 0 : i32
      %dma_start3A_232 = tpu.memref_slice %arg6[%dma_start3A_230, %dma_start3A_231] : memref<3x112xi32, #tpu.memory_space<vmem>> -> memref<1x112xi32, #tpu.memory_space<vmem>>
      %dma_start3A_233 = tpu.memref_squeeze %dma_start3A_232 : memref<1x112xi32, #tpu.memory_space<vmem>> -> memref<112xi32, #tpu.memory_space<vmem>>
      %dma_start3A_234 = arith.constant 0 : i32
      %dma_start3A_235 = arith.constant 0 : i32
      %dma_start3A_236 = tpu.memref_slice %arg3[%dma_start3A_234, %dma_start3A_235] : memref<10240x128xf32, #tpu.memory_space<hbm>> -> memref<10240x128xf32, #tpu.memory_space<hbm>>
      tpu.enqueue_indirect_dma source(%dma_start3A_236 : memref<10240x128xf32, #tpu.memory_space<hbm>>) target(%arg10 : memref<112x128xf32, #tpu.memory_space<vmem>>) offsets(%dma_start3A_233 : memref<112xi32, #tpu.memory_space<vmem>>) semaphore(%arg13 : memref<!tpu.dma_semaphore, #tpu.memory_space<semaphore_mem>>)
      %dma_wait3A_237 = arith.constant 0 : i32
      %dma_wait3A_238 = arith.constant 0 : i32
      %dma_wait3A_239 = tpu.memref_slice %arg6[%dma_wait3A_237, %dma_wait3A_238] : memref<3x112xi32, #tpu.memory_space<vmem>> -> memref<1x112xi32, #tpu.memory_space<vmem>>
      %dma_wait3A_240 = tpu.memref_squeeze %dma_wait3A_239 : memref<1x112xi32, #tpu.memory_space<vmem>> -> memref<112xi32, #tpu.memory_space<vmem>>
      %dma_wait3A_241 = arith.constant 0 : i32
      %dma_wait3A_242 = arith.constant 0 : i32
      %dma_wait3A_243 = tpu.memref_slice %arg3[%dma_wait3A_241, %dma_wait3A_242] : memref<10240x128xf32, #tpu.memory_space<hbm>> -> memref<10240x128xf32, #tpu.memory_space<hbm>>
      tpu.wait_indirect_dma semaphore(%arg12 : memref<!tpu.dma_semaphore, #tpu.memory_space<semaphore_mem>>) src(%dma_wait3A_243 : memref<10240x128xf32, #tpu.memory_space<hbm>>) dst(%arg9 : memref<112x128xf32, #tpu.memory_space<vmem>>)
      %dma_start3A_244 = arith.constant 1 : i32
      %dma_start3A_245 = arith.constant 0 : i32
      %dma_start3A_246 = tpu.memref_slice %arg7[%dma_start3A_244, %dma_start3A_245] : memref<3x112xi32, #tpu.memory_space<vmem>> -> memref<1x112xi32, #tpu.memory_space<vmem>>
      %dma_start3A_247 = tpu.memref_squeeze %dma_start3A_246 : memref<1x112xi32, #tpu.memory_space<vmem>> -> memref<112xi32, #tpu.memory_space<vmem>>
      %dma_start3A_248 = arith.constant 0 : i32
      %dma_start3A_249 = arith.constant 0 : i32
      %dma_start3A_250 = tpu.memref_slice %arg20[%dma_start3A_248, %dma_start3A_249] : memref<10240x128xf32, #tpu.memory_space<vmem_shared>> -> memref<10240x128xf32, #tpu.memory_space<vmem_shared>>
      tpu.enqueue_indirect_dma source(%arg9 : memref<112x128xf32, #tpu.memory_space<vmem>>) target(%dma_start3A_250 : memref<10240x128xf32, #tpu.memory_space<vmem_shared>>) offsets(%dma_start3A_247 : memref<112xi32, #tpu.memory_space<vmem>>) semaphore(%arg18 : memref<!tpu.dma_semaphore, #tpu.memory_space<semaphore_mem>>) {add = true}
      %dma_start3A_251 = arith.constant 0 : i32
      %dma_start3A_252 = arith.constant 0 : i32
      %dma_start3A_253 = arith.constant 0 : i32
      %dma_start3A_254 = tpu.memref_slice %arg6[%dma_start3A_252, %dma_start3A_253] : memref<3x112xi32, #tpu.memory_space<vmem>> -> memref<1x112xi32, #tpu.memory_space<vmem>>
      %dma_start3A_255 = tpu.memref_squeeze %dma_start3A_254 : memref<1x112xi32, #tpu.memory_space<vmem>> -> memref<112xi32, #tpu.memory_space<vmem>>
      %dma_start3A_256 = arith.constant 0 : i32
      %dma_start3A_257 = tpu.memref_slice %arg2[%dma_start3A_251, %add3A, %min3A_192, %dma_start3A_256] : memref<2x32x90x112xi32, #tpu.memory_space<hbm>> -> memref<1x1x1x112xi32, #tpu.memory_space<hbm>>
      %dma_start3A_258 = tpu.memref_squeeze %dma_start3A_257 : memref<1x1x1x112xi32, #tpu.memory_space<hbm>> -> memref<112xi32, #tpu.memory_space<hbm>>
      %dma_start3A_259 = arith.constant 0 : i32
      %dma_start3A_260 = tpu.memref_slice %arg6[%dma_start3A_252, %dma_start3A_259] : memref<3x112xi32, #tpu.memory_space<vmem>> -> memref<1x112xi32, #tpu.memory_space<vmem>>
      %dma_start3A_261 = tpu.memref_squeeze %dma_start3A_260 : memref<1x112xi32, #tpu.memory_space<vmem>> -> memref<112xi32, #tpu.memory_space<vmem>>
      %dma_start3A_262 = arith.constant 0 : i32
      %dma_start3A_263 = tpu.memref_slice %arg2[%dma_start3A_251, %add3A, %min3A_192, %dma_start3A_262] : memref<2x32x90x112xi32, #tpu.memory_space<hbm>> -> memref<1x1x1x112xi32, #tpu.memory_space<hbm>>
      %dma_start3A_264 = tpu.memref_squeeze %dma_start3A_263 : memref<1x1x1x112xi32, #tpu.memory_space<hbm>> -> memref<112xi32, #tpu.memory_space<hbm>>
      tpu.enqueue_dma source(%dma_start3A_264 : memref<112xi32, #tpu.memory_space<hbm>>) target(%dma_start3A_261 : memref<112xi32, #tpu.memory_space<vmem>>) target_semaphore(%arg14 : memref<!tpu.dma_semaphore, #tpu.memory_space<semaphore_mem>>)
      %dma_start3A_265 = arith.constant 1 : i32
      %dma_start3A_266 = arith.constant 0 : i32
      %dma_start3A_267 = arith.constant 0 : i32
      %dma_start3A_268 = tpu.memref_slice %arg7[%dma_start3A_266, %dma_start3A_267] : memref<3x112xi32, #tpu.memory_space<vmem>> -> memref<1x112xi32, #tpu.memory_space<vmem>>
      %dma_start3A_269 = tpu.memref_squeeze %dma_start3A_268 : memref<1x112xi32, #tpu.memory_space<vmem>> -> memref<112xi32, #tpu.memory_space<vmem>>
      %dma_start3A_270 = arith.constant 0 : i32
      %dma_start3A_271 = tpu.memref_slice %arg2[%dma_start3A_265, %add3A, %min3A_192, %dma_start3A_270] : memref<2x32x90x112xi32, #tpu.memory_space<hbm>> -> memref<1x1x1x112xi32, #tpu.memory_space<hbm>>
      %dma_start3A_272 = tpu.memref_squeeze %dma_start3A_271 : memref<1x1x1x112xi32, #tpu.memory_space<hbm>> -> memref<112xi32, #tpu.memory_space<hbm>>
      %dma_start3A_273 = arith.constant 0 : i32
      %dma_start3A_274 = tpu.memref_slice %arg7[%dma_start3A_266, %dma_start3A_273] : memref<3x112xi32, #tpu.memory_space<vmem>> -> memref<1x112xi32, #tpu.memory_space<vmem>>
      %dma_start3A_275 = tpu.memref_squeeze %dma_start3A_274 : memref<1x112xi32, #tpu.memory_space<vmem>> -> memref<112xi32, #tpu.memory_space<vmem>>
      %dma_start3A_276 = arith.constant 0 : i32
      %dma_start3A_277 = tpu.memref_slice %arg2[%dma_start3A_265, %add3A, %min3A_192, %dma_start3A_276] : memref<2x32x90x112xi32, #tpu.memory_space<hbm>> -> memref<1x1x1x112xi32, #tpu.memory_space<hbm>>
      %dma_start3A_278 = tpu.memref_squeeze %dma_start3A_277 : memref<1x1x1x112xi32, #tpu.memory_space<hbm>> -> memref<112xi32, #tpu.memory_space<hbm>>
      tpu.enqueue_dma source(%dma_start3A_278 : memref<112xi32, #tpu.memory_space<hbm>>) target(%dma_start3A_275 : memref<112xi32, #tpu.memory_space<vmem>>) target_semaphore(%arg14 : memref<!tpu.dma_semaphore, #tpu.memory_space<semaphore_mem>>)
      %mul3A_279 = arith.constant 3 : i32
      %mul3A_280 = arith.muli %mul3A_279, %add3A_96 : i32
      %add3A_281 = arith.constant 2 : i32
      %add3A_282 = arith.addi %mul3A_280, %add3A_281 : i32
      %add3A_283 = arith.constant 2 : i32
      %add3A_284 = arith.addi %add3A_282, %add3A_283 : i32
      %min3A_285 = arith.constant 89 : i32
      %min3A_286 = arith.minsi %add3A_284, %min3A_285 : i32
      %dma_wait3A_287 = arith.constant 0 : i32
      %dma_wait3A_288 = arith.constant 0 : i32
      %dma_wait3A_289 = arith.constant 0 : i32
      %dma_wait3A_290 = arith.constant 0 : i32
      %dma_wait3A_291 = tpu.memref_slice %arg6[%dma_wait3A_289, %dma_wait3A_290] : memref<3x112xi32, #tpu.memory_space<vmem>> -> memref<1x112xi32, #tpu.memory_space<vmem>>
      %dma_wait3A_292 = tpu.memref_squeeze %dma_wait3A_291 : memref<1x112xi32, #tpu.memory_space<vmem>> -> memref<112xi32, #tpu.memory_space<vmem>>
      %dma_wait3A_293 = arith.constant 0 : i32
      %dma_wait3A_294 = tpu.memref_slice %arg2[%dma_wait3A_287, %add3A, %dma_wait3A_288, %dma_wait3A_293] : memref<2x32x90x112xi32, #tpu.memory_space<hbm>> -> memref<1x1x1x112xi32, #tpu.memory_space<hbm>>
      %dma_wait3A_295 = tpu.memref_squeeze %dma_wait3A_294 : memref<1x1x1x112xi32, #tpu.memory_space<hbm>> -> memref<112xi32, #tpu.memory_space<hbm>>
      %dma_wait3A_296 = arith.constant 0 : i32
      %dma_wait3A_297 = tpu.memref_slice %arg6[%dma_wait3A_289, %dma_wait3A_296] : memref<3x112xi32, #tpu.memory_space<vmem>> -> memref<1x112xi32, #tpu.memory_space<vmem>>
      %dma_wait3A_298 = tpu.memref_squeeze %dma_wait3A_297 : memref<1x112xi32, #tpu.memory_space<vmem>> -> memref<112xi32, #tpu.memory_space<vmem>>
      %dma_wait3A_299 = arith.constant 0 : i32
      %dma_wait3A_300 = tpu.memref_slice %arg2[%dma_wait3A_287, %add3A, %dma_wait3A_288, %dma_wait3A_299] : memref<2x32x90x112xi32, #tpu.memory_space<hbm>> -> memref<1x1x1x112xi32, #tpu.memory_space<hbm>>
      %dma_wait3A_301 = tpu.memref_squeeze %dma_wait3A_300 : memref<1x1x1x112xi32, #tpu.memory_space<hbm>> -> memref<112xi32, #tpu.memory_space<hbm>>
      tpu.wait_dma2 semaphore(%arg14 : memref<!tpu.dma_semaphore, #tpu.memory_space<semaphore_mem>>) src(%dma_wait3A_301 : memref<112xi32, #tpu.memory_space<hbm>>) dst(%dma_wait3A_298 : memref<112xi32, #tpu.memory_space<vmem>>)
      %dma_wait3A_302 = arith.constant 1 : i32
      %dma_wait3A_303 = arith.constant 0 : i32
      %dma_wait3A_304 = arith.constant 0 : i32
      %dma_wait3A_305 = arith.constant 0 : i32
      %dma_wait3A_306 = tpu.memref_slice %arg7[%dma_wait3A_304, %dma_wait3A_305] : memref<3x112xi32, #tpu.memory_space<vmem>> -> memref<1x112xi32, #tpu.memory_space<vmem>>
      %dma_wait3A_307 = tpu.memref_squeeze %dma_wait3A_306 : memref<1x112xi32, #tpu.memory_space<vmem>> -> memref<112xi32, #tpu.memory_space<vmem>>
      %dma_wait3A_308 = arith.constant 0 : i32
      %dma_wait3A_309 = tpu.memref_slice %arg2[%dma_wait3A_302, %add3A, %dma_wait3A_303, %dma_wait3A_308] : memref<2x32x90x112xi32, #tpu.memory_space<hbm>> -> memref<1x1x1x112xi32, #tpu.memory_space<hbm>>
      %dma_wait3A_310 = tpu.memref_squeeze %dma_wait3A_309 : memref<1x1x1x112xi32, #tpu.memory_space<hbm>> -> memref<112xi32, #tpu.memory_space<hbm>>
      %dma_wait3A_311 = arith.constant 0 : i32
      %dma_wait3A_312 = tpu.memref_slice %arg7[%dma_wait3A_304, %dma_wait3A_311] : memref<3x112xi32, #tpu.memory_space<vmem>> -> memref<1x112xi32, #tpu.memory_space<vmem>>
      %dma_wait3A_313 = tpu.memref_squeeze %dma_wait3A_312 : memref<1x112xi32, #tpu.memory_space<vmem>> -> memref<112xi32, #tpu.memory_space<vmem>>
      %dma_wait3A_314 = arith.constant 0 : i32
      %dma_wait3A_315 = tpu.memref_slice %arg2[%dma_wait3A_302, %add3A, %dma_wait3A_303, %dma_wait3A_314] : memref<2x32x90x112xi32, #tpu.memory_space<hbm>> -> memref<1x1x1x112xi32, #tpu.memory_space<hbm>>
      %dma_wait3A_316 = tpu.memref_squeeze %dma_wait3A_315 : memref<1x1x1x112xi32, #tpu.memory_space<hbm>> -> memref<112xi32, #tpu.memory_space<hbm>>
      tpu.wait_dma2 semaphore(%arg14 : memref<!tpu.dma_semaphore, #tpu.memory_space<semaphore_mem>>) src(%dma_wait3A_316 : memref<112xi32, #tpu.memory_space<hbm>>) dst(%dma_wait3A_313 : memref<112xi32, #tpu.memory_space<vmem>>)
      %dma_wait3A_317 = arith.constant 0 : i32
      %dma_wait3A_318 = arith.constant 0 : i32
      %dma_wait3A_319 = tpu.memref_slice %arg7[%dma_wait3A_317, %dma_wait3A_318] : memref<3x112xi32, #tpu.memory_space<vmem>> -> memref<1x112xi32, #tpu.memory_space<vmem>>
      %dma_wait3A_320 = tpu.memref_squeeze %dma_wait3A_319 : memref<1x112xi32, #tpu.memory_space<vmem>> -> memref<112xi32, #tpu.memory_space<vmem>>
      %dma_wait3A_321 = arith.constant 0 : i32
      %dma_wait3A_322 = arith.constant 0 : i32
      %dma_wait3A_323 = tpu.memref_slice %arg20[%dma_wait3A_321, %dma_wait3A_322] : memref<10240x128xf32, #tpu.memory_space<vmem_shared>> -> memref<10240x128xf32, #tpu.memory_space<vmem_shared>>
      tpu.wait_indirect_dma semaphore(%arg18 : memref<!tpu.dma_semaphore, #tpu.memory_space<semaphore_mem>>) src(%arg9 : memref<112x128xf32, #tpu.memory_space<vmem>>) dst(%dma_wait3A_323 : memref<10240x128xf32, #tpu.memory_space<vmem_shared>>)
      %dma_start3A_324 = arith.constant 0 : i32
      %dma_start3A_325 = arith.constant 0 : i32
      %dma_start3A_326 = tpu.memref_slice %arg6[%dma_start3A_324, %dma_start3A_325] : memref<3x112xi32, #tpu.memory_space<vmem>> -> memref<1x112xi32, #tpu.memory_space<vmem>>
      %dma_start3A_327 = tpu.memref_squeeze %dma_start3A_326 : memref<1x112xi32, #tpu.memory_space<vmem>> -> memref<112xi32, #tpu.memory_space<vmem>>
      %dma_start3A_328 = arith.constant 0 : i32
      %dma_start3A_329 = arith.constant 0 : i32
      %dma_start3A_330 = tpu.memref_slice %arg3[%dma_start3A_328, %dma_start3A_329] : memref<10240x128xf32, #tpu.memory_space<hbm>> -> memref<10240x128xf32, #tpu.memory_space<hbm>>
      tpu.enqueue_indirect_dma source(%dma_start3A_330 : memref<10240x128xf32, #tpu.memory_space<hbm>>) target(%arg8 : memref<112x128xf32, #tpu.memory_space<vmem>>) offsets(%dma_start3A_327 : memref<112xi32, #tpu.memory_space<vmem>>) semaphore(%arg11 : memref<!tpu.dma_semaphore, #tpu.memory_space<semaphore_mem>>)
      %dma_wait3A_331 = arith.constant 0 : i32
      %dma_wait3A_332 = arith.constant 0 : i32
      %dma_wait3A_333 = tpu.memref_slice %arg6[%dma_wait3A_331, %dma_wait3A_332] : memref<3x112xi32, #tpu.memory_space<vmem>> -> memref<1x112xi32, #tpu.memory_space<vmem>>
      %dma_wait3A_334 = tpu.memref_squeeze %dma_wait3A_333 : memref<1x112xi32, #tpu.memory_space<vmem>> -> memref<112xi32, #tpu.memory_space<vmem>>
      %dma_wait3A_335 = arith.constant 0 : i32
      %dma_wait3A_336 = arith.constant 0 : i32
      %dma_wait3A_337 = tpu.memref_slice %arg3[%dma_wait3A_335, %dma_wait3A_336] : memref<10240x128xf32, #tpu.memory_space<hbm>> -> memref<10240x128xf32, #tpu.memory_space<hbm>>
      tpu.wait_indirect_dma semaphore(%arg13 : memref<!tpu.dma_semaphore, #tpu.memory_space<semaphore_mem>>) src(%dma_wait3A_337 : memref<10240x128xf32, #tpu.memory_space<hbm>>) dst(%arg10 : memref<112x128xf32, #tpu.memory_space<vmem>>)
      %dma_start3A_338 = arith.constant 2 : i32
      %dma_start3A_339 = arith.constant 0 : i32
      %dma_start3A_340 = tpu.memref_slice %arg7[%dma_start3A_338, %dma_start3A_339] : memref<3x112xi32, #tpu.memory_space<vmem>> -> memref<1x112xi32, #tpu.memory_space<vmem>>
      %dma_start3A_341 = tpu.memref_squeeze %dma_start3A_340 : memref<1x112xi32, #tpu.memory_space<vmem>> -> memref<112xi32, #tpu.memory_space<vmem>>
      %dma_start3A_342 = arith.constant 0 : i32
      %dma_start3A_343 = arith.constant 0 : i32
      %dma_start3A_344 = tpu.memref_slice %arg20[%dma_start3A_342, %dma_start3A_343] : memref<10240x128xf32, #tpu.memory_space<vmem_shared>> -> memref<10240x128xf32, #tpu.memory_space<vmem_shared>>
      tpu.enqueue_indirect_dma source(%arg10 : memref<112x128xf32, #tpu.memory_space<vmem>>) target(%dma_start3A_344 : memref<10240x128xf32, #tpu.memory_space<vmem_shared>>) offsets(%dma_start3A_341 : memref<112xi32, #tpu.memory_space<vmem>>) semaphore(%arg19 : memref<!tpu.dma_semaphore, #tpu.memory_space<semaphore_mem>>) {add = true}
      %dma_start3A_345 = arith.constant 0 : i32
      %dma_start3A_346 = arith.constant 1 : i32
      %dma_start3A_347 = arith.constant 0 : i32
      %dma_start3A_348 = tpu.memref_slice %arg6[%dma_start3A_346, %dma_start3A_347] : memref<3x112xi32, #tpu.memory_space<vmem>> -> memref<1x112xi32, #tpu.memory_space<vmem>>
      %dma_start3A_349 = tpu.memref_squeeze %dma_start3A_348 : memref<1x112xi32, #tpu.memory_space<vmem>> -> memref<112xi32, #tpu.memory_space<vmem>>
      %dma_start3A_350 = arith.constant 0 : i32
      %dma_start3A_351 = tpu.memref_slice %arg2[%dma_start3A_345, %add3A, %min3A_286, %dma_start3A_350] : memref<2x32x90x112xi32, #tpu.memory_space<hbm>> -> memref<1x1x1x112xi32, #tpu.memory_space<hbm>>
      %dma_start3A_352 = tpu.memref_squeeze %dma_start3A_351 : memref<1x1x1x112xi32, #tpu.memory_space<hbm>> -> memref<112xi32, #tpu.memory_space<hbm>>
      %dma_start3A_353 = arith.constant 0 : i32
      %dma_start3A_354 = tpu.memref_slice %arg6[%dma_start3A_346, %dma_start3A_353] : memref<3x112xi32, #tpu.memory_space<vmem>> -> memref<1x112xi32, #tpu.memory_space<vmem>>
      %dma_start3A_355 = tpu.memref_squeeze %dma_start3A_354 : memref<1x112xi32, #tpu.memory_space<vmem>> -> memref<112xi32, #tpu.memory_space<vmem>>
      %dma_start3A_356 = arith.constant 0 : i32
      %dma_start3A_357 = tpu.memref_slice %arg2[%dma_start3A_345, %add3A, %min3A_286, %dma_start3A_356] : memref<2x32x90x112xi32, #tpu.memory_space<hbm>> -> memref<1x1x1x112xi32, #tpu.memory_space<hbm>>
      %dma_start3A_358 = tpu.memref_squeeze %dma_start3A_357 : memref<1x1x1x112xi32, #tpu.memory_space<hbm>> -> memref<112xi32, #tpu.memory_space<hbm>>
      tpu.enqueue_dma source(%dma_start3A_358 : memref<112xi32, #tpu.memory_space<hbm>>) target(%dma_start3A_355 : memref<112xi32, #tpu.memory_space<vmem>>) target_semaphore(%arg15 : memref<!tpu.dma_semaphore, #tpu.memory_space<semaphore_mem>>)
      %dma_start3A_359 = arith.constant 1 : i32
      %dma_start3A_360 = arith.constant 1 : i32
      %dma_start3A_361 = arith.constant 0 : i32
      %dma_start3A_362 = tpu.memref_slice %arg7[%dma_start3A_360, %dma_start3A_361] : memref<3x112xi32, #tpu.memory_space<vmem>> -> memref<1x112xi32, #tpu.memory_space<vmem>>
      %dma_start3A_363 = tpu.memref_squeeze %dma_start3A_362 : memref<1x112xi32, #tpu.memory_space<vmem>> -> memref<112xi32, #tpu.memory_space<vmem>>
      %dma_start3A_364 = arith.constant 0 : i32
      %dma_start3A_365 = tpu.memref_slice %arg2[%dma_start3A_359, %add3A, %min3A_286, %dma_start3A_364] : memref<2x32x90x112xi32, #tpu.memory_space<hbm>> -> memref<1x1x1x112xi32, #tpu.memory_space<hbm>>
      %dma_start3A_366 = tpu.memref_squeeze %dma_start3A_365 : memref<1x1x1x112xi32, #tpu.memory_space<hbm>> -> memref<112xi32, #tpu.memory_space<hbm>>
      %dma_start3A_367 = arith.constant 0 : i32
      %dma_start3A_368 = tpu.memref_slice %arg7[%dma_start3A_360, %dma_start3A_367] : memref<3x112xi32, #tpu.memory_space<vmem>> -> memref<1x112xi32, #tpu.memory_space<vmem>>
      %dma_start3A_369 = tpu.memref_squeeze %dma_start3A_368 : memref<1x112xi32, #tpu.memory_space<vmem>> -> memref<112xi32, #tpu.memory_space<vmem>>
      %dma_start3A_370 = arith.constant 0 : i32
      %dma_start3A_371 = tpu.memref_slice %arg2[%dma_start3A_359, %add3A, %min3A_286, %dma_start3A_370] : memref<2x32x90x112xi32, #tpu.memory_space<hbm>> -> memref<1x1x1x112xi32, #tpu.memory_space<hbm>>
      %dma_start3A_372 = tpu.memref_squeeze %dma_start3A_371 : memref<1x1x1x112xi32, #tpu.memory_space<hbm>> -> memref<112xi32, #tpu.memory_space<hbm>>
      tpu.enqueue_dma source(%dma_start3A_372 : memref<112xi32, #tpu.memory_space<hbm>>) target(%dma_start3A_369 : memref<112xi32, #tpu.memory_space<vmem>>) target_semaphore(%arg15 : memref<!tpu.dma_semaphore, #tpu.memory_space<semaphore_mem>>)
    }
    %scan3A_47 = arith.constant 30 : i32
    %dma_wait3A = arith.constant 0 : i32
    %dma_wait3A_48 = arith.constant 0 : i32
    %dma_wait3A_49 = tpu.memref_slice %arg6[%dma_wait3A, %dma_wait3A_48] : memref<3x112xi32, #tpu.memory_space<vmem>> -> memref<1x112xi32, #tpu.memory_space<vmem>>
    %dma_wait3A_50 = tpu.memref_squeeze %dma_wait3A_49 : memref<1x112xi32, #tpu.memory_space<vmem>> -> memref<112xi32, #tpu.memory_space<vmem>>
    %dma_wait3A_51 = arith.constant 0 : i32
    %dma_wait3A_52 = arith.constant 0 : i32
    %dma_wait3A_53 = tpu.memref_slice %arg3[%dma_wait3A_51, %dma_wait3A_52] : memref<10240x128xf32, #tpu.memory_space<hbm>> -> memref<10240x128xf32, #tpu.memory_space<hbm>>
    tpu.wait_indirect_dma semaphore(%arg11 : memref<!tpu.dma_semaphore, #tpu.memory_space<semaphore_mem>>) src(%dma_wait3A_53 : memref<10240x128xf32, #tpu.memory_space<hbm>>) dst(%arg8 : memref<112x128xf32, #tpu.memory_space<vmem>>)
    %dma_wait3A_54 = arith.constant 0 : i32
    %dma_wait3A_55 = arith.constant 0 : i32
    %dma_wait3A_56 = tpu.memref_slice %arg7[%dma_wait3A_54, %dma_wait3A_55] : memref<3x112xi32, #tpu.memory_space<vmem>> -> memref<1x112xi32, #tpu.memory_space<vmem>>
    %dma_wait3A_57 = tpu.memref_squeeze %dma_wait3A_56 : memref<1x112xi32, #tpu.memory_space<vmem>> -> memref<112xi32, #tpu.memory_space<vmem>>
    %dma_wait3A_58 = arith.constant 0 : i32
    %dma_wait3A_59 = arith.constant 0 : i32
    %dma_wait3A_60 = tpu.memref_slice %arg20[%dma_wait3A_58, %dma_wait3A_59] : memref<10240x128xf32, #tpu.memory_space<vmem_shared>> -> memref<10240x128xf32, #tpu.memory_space<vmem_shared>>
    tpu.wait_indirect_dma semaphore(%arg19 : memref<!tpu.dma_semaphore, #tpu.memory_space<semaphore_mem>>) src(%arg10 : memref<112x128xf32, #tpu.memory_space<vmem>>) dst(%dma_wait3A_60 : memref<10240x128xf32, #tpu.memory_space<vmem_shared>>)
    %dma_wait3A_61 = arith.constant 0 : i32
    %dma_wait3A_62 = arith.constant 0 : i32
    %dma_wait3A_63 = arith.constant 1 : i32
    %dma_wait3A_64 = arith.constant 0 : i32
    %dma_wait3A_65 = tpu.memref_slice %arg6[%dma_wait3A_63, %dma_wait3A_64] : memref<3x112xi32, #tpu.memory_space<vmem>> -> memref<1x112xi32, #tpu.memory_space<vmem>>
    %dma_wait3A_66 = tpu.memref_squeeze %dma_wait3A_65 : memref<1x112xi32, #tpu.memory_space<vmem>> -> memref<112xi32, #tpu.memory_space<vmem>>
    %dma_wait3A_67 = arith.constant 0 : i32
    %dma_wait3A_68 = tpu.memref_slice %arg2[%dma_wait3A_61, %add3A, %dma_wait3A_62, %dma_wait3A_67] : memref<2x32x90x112xi32, #tpu.memory_space<hbm>> -> memref<1x1x1x112xi32, #tpu.memory_space<hbm>>
    %dma_wait3A_69 = tpu.memref_squeeze %dma_wait3A_68 : memref<1x1x1x112xi32, #tpu.memory_space<hbm>> -> memref<112xi32, #tpu.memory_space<hbm>>
    %dma_wait3A_70 = arith.constant 0 : i32
    %dma_wait3A_71 = tpu.memref_slice %arg6[%dma_wait3A_63, %dma_wait3A_70] : memref<3x112xi32, #tpu.memory_space<vmem>> -> memref<1x112xi32, #tpu.memory_space<vmem>>
    %dma_wait3A_72 = tpu.memref_squeeze %dma_wait3A_71 : memref<1x112xi32, #tpu.memory_space<vmem>> -> memref<112xi32, #tpu.memory_space<vmem>>
    %dma_wait3A_73 = arith.constant 0 : i32
    %dma_wait3A_74 = tpu.memref_slice %arg2[%dma_wait3A_61, %add3A, %dma_wait3A_62, %dma_wait3A_73] : memref<2x32x90x112xi32, #tpu.memory_space<hbm>> -> memref<1x1x1x112xi32, #tpu.memory_space<hbm>>
    %dma_wait3A_75 = tpu.memref_squeeze %dma_wait3A_74 : memref<1x1x1x112xi32, #tpu.memory_space<hbm>> -> memref<112xi32, #tpu.memory_space<hbm>>
    tpu.wait_dma2 semaphore(%arg15 : memref<!tpu.dma_semaphore, #tpu.memory_space<semaphore_mem>>) src(%dma_wait3A_75 : memref<112xi32, #tpu.memory_space<hbm>>) dst(%dma_wait3A_72 : memref<112xi32, #tpu.memory_space<vmem>>)
    %dma_wait3A_76 = arith.constant 1 : i32
    %dma_wait3A_77 = arith.constant 0 : i32
    %dma_wait3A_78 = arith.constant 1 : i32
    %dma_wait3A_79 = arith.constant 0 : i32
    %dma_wait3A_80 = tpu.memref_slice %arg7[%dma_wait3A_78, %dma_wait3A_79] : memref<3x112xi32, #tpu.memory_space<vmem>> -> memref<1x112xi32, #tpu.memory_space<vmem>>
    %dma_wait3A_81 = tpu.memref_squeeze %dma_wait3A_80 : memref<1x112xi32, #tpu.memory_space<vmem>> -> memref<112xi32, #tpu.memory_space<vmem>>
    %dma_wait3A_82 = arith.constant 0 : i32
    %dma_wait3A_83 = tpu.memref_slice %arg2[%dma_wait3A_76, %add3A, %dma_wait3A_77, %dma_wait3A_82] : memref<2x32x90x112xi32, #tpu.memory_space<hbm>> -> memref<1x1x1x112xi32, #tpu.memory_space<hbm>>
    %dma_wait3A_84 = tpu.memref_squeeze %dma_wait3A_83 : memref<1x1x1x112xi32, #tpu.memory_space<hbm>> -> memref<112xi32, #tpu.memory_space<hbm>>
    %dma_wait3A_85 = arith.constant 0 : i32
    %dma_wait3A_86 = tpu.memref_slice %arg7[%dma_wait3A_78, %dma_wait3A_85] : memref<3x112xi32, #tpu.memory_space<vmem>> -> memref<1x112xi32, #tpu.memory_space<vmem>>
    %dma_wait3A_87 = tpu.memref_squeeze %dma_wait3A_86 : memref<1x112xi32, #tpu.memory_space<vmem>> -> memref<112xi32, #tpu.memory_space<vmem>>
    %dma_wait3A_88 = arith.constant 0 : i32
    %dma_wait3A_89 = tpu.memref_slice %arg2[%dma_wait3A_76, %add3A, %dma_wait3A_77, %dma_wait3A_88] : memref<2x32x90x112xi32, #tpu.memory_space<hbm>> -> memref<1x1x1x112xi32, #tpu.memory_space<hbm>>
    %dma_wait3A_90 = tpu.memref_squeeze %dma_wait3A_89 : memref<1x1x1x112xi32, #tpu.memory_space<hbm>> -> memref<112xi32, #tpu.memory_space<hbm>>
    tpu.wait_dma2 semaphore(%arg15 : memref<!tpu.dma_semaphore, #tpu.memory_space<semaphore_mem>>) src(%dma_wait3A_90 : memref<112xi32, #tpu.memory_space<hbm>>) dst(%dma_wait3A_87 : memref<112xi32, #tpu.memory_space<vmem>>)
    %barrier3A_91 = arith.constant 0 : index
    tpu.barrier barrier_id(%barrier3A_91)
    "tpu.region"() ({
      %run_scoped3A_92 = tpu.sem_alloc : memref<!tpu.dma_semaphore, #tpu.memory_space<semaphore_mem>>
      %dma_start3A_93 = arith.constant 0 : i32
      %dma_start3A_94 = tpu.memref_slice %arg5[%arg0, %mul3A_2, %dma_start3A_93] : memref<2x10240x128xf32, #tpu.memory_space<hbm>> -> memref<1x640x128xf32, #tpu.memory_space<hbm>>
      %dma_start3A_95 = tpu.memref_squeeze %dma_start3A_94 : memref<1x640x128xf32, #tpu.memory_space<hbm>> -> memref<640x128xf32, #tpu.memory_space<hbm>>
      %dma_start3A_96 = arith.constant 0 : i32
      %dma_start3A_97 = tpu.memref_slice %arg20[%mul3A_2, %dma_start3A_96] : memref<10240x128xf32, #tpu.memory_space<vmem_shared>> -> memref<640x128xf32, #tpu.memory_space<vmem_shared>>
      tpu.enqueue_dma source(%dma_start3A_97 : memref<640x128xf32, #tpu.memory_space<vmem_shared>>) target(%dma_start3A_95 : memref<640x128xf32, #tpu.memory_space<hbm>>) target_semaphore(%run_scoped3A_92 : memref<!tpu.dma_semaphore, #tpu.memory_space<semaphore_mem>>)
      %dma_wait3A_98 = arith.constant 0 : i32
      %dma_wait3A_99 = tpu.memref_slice %arg5[%arg0, %mul3A_2, %dma_wait3A_98] : memref<2x10240x128xf32, #tpu.memory_space<hbm>> -> memref<1x640x128xf32, #tpu.memory_space<hbm>>
      %dma_wait3A_100 = tpu.memref_squeeze %dma_wait3A_99 : memref<1x640x128xf32, #tpu.memory_space<hbm>> -> memref<640x128xf32, #tpu.memory_space<hbm>>
      %dma_wait3A_101 = arith.constant 0 : i32
      %dma_wait3A_102 = tpu.memref_slice %arg20[%mul3A_2, %dma_wait3A_101] : memref<10240x128xf32, #tpu.memory_space<vmem_shared>> -> memref<640x128xf32, #tpu.memory_space<vmem_shared>>
      tpu.wait_dma2 semaphore(%run_scoped3A_92 : memref<!tpu.dma_semaphore, #tpu.memory_space<semaphore_mem>>) src(%dma_wait3A_102 : memref<640x128xf32, #tpu.memory_space<vmem_shared>>) dst(%dma_wait3A_100 : memref<640x128xf32, #tpu.memory_space<hbm>>)
      tpu.yield
    }) : () -> ()
    return
  }
}

#map = affine_map<(d0, d1) -> (0, 0, 0, 0)>
#map1 = affine_map<(d0, d1) -> (0, 0)>
#map2 = affine_map<(d0, d1) -> (0, 0, 0)>
module attributes {stable_mosaic.version = 14 : i64} {
  func.func @prop_kernel(%arg0: i32, %arg1: i32, %arg2: memref<2x32x90x112xi32, #tpu.memory_space<hbm>>, %arg3: memref<10240x64xf32, #tpu.memory_space<hbm>>, %arg4: memref<640x64xf32, #tpu.memory_space<hbm>>, %arg5: memref<2x10240x64xf32, #tpu.memory_space<hbm>>, %arg6: memref<3x112xi32, #tpu.memory_space<vmem>>, %arg7: memref<3x112xi32, #tpu.memory_space<vmem>>, %arg8: memref<112x64xf32, #tpu.memory_space<vmem>>, %arg9: memref<112x64xf32, #tpu.memory_space<vmem>>, %arg10: memref<112x64xf32, #tpu.memory_space<vmem>>, %arg11: memref<!tpu.dma_semaphore, #tpu.memory_space<semaphore_mem>>, %arg12: memref<!tpu.dma_semaphore, #tpu.memory_space<semaphore_mem>>, %arg13: memref<!tpu.dma_semaphore, #tpu.memory_space<semaphore_mem>>, %arg14: memref<!tpu.dma_semaphore, #tpu.memory_space<semaphore_mem>>, %arg15: memref<!tpu.dma_semaphore, #tpu.memory_space<semaphore_mem>>, %arg16: memref<!tpu.dma_semaphore, #tpu.memory_space<semaphore_mem>>, %arg17: memref<!tpu.dma_semaphore, #tpu.memory_space<semaphore_mem>>, %arg18: memref<!tpu.dma_semaphore, #tpu.memory_space<semaphore_mem>>, %arg19: memref<!tpu.dma_semaphore, #tpu.memory_space<semaphore_mem>>, %arg20: memref<10240x64xf32, #tpu.memory_space<vmem_shared>>) attributes {dimension_semantics = [#tpu.dimension_semantics<core_parallel>, #tpu.dimension_semantics<subcore_parallel>], iteration_bounds = array<i64: 2, 16>, scalar_prefetch = 0 : i64, scratch_operands = 15 : i64, tpu.core_type = #tpu.core_type<sc_vector_subcore>, window_params = [{transform_indices = #map}, {transform_indices = #map1}, {transform_indices = #map1}, {transform_indices = #map2}]} {
    %mul3A = arith.constant 16 : i32
    %mul3A_0 = arith.muli %arg0, %mul3A : i32
    %add3A = arith.addi %mul3A_0, %arg1 : i32
    %mul3A_1 = arith.constant 640 : i32
    %mul3A_2 = arith.muli %arg1, %mul3A_1 : i32
    %run_scoped3A = arith.constant 0 : i32
    %run_scoped3A_3 = arith.constant 0 : i32
    %run_scoped3A_4 = arith.constant 0 : i32
    "tpu.region"() ({
      %run_scoped3A_92 = tpu.sem_alloc : memref<!tpu.dma_semaphore, #tpu.memory_space<semaphore_mem>>
      %dma_start3A_93 = arith.constant 0 : i32
      %dma_start3A_94 = tpu.memref_slice %arg6[%run_scoped3A_4, %dma_start3A_93] : memref<3x112xi32, #tpu.memory_space<vmem>> -> memref<1x112xi32, #tpu.memory_space<vmem>>
      %dma_start3A_95 = tpu.memref_squeeze %dma_start3A_94 : memref<1x112xi32, #tpu.memory_space<vmem>> -> memref<112xi32, #tpu.memory_space<vmem>>
      %dma_start3A_96 = arith.constant 0 : i32
      %dma_start3A_97 = tpu.memref_slice %arg2[%run_scoped3A, %add3A, %run_scoped3A_3, %dma_start3A_96] : memref<2x32x90x112xi32, #tpu.memory_space<hbm>> -> memref<1x1x1x112xi32, #tpu.memory_space<hbm>>
      %dma_start3A_98 = tpu.memref_squeeze %dma_start3A_97 : memref<1x1x1x112xi32, #tpu.memory_space<hbm>> -> memref<112xi32, #tpu.memory_space<hbm>>
      %dma_start3A_99 = arith.constant 0 : i32
      %dma_start3A_100 = tpu.memref_slice %arg6[%run_scoped3A_4, %dma_start3A_99] : memref<3x112xi32, #tpu.memory_space<vmem>> -> memref<1x112xi32, #tpu.memory_space<vmem>>
      %dma_start3A_101 = tpu.memref_squeeze %dma_start3A_100 : memref<1x112xi32, #tpu.memory_space<vmem>> -> memref<112xi32, #tpu.memory_space<vmem>>
      %dma_start3A_102 = arith.constant 0 : i32
      %dma_start3A_103 = tpu.memref_slice %arg2[%run_scoped3A, %add3A, %run_scoped3A_3, %dma_start3A_102] : memref<2x32x90x112xi32, #tpu.memory_space<hbm>> -> memref<1x1x1x112xi32, #tpu.memory_space<hbm>>
      %dma_start3A_104 = tpu.memref_squeeze %dma_start3A_103 : memref<1x1x1x112xi32, #tpu.memory_space<hbm>> -> memref<112xi32, #tpu.memory_space<hbm>>
      tpu.enqueue_dma source(%dma_start3A_104 : memref<112xi32, #tpu.memory_space<hbm>>) target(%dma_start3A_101 : memref<112xi32, #tpu.memory_space<vmem>>) target_semaphore(%run_scoped3A_92 : memref<!tpu.dma_semaphore, #tpu.memory_space<semaphore_mem>>)
      %dma_wait3A_105 = arith.constant 0 : i32
      %dma_wait3A_106 = tpu.memref_slice %arg6[%run_scoped3A_4, %dma_wait3A_105] : memref<3x112xi32, #tpu.memory_space<vmem>> -> memref<1x112xi32, #tpu.memory_space<vmem>>
      %dma_wait3A_107 = tpu.memref_squeeze %dma_wait3A_106 : memref<1x112xi32, #tpu.memory_space<vmem>> -> memref<112xi32, #tpu.memory_space<vmem>>
      %dma_wait3A_108 = arith.constant 0 : i32
      %dma_wait3A_109 = tpu.memref_slice %arg2[%run_scoped3A, %add3A, %run_scoped3A_3, %dma_wait3A_108] : memref<2x32x90x112xi32, #tpu.memory_space<hbm>> -> memref<1x1x1x112xi32, #tpu.memory_space<hbm>>
      %dma_wait3A_110 = tpu.memref_squeeze %dma_wait3A_109 : memref<1x1x1x112xi32, #tpu.memory_space<hbm>> -> memref<112xi32, #tpu.memory_space<hbm>>
      %dma_wait3A_111 = arith.constant 0 : i32
      %dma_wait3A_112 = tpu.memref_slice %arg6[%run_scoped3A_4, %dma_wait3A_111] : memref<3x112xi32, #tpu.memory_space<vmem>> -> memref<1x112xi32, #tpu.memory_space<vmem>>
      %dma_wait3A_113 = tpu.memref_squeeze %dma_wait3A_112 : memref<1x112xi32, #tpu.memory_space<vmem>> -> memref<112xi32, #tpu.memory_space<vmem>>
      %dma_wait3A_114 = arith.constant 0 : i32
      %dma_wait3A_115 = tpu.memref_slice %arg2[%run_scoped3A, %add3A, %run_scoped3A_3, %dma_wait3A_114] : memref<2x32x90x112xi32, #tpu.memory_space<hbm>> -> memref<1x1x1x112xi32, #tpu.memory_space<hbm>>
      %dma_wait3A_116 = tpu.memref_squeeze %dma_wait3A_115 : memref<1x1x1x112xi32, #tpu.memory_space<hbm>> -> memref<112xi32, #tpu.memory_space<hbm>>
      tpu.wait_dma2 semaphore(%run_scoped3A_92 : memref<!tpu.dma_semaphore, #tpu.memory_space<semaphore_mem>>) src(%dma_wait3A_116 : memref<112xi32, #tpu.memory_space<hbm>>) dst(%dma_wait3A_113 : memref<112xi32, #tpu.memory_space<vmem>>)
      tpu.yield
    }) : () -> ()
    %run_scoped3A_5 = arith.constant 1 : i32
    %run_scoped3A_6 = arith.constant 0 : i32
    %run_scoped3A_7 = arith.constant 0 : i32
    "tpu.region"() ({
      %run_scoped3A_92 = tpu.sem_alloc : memref<!tpu.dma_semaphore, #tpu.memory_space<semaphore_mem>>
      %dma_start3A_93 = arith.constant 0 : i32
      %dma_start3A_94 = tpu.memref_slice %arg7[%run_scoped3A_7, %dma_start3A_93] : memref<3x112xi32, #tpu.memory_space<vmem>> -> memref<1x112xi32, #tpu.memory_space<vmem>>
      %dma_start3A_95 = tpu.memref_squeeze %dma_start3A_94 : memref<1x112xi32, #tpu.memory_space<vmem>> -> memref<112xi32, #tpu.memory_space<vmem>>
      %dma_start3A_96 = arith.constant 0 : i32
      %dma_start3A_97 = tpu.memref_slice %arg2[%run_scoped3A_5, %add3A, %run_scoped3A_6, %dma_start3A_96] : memref<2x32x90x112xi32, #tpu.memory_space<hbm>> -> memref<1x1x1x112xi32, #tpu.memory_space<hbm>>
      %dma_start3A_98 = tpu.memref_squeeze %dma_start3A_97 : memref<1x1x1x112xi32, #tpu.memory_space<hbm>> -> memref<112xi32, #tpu.memory_space<hbm>>
      %dma_start3A_99 = arith.constant 0 : i32
      %dma_start3A_100 = tpu.memref_slice %arg7[%run_scoped3A_7, %dma_start3A_99] : memref<3x112xi32, #tpu.memory_space<vmem>> -> memref<1x112xi32, #tpu.memory_space<vmem>>
      %dma_start3A_101 = tpu.memref_squeeze %dma_start3A_100 : memref<1x112xi32, #tpu.memory_space<vmem>> -> memref<112xi32, #tpu.memory_space<vmem>>
      %dma_start3A_102 = arith.constant 0 : i32
      %dma_start3A_103 = tpu.memref_slice %arg2[%run_scoped3A_5, %add3A, %run_scoped3A_6, %dma_start3A_102] : memref<2x32x90x112xi32, #tpu.memory_space<hbm>> -> memref<1x1x1x112xi32, #tpu.memory_space<hbm>>
      %dma_start3A_104 = tpu.memref_squeeze %dma_start3A_103 : memref<1x1x1x112xi32, #tpu.memory_space<hbm>> -> memref<112xi32, #tpu.memory_space<hbm>>
      tpu.enqueue_dma source(%dma_start3A_104 : memref<112xi32, #tpu.memory_space<hbm>>) target(%dma_start3A_101 : memref<112xi32, #tpu.memory_space<vmem>>) target_semaphore(%run_scoped3A_92 : memref<!tpu.dma_semaphore, #tpu.memory_space<semaphore_mem>>)
      %dma_wait3A_105 = arith.constant 0 : i32
      %dma_wait3A_106 = tpu.memref_slice %arg7[%run_scoped3A_7, %dma_wait3A_105] : memref<3x112xi32, #tpu.memory_space<vmem>> -> memref<1x112xi32, #tpu.memory_space<vmem>>
      %dma_wait3A_107 = tpu.memref_squeeze %dma_wait3A_106 : memref<1x112xi32, #tpu.memory_space<vmem>> -> memref<112xi32, #tpu.memory_space<vmem>>
      %dma_wait3A_108 = arith.constant 0 : i32
      %dma_wait3A_109 = tpu.memref_slice %arg2[%run_scoped3A_5, %add3A, %run_scoped3A_6, %dma_wait3A_108] : memref<2x32x90x112xi32, #tpu.memory_space<hbm>> -> memref<1x1x1x112xi32, #tpu.memory_space<hbm>>
      %dma_wait3A_110 = tpu.memref_squeeze %dma_wait3A_109 : memref<1x1x1x112xi32, #tpu.memory_space<hbm>> -> memref<112xi32, #tpu.memory_space<hbm>>
      %dma_wait3A_111 = arith.constant 0 : i32
      %dma_wait3A_112 = tpu.memref_slice %arg7[%run_scoped3A_7, %dma_wait3A_111] : memref<3x112xi32, #tpu.memory_space<vmem>> -> memref<1x112xi32, #tpu.memory_space<vmem>>
      %dma_wait3A_113 = tpu.memref_squeeze %dma_wait3A_112 : memref<1x112xi32, #tpu.memory_space<vmem>> -> memref<112xi32, #tpu.memory_space<vmem>>
      %dma_wait3A_114 = arith.constant 0 : i32
      %dma_wait3A_115 = tpu.memref_slice %arg2[%run_scoped3A_5, %add3A, %run_scoped3A_6, %dma_wait3A_114] : memref<2x32x90x112xi32, #tpu.memory_space<hbm>> -> memref<1x1x1x112xi32, #tpu.memory_space<hbm>>
      %dma_wait3A_116 = tpu.memref_squeeze %dma_wait3A_115 : memref<1x1x1x112xi32, #tpu.memory_space<hbm>> -> memref<112xi32, #tpu.memory_space<hbm>>
      tpu.wait_dma2 semaphore(%run_scoped3A_92 : memref<!tpu.dma_semaphore, #tpu.memory_space<semaphore_mem>>) src(%dma_wait3A_116 : memref<112xi32, #tpu.memory_space<hbm>>) dst(%dma_wait3A_113 : memref<112xi32, #tpu.memory_space<vmem>>)
      tpu.yield
    }) : () -> ()
    "tpu.region"() ({
      %run_scoped3A_92 = tpu.sem_alloc : memref<!tpu.dma_semaphore, #tpu.memory_space<semaphore_mem>>
      %dma_start3A_93 = arith.constant 0 : i32
      %dma_start3A_94 = tpu.memref_slice %arg20[%mul3A_2, %dma_start3A_93] : memref<10240x64xf32, #tpu.memory_space<vmem_shared>> -> memref<640x64xf32, #tpu.memory_space<vmem_shared>>
      tpu.enqueue_dma source(%arg4 : memref<640x64xf32, #tpu.memory_space<hbm>>) target(%dma_start3A_94 : memref<640x64xf32, #tpu.memory_space<vmem_shared>>) target_semaphore(%run_scoped3A_92 : memref<!tpu.dma_semaphore, #tpu.memory_space<semaphore_mem>>)
      %dma_wait3A_95 = arith.constant 0 : i32
      %dma_wait3A_96 = tpu.memref_slice %arg20[%mul3A_2, %dma_wait3A_95] : memref<10240x64xf32, #tpu.memory_space<vmem_shared>> -> memref<640x64xf32, #tpu.memory_space<vmem_shared>>
      tpu.wait_dma2 semaphore(%run_scoped3A_92 : memref<!tpu.dma_semaphore, #tpu.memory_space<semaphore_mem>>) src(%arg4 : memref<640x64xf32, #tpu.memory_space<hbm>>) dst(%dma_wait3A_96 : memref<640x64xf32, #tpu.memory_space<vmem_shared>>)
      tpu.yield
    }) : () -> ()
    %barrier3A = arith.constant 0 : index
    tpu.barrier barrier_id(%barrier3A)
    %dma_start3A = arith.constant 0 : i32
    %dma_start3A_8 = arith.constant 0 : i32
    %dma_start3A_9 = tpu.memref_slice %arg6[%dma_start3A, %dma_start3A_8] : memref<3x112xi32, #tpu.memory_space<vmem>> -> memref<1x112xi32, #tpu.memory_space<vmem>>
    %dma_start3A_10 = tpu.memref_squeeze %dma_start3A_9 : memref<1x112xi32, #tpu.memory_space<vmem>> -> memref<112xi32, #tpu.memory_space<vmem>>
    %dma_start3A_11 = arith.constant 0 : i32
    %dma_start3A_12 = arith.constant 0 : i32
    %dma_start3A_13 = tpu.memref_slice %arg3[%dma_start3A_11, %dma_start3A_12] : memref<10240x64xf32, #tpu.memory_space<hbm>> -> memref<10240x64xf32, #tpu.memory_space<hbm>>
    tpu.enqueue_indirect_dma source(%dma_start3A_13 : memref<10240x64xf32, #tpu.memory_space<hbm>>) target(%arg8 : memref<112x64xf32, #tpu.memory_space<vmem>>) offsets(%dma_start3A_10 : memref<112xi32, #tpu.memory_space<vmem>>) semaphore(%arg11 : memref<!tpu.dma_semaphore, #tpu.memory_space<semaphore_mem>>)
    %dma_start3A_14 = arith.constant 0 : i32
    %dma_start3A_15 = arith.constant 1 : i32
    %dma_start3A_16 = arith.constant 1 : i32
    %dma_start3A_17 = arith.constant 0 : i32
    %dma_start3A_18 = tpu.memref_slice %arg6[%dma_start3A_16, %dma_start3A_17] : memref<3x112xi32, #tpu.memory_space<vmem>> -> memref<1x112xi32, #tpu.memory_space<vmem>>
    %dma_start3A_19 = tpu.memref_squeeze %dma_start3A_18 : memref<1x112xi32, #tpu.memory_space<vmem>> -> memref<112xi32, #tpu.memory_space<vmem>>
    %dma_start3A_20 = arith.constant 0 : i32
    %dma_start3A_21 = tpu.memref_slice %arg2[%dma_start3A_14, %add3A, %dma_start3A_15, %dma_start3A_20] : memref<2x32x90x112xi32, #tpu.memory_space<hbm>> -> memref<1x1x1x112xi32, #tpu.memory_space<hbm>>
    %dma_start3A_22 = tpu.memref_squeeze %dma_start3A_21 : memref<1x1x1x112xi32, #tpu.memory_space<hbm>> -> memref<112xi32, #tpu.memory_space<hbm>>
    %dma_start3A_23 = arith.constant 0 : i32
    %dma_start3A_24 = tpu.memref_slice %arg6[%dma_start3A_16, %dma_start3A_23] : memref<3x112xi32, #tpu.memory_space<vmem>> -> memref<1x112xi32, #tpu.memory_space<vmem>>
    %dma_start3A_25 = tpu.memref_squeeze %dma_start3A_24 : memref<1x112xi32, #tpu.memory_space<vmem>> -> memref<112xi32, #tpu.memory_space<vmem>>
    %dma_start3A_26 = arith.constant 0 : i32
    %dma_start3A_27 = tpu.memref_slice %arg2[%dma_start3A_14, %add3A, %dma_start3A_15, %dma_start3A_26] : memref<2x32x90x112xi32, #tpu.memory_space<hbm>> -> memref<1x1x1x112xi32, #tpu.memory_space<hbm>>
    %dma_start3A_28 = tpu.memref_squeeze %dma_start3A_27 : memref<1x1x1x112xi32, #tpu.memory_space<hbm>> -> memref<112xi32, #tpu.memory_space<hbm>>
    tpu.enqueue_dma source(%dma_start3A_28 : memref<112xi32, #tpu.memory_space<hbm>>) target(%dma_start3A_25 : memref<112xi32, #tpu.memory_space<vmem>>) target_semaphore(%arg15 : memref<!tpu.dma_semaphore, #tpu.memory_space<semaphore_mem>>)
    %dma_start3A_29 = arith.constant 1 : i32
    %dma_start3A_30 = arith.constant 1 : i32
    %dma_start3A_31 = arith.constant 1 : i32
    %dma_start3A_32 = arith.constant 0 : i32
    %dma_start3A_33 = tpu.memref_slice %arg7[%dma_start3A_31, %dma_start3A_32] : memref<3x112xi32, #tpu.memory_space<vmem>> -> memref<1x112xi32, #tpu.memory_space<vmem>>
    %dma_start3A_34 = tpu.memref_squeeze %dma_start3A_33 : memref<1x112xi32, #tpu.memory_space<vmem>> -> memref<112xi32, #tpu.memory_space<vmem>>
    %dma_start3A_35 = arith.constant 0 : i32
    %dma_start3A_36 = tpu.memref_slice %arg2[%dma_start3A_29, %add3A, %dma_start3A_30, %dma_start3A_35] : memref<2x32x90x112xi32, #tpu.memory_space<hbm>> -> memref<1x1x1x112xi32, #tpu.memory_space<hbm>>
    %dma_start3A_37 = tpu.memref_squeeze %dma_start3A_36 : memref<1x1x1x112xi32, #tpu.memory_space<hbm>> -> memref<112xi32, #tpu.memory_space<hbm>>
    %dma_start3A_38 = arith.constant 0 : i32
    %dma_start3A_39 = tpu.memref_slice %arg7[%dma_start3A_31, %dma_start3A_38] : memref<3x112xi32, #tpu.memory_space<vmem>> -> memref<1x112xi32, #tpu.memory_space<vmem>>
    %dma_start3A_40 = tpu.memref_squeeze %dma_start3A_39 : memref<1x112xi32, #tpu.memory_space<vmem>> -> memref<112xi32, #tpu.memory_space<vmem>>
    %dma_start3A_41 = arith.constant 0 : i32
    %dma_start3A_42 = tpu.memref_slice %arg2[%dma_start3A_29, %add3A, %dma_start3A_30, %dma_start3A_41] : memref<2x32x90x112xi32, #tpu.memory_space<hbm>> -> memref<1x1x1x112xi32, #tpu.memory_space<hbm>>
    %dma_start3A_43 = tpu.memref_squeeze %dma_start3A_42 : memref<1x1x1x112xi32, #tpu.memory_space<hbm>> -> memref<112xi32, #tpu.memory_space<hbm>>
    tpu.enqueue_dma source(%dma_start3A_43 : memref<112xi32, #tpu.memory_space<hbm>>) target(%dma_start3A_40 : memref<112xi32, #tpu.memory_space<vmem>>) target_semaphore(%arg15 : memref<!tpu.dma_semaphore, #tpu.memory_space<semaphore_mem>>)
    %scan3A = arith.constant 0 : i32
    %scan3A_44 = arith.constant 30 : i32
    %scan3A_45 = arith.addi %scan3A, %scan3A_44 : i32
    %scan3A_46 = arith.constant 1 : i32
    scf.for %scan3A_92 = %scan3A to %scan3A_45 step %scan3A_46  : i32 {
      %mul3A_93 = arith.constant 1 : i32
      %mul3A_94 = arith.muli %scan3A_92, %mul3A_93 : i32
      %add3A_95 = arith.constant 0 : i32
      %add3A_96 = arith.addi %add3A_95, %mul3A_94 : i32
      %mul3A_97 = arith.constant 3 : i32
      %mul3A_98 = arith.muli %mul3A_97, %add3A_96 : i32
      %add3A_99 = arith.constant 0 : i32
      %add3A_100 = arith.addi %mul3A_98, %add3A_99 : i32
      %add3A_101 = arith.constant 2 : i32
      %add3A_102 = arith.addi %add3A_100, %add3A_101 : i32
      %min3A = arith.constant 89 : i32
      %min3A_103 = arith.minsi %add3A_102, %min3A : i32
      %dma_wait3A_104 = arith.constant 0 : i32
      %dma_wait3A_105 = arith.constant 0 : i32
      %dma_wait3A_106 = arith.constant 1 : i32
      %dma_wait3A_107 = arith.constant 0 : i32
      %dma_wait3A_108 = tpu.memref_slice %arg6[%dma_wait3A_106, %dma_wait3A_107] : memref<3x112xi32, #tpu.memory_space<vmem>> -> memref<1x112xi32, #tpu.memory_space<vmem>>
      %dma_wait3A_109 = tpu.memref_squeeze %dma_wait3A_108 : memref<1x112xi32, #tpu.memory_space<vmem>> -> memref<112xi32, #tpu.memory_space<vmem>>
      %dma_wait3A_110 = arith.constant 0 : i32
      %dma_wait3A_111 = tpu.memref_slice %arg2[%dma_wait3A_104, %add3A, %dma_wait3A_105, %dma_wait3A_110] : memref<2x32x90x112xi32, #tpu.memory_space<hbm>> -> memref<1x1x1x112xi32, #tpu.memory_space<hbm>>
      %dma_wait3A_112 = tpu.memref_squeeze %dma_wait3A_111 : memref<1x1x1x112xi32, #tpu.memory_space<hbm>> -> memref<112xi32, #tpu.memory_space<hbm>>
      %dma_wait3A_113 = arith.constant 0 : i32
      %dma_wait3A_114 = tpu.memref_slice %arg6[%dma_wait3A_106, %dma_wait3A_113] : memref<3x112xi32, #tpu.memory_space<vmem>> -> memref<1x112xi32, #tpu.memory_space<vmem>>
      %dma_wait3A_115 = tpu.memref_squeeze %dma_wait3A_114 : memref<1x112xi32, #tpu.memory_space<vmem>> -> memref<112xi32, #tpu.memory_space<vmem>>
      %dma_wait3A_116 = arith.constant 0 : i32
      %dma_wait3A_117 = tpu.memref_slice %arg2[%dma_wait3A_104, %add3A, %dma_wait3A_105, %dma_wait3A_116] : memref<2x32x90x112xi32, #tpu.memory_space<hbm>> -> memref<1x1x1x112xi32, #tpu.memory_space<hbm>>
      %dma_wait3A_118 = tpu.memref_squeeze %dma_wait3A_117 : memref<1x1x1x112xi32, #tpu.memory_space<hbm>> -> memref<112xi32, #tpu.memory_space<hbm>>
      tpu.wait_dma2 semaphore(%arg15 : memref<!tpu.dma_semaphore, #tpu.memory_space<semaphore_mem>>) src(%dma_wait3A_118 : memref<112xi32, #tpu.memory_space<hbm>>) dst(%dma_wait3A_115 : memref<112xi32, #tpu.memory_space<vmem>>)
      %dma_wait3A_119 = arith.constant 1 : i32
      %dma_wait3A_120 = arith.constant 0 : i32
      %dma_wait3A_121 = arith.constant 1 : i32
      %dma_wait3A_122 = arith.constant 0 : i32
      %dma_wait3A_123 = tpu.memref_slice %arg7[%dma_wait3A_121, %dma_wait3A_122] : memref<3x112xi32, #tpu.memory_space<vmem>> -> memref<1x112xi32, #tpu.memory_space<vmem>>
      %dma_wait3A_124 = tpu.memref_squeeze %dma_wait3A_123 : memref<1x112xi32, #tpu.memory_space<vmem>> -> memref<112xi32, #tpu.memory_space<vmem>>
      %dma_wait3A_125 = arith.constant 0 : i32
      %dma_wait3A_126 = tpu.memref_slice %arg2[%dma_wait3A_119, %add3A, %dma_wait3A_120, %dma_wait3A_125] : memref<2x32x90x112xi32, #tpu.memory_space<hbm>> -> memref<1x1x1x112xi32, #tpu.memory_space<hbm>>
      %dma_wait3A_127 = tpu.memref_squeeze %dma_wait3A_126 : memref<1x1x1x112xi32, #tpu.memory_space<hbm>> -> memref<112xi32, #tpu.memory_space<hbm>>
      %dma_wait3A_128 = arith.constant 0 : i32
      %dma_wait3A_129 = tpu.memref_slice %arg7[%dma_wait3A_121, %dma_wait3A_128] : memref<3x112xi32, #tpu.memory_space<vmem>> -> memref<1x112xi32, #tpu.memory_space<vmem>>
      %dma_wait3A_130 = tpu.memref_squeeze %dma_wait3A_129 : memref<1x112xi32, #tpu.memory_space<vmem>> -> memref<112xi32, #tpu.memory_space<vmem>>
      %dma_wait3A_131 = arith.constant 0 : i32
      %dma_wait3A_132 = tpu.memref_slice %arg2[%dma_wait3A_119, %add3A, %dma_wait3A_120, %dma_wait3A_131] : memref<2x32x90x112xi32, #tpu.memory_space<hbm>> -> memref<1x1x1x112xi32, #tpu.memory_space<hbm>>
      %dma_wait3A_133 = tpu.memref_squeeze %dma_wait3A_132 : memref<1x1x1x112xi32, #tpu.memory_space<hbm>> -> memref<112xi32, #tpu.memory_space<hbm>>
      tpu.wait_dma2 semaphore(%arg15 : memref<!tpu.dma_semaphore, #tpu.memory_space<semaphore_mem>>) src(%dma_wait3A_133 : memref<112xi32, #tpu.memory_space<hbm>>) dst(%dma_wait3A_130 : memref<112xi32, #tpu.memory_space<vmem>>)
      %gt3A = arith.constant 0 : i32
      %gt3A_134 = arith.cmpi sgt, %add3A_96, %gt3A : i32
      %convert_element_type3A = arith.extui %gt3A_134 : i1 to i32
      %cond3A = arith.constant 0 : i32
      %cond3A_135 = arith.cmpi ne, %convert_element_type3A, %cond3A : i32
      scf.if %cond3A_135 {
        %dma_wait3A_373 = arith.constant 0 : i32
        %dma_wait3A_374 = arith.constant 0 : i32
        %dma_wait3A_375 = tpu.memref_slice %arg7[%dma_wait3A_373, %dma_wait3A_374] : memref<3x112xi32, #tpu.memory_space<vmem>> -> memref<1x112xi32, #tpu.memory_space<vmem>>
        %dma_wait3A_376 = tpu.memref_squeeze %dma_wait3A_375 : memref<1x112xi32, #tpu.memory_space<vmem>> -> memref<112xi32, #tpu.memory_space<vmem>>
        %dma_wait3A_377 = arith.constant 0 : i32
        %dma_wait3A_378 = arith.constant 0 : i32
        %dma_wait3A_379 = tpu.memref_slice %arg20[%dma_wait3A_377, %dma_wait3A_378] : memref<10240x64xf32, #tpu.memory_space<vmem_shared>> -> memref<10240x64xf32, #tpu.memory_space<vmem_shared>>
        tpu.wait_indirect_dma semaphore(%arg19 : memref<!tpu.dma_semaphore, #tpu.memory_space<semaphore_mem>>) src(%arg10 : memref<112x64xf32, #tpu.memory_space<vmem>>) dst(%dma_wait3A_379 : memref<10240x64xf32, #tpu.memory_space<vmem_shared>>)
      } else {
      }
      %dma_start3A_136 = arith.constant 1 : i32
      %dma_start3A_137 = arith.constant 0 : i32
      %dma_start3A_138 = tpu.memref_slice %arg6[%dma_start3A_136, %dma_start3A_137] : memref<3x112xi32, #tpu.memory_space<vmem>> -> memref<1x112xi32, #tpu.memory_space<vmem>>
      %dma_start3A_139 = tpu.memref_squeeze %dma_start3A_138 : memref<1x112xi32, #tpu.memory_space<vmem>> -> memref<112xi32, #tpu.memory_space<vmem>>
      %dma_start3A_140 = arith.constant 0 : i32
      %dma_start3A_141 = arith.constant 0 : i32
      %dma_start3A_142 = tpu.memref_slice %arg3[%dma_start3A_140, %dma_start3A_141] : memref<10240x64xf32, #tpu.memory_space<hbm>> -> memref<10240x64xf32, #tpu.memory_space<hbm>>
      tpu.enqueue_indirect_dma source(%dma_start3A_142 : memref<10240x64xf32, #tpu.memory_space<hbm>>) target(%arg9 : memref<112x64xf32, #tpu.memory_space<vmem>>) offsets(%dma_start3A_139 : memref<112xi32, #tpu.memory_space<vmem>>) semaphore(%arg12 : memref<!tpu.dma_semaphore, #tpu.memory_space<semaphore_mem>>)
      %dma_wait3A_143 = arith.constant 0 : i32
      %dma_wait3A_144 = arith.constant 0 : i32
      %dma_wait3A_145 = tpu.memref_slice %arg6[%dma_wait3A_143, %dma_wait3A_144] : memref<3x112xi32, #tpu.memory_space<vmem>> -> memref<1x112xi32, #tpu.memory_space<vmem>>
      %dma_wait3A_146 = tpu.memref_squeeze %dma_wait3A_145 : memref<1x112xi32, #tpu.memory_space<vmem>> -> memref<112xi32, #tpu.memory_space<vmem>>
      %dma_wait3A_147 = arith.constant 0 : i32
      %dma_wait3A_148 = arith.constant 0 : i32
      %dma_wait3A_149 = tpu.memref_slice %arg3[%dma_wait3A_147, %dma_wait3A_148] : memref<10240x64xf32, #tpu.memory_space<hbm>> -> memref<10240x64xf32, #tpu.memory_space<hbm>>
      tpu.wait_indirect_dma semaphore(%arg11 : memref<!tpu.dma_semaphore, #tpu.memory_space<semaphore_mem>>) src(%dma_wait3A_149 : memref<10240x64xf32, #tpu.memory_space<hbm>>) dst(%arg8 : memref<112x64xf32, #tpu.memory_space<vmem>>)
      %dma_start3A_150 = arith.constant 0 : i32
      %dma_start3A_151 = arith.constant 0 : i32
      %dma_start3A_152 = tpu.memref_slice %arg7[%dma_start3A_150, %dma_start3A_151] : memref<3x112xi32, #tpu.memory_space<vmem>> -> memref<1x112xi32, #tpu.memory_space<vmem>>
      %dma_start3A_153 = tpu.memref_squeeze %dma_start3A_152 : memref<1x112xi32, #tpu.memory_space<vmem>> -> memref<112xi32, #tpu.memory_space<vmem>>
      %dma_start3A_154 = arith.constant 0 : i32
      %dma_start3A_155 = arith.constant 0 : i32
      %dma_start3A_156 = tpu.memref_slice %arg20[%dma_start3A_154, %dma_start3A_155] : memref<10240x64xf32, #tpu.memory_space<vmem_shared>> -> memref<10240x64xf32, #tpu.memory_space<vmem_shared>>
      tpu.enqueue_indirect_dma source(%arg8 : memref<112x64xf32, #tpu.memory_space<vmem>>) target(%dma_start3A_156 : memref<10240x64xf32, #tpu.memory_space<vmem_shared>>) offsets(%dma_start3A_153 : memref<112xi32, #tpu.memory_space<vmem>>) semaphore(%arg17 : memref<!tpu.dma_semaphore, #tpu.memory_space<semaphore_mem>>) {add = true}
      %dma_start3A_157 = arith.constant 0 : i32
      %dma_start3A_158 = arith.constant 2 : i32
      %dma_start3A_159 = arith.constant 0 : i32
      %dma_start3A_160 = tpu.memref_slice %arg6[%dma_start3A_158, %dma_start3A_159] : memref<3x112xi32, #tpu.memory_space<vmem>> -> memref<1x112xi32, #tpu.memory_space<vmem>>
      %dma_start3A_161 = tpu.memref_squeeze %dma_start3A_160 : memref<1x112xi32, #tpu.memory_space<vmem>> -> memref<112xi32, #tpu.memory_space<vmem>>
      %dma_start3A_162 = arith.constant 0 : i32
      %dma_start3A_163 = tpu.memref_slice %arg2[%dma_start3A_157, %add3A, %min3A_103, %dma_start3A_162] : memref<2x32x90x112xi32, #tpu.memory_space<hbm>> -> memref<1x1x1x112xi32, #tpu.memory_space<hbm>>
      %dma_start3A_164 = tpu.memref_squeeze %dma_start3A_163 : memref<1x1x1x112xi32, #tpu.memory_space<hbm>> -> memref<112xi32, #tpu.memory_space<hbm>>
      %dma_start3A_165 = arith.constant 0 : i32
      %dma_start3A_166 = tpu.memref_slice %arg6[%dma_start3A_158, %dma_start3A_165] : memref<3x112xi32, #tpu.memory_space<vmem>> -> memref<1x112xi32, #tpu.memory_space<vmem>>
      %dma_start3A_167 = tpu.memref_squeeze %dma_start3A_166 : memref<1x112xi32, #tpu.memory_space<vmem>> -> memref<112xi32, #tpu.memory_space<vmem>>
      %dma_start3A_168 = arith.constant 0 : i32
      %dma_start3A_169 = tpu.memref_slice %arg2[%dma_start3A_157, %add3A, %min3A_103, %dma_start3A_168] : memref<2x32x90x112xi32, #tpu.memory_space<hbm>> -> memref<1x1x1x112xi32, #tpu.memory_space<hbm>>
      %dma_start3A_170 = tpu.memref_squeeze %dma_start3A_169 : memref<1x1x1x112xi32, #tpu.memory_space<hbm>> -> memref<112xi32, #tpu.memory_space<hbm>>
      tpu.enqueue_dma source(%dma_start3A_170 : memref<112xi32, #tpu.memory_space<hbm>>) target(%dma_start3A_167 : memref<112xi32, #tpu.memory_space<vmem>>) target_semaphore(%arg16 : memref<!tpu.dma_semaphore, #tpu.memory_space<semaphore_mem>>)
      %dma_start3A_171 = arith.constant 1 : i32
      %dma_start3A_172 = arith.constant 2 : i32
      %dma_start3A_173 = arith.constant 0 : i32
      %dma_start3A_174 = tpu.memref_slice %arg7[%dma_start3A_172, %dma_start3A_173] : memref<3x112xi32, #tpu.memory_space<vmem>> -> memref<1x112xi32, #tpu.memory_space<vmem>>
      %dma_start3A_175 = tpu.memref_squeeze %dma_start3A_174 : memref<1x112xi32, #tpu.memory_space<vmem>> -> memref<112xi32, #tpu.memory_space<vmem>>
      %dma_start3A_176 = arith.constant 0 : i32
      %dma_start3A_177 = tpu.memref_slice %arg2[%dma_start3A_171, %add3A, %min3A_103, %dma_start3A_176] : memref<2x32x90x112xi32, #tpu.memory_space<hbm>> -> memref<1x1x1x112xi32, #tpu.memory_space<hbm>>
      %dma_start3A_178 = tpu.memref_squeeze %dma_start3A_177 : memref<1x1x1x112xi32, #tpu.memory_space<hbm>> -> memref<112xi32, #tpu.memory_space<hbm>>
      %dma_start3A_179 = arith.constant 0 : i32
      %dma_start3A_180 = tpu.memref_slice %arg7[%dma_start3A_172, %dma_start3A_179] : memref<3x112xi32, #tpu.memory_space<vmem>> -> memref<1x112xi32, #tpu.memory_space<vmem>>
      %dma_start3A_181 = tpu.memref_squeeze %dma_start3A_180 : memref<1x112xi32, #tpu.memory_space<vmem>> -> memref<112xi32, #tpu.memory_space<vmem>>
      %dma_start3A_182 = arith.constant 0 : i32
      %dma_start3A_183 = tpu.memref_slice %arg2[%dma_start3A_171, %add3A, %min3A_103, %dma_start3A_182] : memref<2x32x90x112xi32, #tpu.memory_space<hbm>> -> memref<1x1x1x112xi32, #tpu.memory_space<hbm>>
      %dma_start3A_184 = tpu.memref_squeeze %dma_start3A_183 : memref<1x1x1x112xi32, #tpu.memory_space<hbm>> -> memref<112xi32, #tpu.memory_space<hbm>>
      tpu.enqueue_dma source(%dma_start3A_184 : memref<112xi32, #tpu.memory_space<hbm>>) target(%dma_start3A_181 : memref<112xi32, #tpu.memory_space<vmem>>) target_semaphore(%arg16 : memref<!tpu.dma_semaphore, #tpu.memory_space<semaphore_mem>>)
      %mul3A_185 = arith.constant 3 : i32
      %mul3A_186 = arith.muli %mul3A_185, %add3A_96 : i32
      %add3A_187 = arith.constant 1 : i32
      %add3A_188 = arith.addi %mul3A_186, %add3A_187 : i32
      %add3A_189 = arith.constant 2 : i32
      %add3A_190 = arith.addi %add3A_188, %add3A_189 : i32
      %min3A_191 = arith.constant 89 : i32
      %min3A_192 = arith.minsi %add3A_190, %min3A_191 : i32
      %dma_wait3A_193 = arith.constant 0 : i32
      %dma_wait3A_194 = arith.constant 0 : i32
      %dma_wait3A_195 = arith.constant 2 : i32
      %dma_wait3A_196 = arith.constant 0 : i32
      %dma_wait3A_197 = tpu.memref_slice %arg6[%dma_wait3A_195, %dma_wait3A_196] : memref<3x112xi32, #tpu.memory_space<vmem>> -> memref<1x112xi32, #tpu.memory_space<vmem>>
      %dma_wait3A_198 = tpu.memref_squeeze %dma_wait3A_197 : memref<1x112xi32, #tpu.memory_space<vmem>> -> memref<112xi32, #tpu.memory_space<vmem>>
      %dma_wait3A_199 = arith.constant 0 : i32
      %dma_wait3A_200 = tpu.memref_slice %arg2[%dma_wait3A_193, %add3A, %dma_wait3A_194, %dma_wait3A_199] : memref<2x32x90x112xi32, #tpu.memory_space<hbm>> -> memref<1x1x1x112xi32, #tpu.memory_space<hbm>>
      %dma_wait3A_201 = tpu.memref_squeeze %dma_wait3A_200 : memref<1x1x1x112xi32, #tpu.memory_space<hbm>> -> memref<112xi32, #tpu.memory_space<hbm>>
      %dma_wait3A_202 = arith.constant 0 : i32
      %dma_wait3A_203 = tpu.memref_slice %arg6[%dma_wait3A_195, %dma_wait3A_202] : memref<3x112xi32, #tpu.memory_space<vmem>> -> memref<1x112xi32, #tpu.memory_space<vmem>>
      %dma_wait3A_204 = tpu.memref_squeeze %dma_wait3A_203 : memref<1x112xi32, #tpu.memory_space<vmem>> -> memref<112xi32, #tpu.memory_space<vmem>>
      %dma_wait3A_205 = arith.constant 0 : i32
      %dma_wait3A_206 = tpu.memref_slice %arg2[%dma_wait3A_193, %add3A, %dma_wait3A_194, %dma_wait3A_205] : memref<2x32x90x112xi32, #tpu.memory_space<hbm>> -> memref<1x1x1x112xi32, #tpu.memory_space<hbm>>
      %dma_wait3A_207 = tpu.memref_squeeze %dma_wait3A_206 : memref<1x1x1x112xi32, #tpu.memory_space<hbm>> -> memref<112xi32, #tpu.memory_space<hbm>>
      tpu.wait_dma2 semaphore(%arg16 : memref<!tpu.dma_semaphore, #tpu.memory_space<semaphore_mem>>) src(%dma_wait3A_207 : memref<112xi32, #tpu.memory_space<hbm>>) dst(%dma_wait3A_204 : memref<112xi32, #tpu.memory_space<vmem>>)
      %dma_wait3A_208 = arith.constant 1 : i32
      %dma_wait3A_209 = arith.constant 0 : i32
      %dma_wait3A_210 = arith.constant 2 : i32
      %dma_wait3A_211 = arith.constant 0 : i32
      %dma_wait3A_212 = tpu.memref_slice %arg7[%dma_wait3A_210, %dma_wait3A_211] : memref<3x112xi32, #tpu.memory_space<vmem>> -> memref<1x112xi32, #tpu.memory_space<vmem>>
      %dma_wait3A_213 = tpu.memref_squeeze %dma_wait3A_212 : memref<1x112xi32, #tpu.memory_space<vmem>> -> memref<112xi32, #tpu.memory_space<vmem>>
      %dma_wait3A_214 = arith.constant 0 : i32
      %dma_wait3A_215 = tpu.memref_slice %arg2[%dma_wait3A_208, %add3A, %dma_wait3A_209, %dma_wait3A_214] : memref<2x32x90x112xi32, #tpu.memory_space<hbm>> -> memref<1x1x1x112xi32, #tpu.memory_space<hbm>>
      %dma_wait3A_216 = tpu.memref_squeeze %dma_wait3A_215 : memref<1x1x1x112xi32, #tpu.memory_space<hbm>> -> memref<112xi32, #tpu.memory_space<hbm>>
      %dma_wait3A_217 = arith.constant 0 : i32
      %dma_wait3A_218 = tpu.memref_slice %arg7[%dma_wait3A_210, %dma_wait3A_217] : memref<3x112xi32, #tpu.memory_space<vmem>> -> memref<1x112xi32, #tpu.memory_space<vmem>>
      %dma_wait3A_219 = tpu.memref_squeeze %dma_wait3A_218 : memref<1x112xi32, #tpu.memory_space<vmem>> -> memref<112xi32, #tpu.memory_space<vmem>>
      %dma_wait3A_220 = arith.constant 0 : i32
      %dma_wait3A_221 = tpu.memref_slice %arg2[%dma_wait3A_208, %add3A, %dma_wait3A_209, %dma_wait3A_220] : memref<2x32x90x112xi32, #tpu.memory_space<hbm>> -> memref<1x1x1x112xi32, #tpu.memory_space<hbm>>
      %dma_wait3A_222 = tpu.memref_squeeze %dma_wait3A_221 : memref<1x1x1x112xi32, #tpu.memory_space<hbm>> -> memref<112xi32, #tpu.memory_space<hbm>>
      tpu.wait_dma2 semaphore(%arg16 : memref<!tpu.dma_semaphore, #tpu.memory_space<semaphore_mem>>) src(%dma_wait3A_222 : memref<112xi32, #tpu.memory_space<hbm>>) dst(%dma_wait3A_219 : memref<112xi32, #tpu.memory_space<vmem>>)
      %dma_wait3A_223 = arith.constant 0 : i32
      %dma_wait3A_224 = arith.constant 0 : i32
      %dma_wait3A_225 = tpu.memref_slice %arg7[%dma_wait3A_223, %dma_wait3A_224] : memref<3x112xi32, #tpu.memory_space<vmem>> -> memref<1x112xi32, #tpu.memory_space<vmem>>
      %dma_wait3A_226 = tpu.memref_squeeze %dma_wait3A_225 : memref<1x112xi32, #tpu.memory_space<vmem>> -> memref<112xi32, #tpu.memory_space<vmem>>
      %dma_wait3A_227 = arith.constant 0 : i32
      %dma_wait3A_228 = arith.constant 0 : i32
      %dma_wait3A_229 = tpu.memref_slice %arg20[%dma_wait3A_227, %dma_wait3A_228] : memref<10240x64xf32, #tpu.memory_space<vmem_shared>> -> memref<10240x64xf32, #tpu.memory_space<vmem_shared>>
      tpu.wait_indirect_dma semaphore(%arg17 : memref<!tpu.dma_semaphore, #tpu.memory_space<semaphore_mem>>) src(%arg8 : memref<112x64xf32, #tpu.memory_space<vmem>>) dst(%dma_wait3A_229 : memref<10240x64xf32, #tpu.memory_space<vmem_shared>>)
      %dma_start3A_230 = arith.constant 2 : i32
      %dma_start3A_231 = arith.constant 0 : i32
      %dma_start3A_232 = tpu.memref_slice %arg6[%dma_start3A_230, %dma_start3A_231] : memref<3x112xi32, #tpu.memory_space<vmem>> -> memref<1x112xi32, #tpu.memory_space<vmem>>
      %dma_start3A_233 = tpu.memref_squeeze %dma_start3A_232 : memref<1x112xi32, #tpu.memory_space<vmem>> -> memref<112xi32, #tpu.memory_space<vmem>>
      %dma_start3A_234 = arith.constant 0 : i32
      %dma_start3A_235 = arith.constant 0 : i32
      %dma_start3A_236 = tpu.memref_slice %arg3[%dma_start3A_234, %dma_start3A_235] : memref<10240x64xf32, #tpu.memory_space<hbm>> -> memref<10240x64xf32, #tpu.memory_space<hbm>>
      tpu.enqueue_indirect_dma source(%dma_start3A_236 : memref<10240x64xf32, #tpu.memory_space<hbm>>) target(%arg10 : memref<112x64xf32, #tpu.memory_space<vmem>>) offsets(%dma_start3A_233 : memref<112xi32, #tpu.memory_space<vmem>>) semaphore(%arg13 : memref<!tpu.dma_semaphore, #tpu.memory_space<semaphore_mem>>)
      %dma_wait3A_237 = arith.constant 0 : i32
      %dma_wait3A_238 = arith.constant 0 : i32
      %dma_wait3A_239 = tpu.memref_slice %arg6[%dma_wait3A_237, %dma_wait3A_238] : memref<3x112xi32, #tpu.memory_space<vmem>> -> memref<1x112xi32, #tpu.memory_space<vmem>>
      %dma_wait3A_240 = tpu.memref_squeeze %dma_wait3A_239 : memref<1x112xi32, #tpu.memory_space<vmem>> -> memref<112xi32, #tpu.memory_space<vmem>>
      %dma_wait3A_241 = arith.constant 0 : i32
      %dma_wait3A_242 = arith.constant 0 : i32
      %dma_wait3A_243 = tpu.memref_slice %arg3[%dma_wait3A_241, %dma_wait3A_242] : memref<10240x64xf32, #tpu.memory_space<hbm>> -> memref<10240x64xf32, #tpu.memory_space<hbm>>
      tpu.wait_indirect_dma semaphore(%arg12 : memref<!tpu.dma_semaphore, #tpu.memory_space<semaphore_mem>>) src(%dma_wait3A_243 : memref<10240x64xf32, #tpu.memory_space<hbm>>) dst(%arg9 : memref<112x64xf32, #tpu.memory_space<vmem>>)
      %dma_start3A_244 = arith.constant 1 : i32
      %dma_start3A_245 = arith.constant 0 : i32
      %dma_start3A_246 = tpu.memref_slice %arg7[%dma_start3A_244, %dma_start3A_245] : memref<3x112xi32, #tpu.memory_space<vmem>> -> memref<1x112xi32, #tpu.memory_space<vmem>>
      %dma_start3A_247 = tpu.memref_squeeze %dma_start3A_246 : memref<1x112xi32, #tpu.memory_space<vmem>> -> memref<112xi32, #tpu.memory_space<vmem>>
      %dma_start3A_248 = arith.constant 0 : i32
      %dma_start3A_249 = arith.constant 0 : i32
      %dma_start3A_250 = tpu.memref_slice %arg20[%dma_start3A_248, %dma_start3A_249] : memref<10240x64xf32, #tpu.memory_space<vmem_shared>> -> memref<10240x64xf32, #tpu.memory_space<vmem_shared>>
      tpu.enqueue_indirect_dma source(%arg9 : memref<112x64xf32, #tpu.memory_space<vmem>>) target(%dma_start3A_250 : memref<10240x64xf32, #tpu.memory_space<vmem_shared>>) offsets(%dma_start3A_247 : memref<112xi32, #tpu.memory_space<vmem>>) semaphore(%arg18 : memref<!tpu.dma_semaphore, #tpu.memory_space<semaphore_mem>>) {add = true}
      %dma_start3A_251 = arith.constant 0 : i32
      %dma_start3A_252 = arith.constant 0 : i32
      %dma_start3A_253 = arith.constant 0 : i32
      %dma_start3A_254 = tpu.memref_slice %arg6[%dma_start3A_252, %dma_start3A_253] : memref<3x112xi32, #tpu.memory_space<vmem>> -> memref<1x112xi32, #tpu.memory_space<vmem>>
      %dma_start3A_255 = tpu.memref_squeeze %dma_start3A_254 : memref<1x112xi32, #tpu.memory_space<vmem>> -> memref<112xi32, #tpu.memory_space<vmem>>
      %dma_start3A_256 = arith.constant 0 : i32
      %dma_start3A_257 = tpu.memref_slice %arg2[%dma_start3A_251, %add3A, %min3A_192, %dma_start3A_256] : memref<2x32x90x112xi32, #tpu.memory_space<hbm>> -> memref<1x1x1x112xi32, #tpu.memory_space<hbm>>
      %dma_start3A_258 = tpu.memref_squeeze %dma_start3A_257 : memref<1x1x1x112xi32, #tpu.memory_space<hbm>> -> memref<112xi32, #tpu.memory_space<hbm>>
      %dma_start3A_259 = arith.constant 0 : i32
      %dma_start3A_260 = tpu.memref_slice %arg6[%dma_start3A_252, %dma_start3A_259] : memref<3x112xi32, #tpu.memory_space<vmem>> -> memref<1x112xi32, #tpu.memory_space<vmem>>
      %dma_start3A_261 = tpu.memref_squeeze %dma_start3A_260 : memref<1x112xi32, #tpu.memory_space<vmem>> -> memref<112xi32, #tpu.memory_space<vmem>>
      %dma_start3A_262 = arith.constant 0 : i32
      %dma_start3A_263 = tpu.memref_slice %arg2[%dma_start3A_251, %add3A, %min3A_192, %dma_start3A_262] : memref<2x32x90x112xi32, #tpu.memory_space<hbm>> -> memref<1x1x1x112xi32, #tpu.memory_space<hbm>>
      %dma_start3A_264 = tpu.memref_squeeze %dma_start3A_263 : memref<1x1x1x112xi32, #tpu.memory_space<hbm>> -> memref<112xi32, #tpu.memory_space<hbm>>
      tpu.enqueue_dma source(%dma_start3A_264 : memref<112xi32, #tpu.memory_space<hbm>>) target(%dma_start3A_261 : memref<112xi32, #tpu.memory_space<vmem>>) target_semaphore(%arg14 : memref<!tpu.dma_semaphore, #tpu.memory_space<semaphore_mem>>)
      %dma_start3A_265 = arith.constant 1 : i32
      %dma_start3A_266 = arith.constant 0 : i32
      %dma_start3A_267 = arith.constant 0 : i32
      %dma_start3A_268 = tpu.memref_slice %arg7[%dma_start3A_266, %dma_start3A_267] : memref<3x112xi32, #tpu.memory_space<vmem>> -> memref<1x112xi32, #tpu.memory_space<vmem>>
      %dma_start3A_269 = tpu.memref_squeeze %dma_start3A_268 : memref<1x112xi32, #tpu.memory_space<vmem>> -> memref<112xi32, #tpu.memory_space<vmem>>
      %dma_start3A_270 = arith.constant 0 : i32
      %dma_start3A_271 = tpu.memref_slice %arg2[%dma_start3A_265, %add3A, %min3A_192, %dma_start3A_270] : memref<2x32x90x112xi32, #tpu.memory_space<hbm>> -> memref<1x1x1x112xi32, #tpu.memory_space<hbm>>
      %dma_start3A_272 = tpu.memref_squeeze %dma_start3A_271 : memref<1x1x1x112xi32, #tpu.memory_space<hbm>> -> memref<112xi32, #tpu.memory_space<hbm>>
      %dma_start3A_273 = arith.constant 0 : i32
      %dma_start3A_274 = tpu.memref_slice %arg7[%dma_start3A_266, %dma_start3A_273] : memref<3x112xi32, #tpu.memory_space<vmem>> -> memref<1x112xi32, #tpu.memory_space<vmem>>
      %dma_start3A_275 = tpu.memref_squeeze %dma_start3A_274 : memref<1x112xi32, #tpu.memory_space<vmem>> -> memref<112xi32, #tpu.memory_space<vmem>>
      %dma_start3A_276 = arith.constant 0 : i32
      %dma_start3A_277 = tpu.memref_slice %arg2[%dma_start3A_265, %add3A, %min3A_192, %dma_start3A_276] : memref<2x32x90x112xi32, #tpu.memory_space<hbm>> -> memref<1x1x1x112xi32, #tpu.memory_space<hbm>>
      %dma_start3A_278 = tpu.memref_squeeze %dma_start3A_277 : memref<1x1x1x112xi32, #tpu.memory_space<hbm>> -> memref<112xi32, #tpu.memory_space<hbm>>
      tpu.enqueue_dma source(%dma_start3A_278 : memref<112xi32, #tpu.memory_space<hbm>>) target(%dma_start3A_275 : memref<112xi32, #tpu.memory_space<vmem>>) target_semaphore(%arg14 : memref<!tpu.dma_semaphore, #tpu.memory_space<semaphore_mem>>)
      %mul3A_279 = arith.constant 3 : i32
      %mul3A_280 = arith.muli %mul3A_279, %add3A_96 : i32
      %add3A_281 = arith.constant 2 : i32
      %add3A_282 = arith.addi %mul3A_280, %add3A_281 : i32
      %add3A_283 = arith.constant 2 : i32
      %add3A_284 = arith.addi %add3A_282, %add3A_283 : i32
      %min3A_285 = arith.constant 89 : i32
      %min3A_286 = arith.minsi %add3A_284, %min3A_285 : i32
      %dma_wait3A_287 = arith.constant 0 : i32
      %dma_wait3A_288 = arith.constant 0 : i32
      %dma_wait3A_289 = arith.constant 0 : i32
      %dma_wait3A_290 = arith.constant 0 : i32
      %dma_wait3A_291 = tpu.memref_slice %arg6[%dma_wait3A_289, %dma_wait3A_290] : memref<3x112xi32, #tpu.memory_space<vmem>> -> memref<1x112xi32, #tpu.memory_space<vmem>>
      %dma_wait3A_292 = tpu.memref_squeeze %dma_wait3A_291 : memref<1x112xi32, #tpu.memory_space<vmem>> -> memref<112xi32, #tpu.memory_space<vmem>>
      %dma_wait3A_293 = arith.constant 0 : i32
      %dma_wait3A_294 = tpu.memref_slice %arg2[%dma_wait3A_287, %add3A, %dma_wait3A_288, %dma_wait3A_293] : memref<2x32x90x112xi32, #tpu.memory_space<hbm>> -> memref<1x1x1x112xi32, #tpu.memory_space<hbm>>
      %dma_wait3A_295 = tpu.memref_squeeze %dma_wait3A_294 : memref<1x1x1x112xi32, #tpu.memory_space<hbm>> -> memref<112xi32, #tpu.memory_space<hbm>>
      %dma_wait3A_296 = arith.constant 0 : i32
      %dma_wait3A_297 = tpu.memref_slice %arg6[%dma_wait3A_289, %dma_wait3A_296] : memref<3x112xi32, #tpu.memory_space<vmem>> -> memref<1x112xi32, #tpu.memory_space<vmem>>
      %dma_wait3A_298 = tpu.memref_squeeze %dma_wait3A_297 : memref<1x112xi32, #tpu.memory_space<vmem>> -> memref<112xi32, #tpu.memory_space<vmem>>
      %dma_wait3A_299 = arith.constant 0 : i32
      %dma_wait3A_300 = tpu.memref_slice %arg2[%dma_wait3A_287, %add3A, %dma_wait3A_288, %dma_wait3A_299] : memref<2x32x90x112xi32, #tpu.memory_space<hbm>> -> memref<1x1x1x112xi32, #tpu.memory_space<hbm>>
      %dma_wait3A_301 = tpu.memref_squeeze %dma_wait3A_300 : memref<1x1x1x112xi32, #tpu.memory_space<hbm>> -> memref<112xi32, #tpu.memory_space<hbm>>
      tpu.wait_dma2 semaphore(%arg14 : memref<!tpu.dma_semaphore, #tpu.memory_space<semaphore_mem>>) src(%dma_wait3A_301 : memref<112xi32, #tpu.memory_space<hbm>>) dst(%dma_wait3A_298 : memref<112xi32, #tpu.memory_space<vmem>>)
      %dma_wait3A_302 = arith.constant 1 : i32
      %dma_wait3A_303 = arith.constant 0 : i32
      %dma_wait3A_304 = arith.constant 0 : i32
      %dma_wait3A_305 = arith.constant 0 : i32
      %dma_wait3A_306 = tpu.memref_slice %arg7[%dma_wait3A_304, %dma_wait3A_305] : memref<3x112xi32, #tpu.memory_space<vmem>> -> memref<1x112xi32, #tpu.memory_space<vmem>>
      %dma_wait3A_307 = tpu.memref_squeeze %dma_wait3A_306 : memref<1x112xi32, #tpu.memory_space<vmem>> -> memref<112xi32, #tpu.memory_space<vmem>>
      %dma_wait3A_308 = arith.constant 0 : i32
      %dma_wait3A_309 = tpu.memref_slice %arg2[%dma_wait3A_302, %add3A, %dma_wait3A_303, %dma_wait3A_308] : memref<2x32x90x112xi32, #tpu.memory_space<hbm>> -> memref<1x1x1x112xi32, #tpu.memory_space<hbm>>
      %dma_wait3A_310 = tpu.memref_squeeze %dma_wait3A_309 : memref<1x1x1x112xi32, #tpu.memory_space<hbm>> -> memref<112xi32, #tpu.memory_space<hbm>>
      %dma_wait3A_311 = arith.constant 0 : i32
      %dma_wait3A_312 = tpu.memref_slice %arg7[%dma_wait3A_304, %dma_wait3A_311] : memref<3x112xi32, #tpu.memory_space<vmem>> -> memref<1x112xi32, #tpu.memory_space<vmem>>
      %dma_wait3A_313 = tpu.memref_squeeze %dma_wait3A_312 : memref<1x112xi32, #tpu.memory_space<vmem>> -> memref<112xi32, #tpu.memory_space<vmem>>
      %dma_wait3A_314 = arith.constant 0 : i32
      %dma_wait3A_315 = tpu.memref_slice %arg2[%dma_wait3A_302, %add3A, %dma_wait3A_303, %dma_wait3A_314] : memref<2x32x90x112xi32, #tpu.memory_space<hbm>> -> memref<1x1x1x112xi32, #tpu.memory_space<hbm>>
      %dma_wait3A_316 = tpu.memref_squeeze %dma_wait3A_315 : memref<1x1x1x112xi32, #tpu.memory_space<hbm>> -> memref<112xi32, #tpu.memory_space<hbm>>
      tpu.wait_dma2 semaphore(%arg14 : memref<!tpu.dma_semaphore, #tpu.memory_space<semaphore_mem>>) src(%dma_wait3A_316 : memref<112xi32, #tpu.memory_space<hbm>>) dst(%dma_wait3A_313 : memref<112xi32, #tpu.memory_space<vmem>>)
      %dma_wait3A_317 = arith.constant 0 : i32
      %dma_wait3A_318 = arith.constant 0 : i32
      %dma_wait3A_319 = tpu.memref_slice %arg7[%dma_wait3A_317, %dma_wait3A_318] : memref<3x112xi32, #tpu.memory_space<vmem>> -> memref<1x112xi32, #tpu.memory_space<vmem>>
      %dma_wait3A_320 = tpu.memref_squeeze %dma_wait3A_319 : memref<1x112xi32, #tpu.memory_space<vmem>> -> memref<112xi32, #tpu.memory_space<vmem>>
      %dma_wait3A_321 = arith.constant 0 : i32
      %dma_wait3A_322 = arith.constant 0 : i32
      %dma_wait3A_323 = tpu.memref_slice %arg20[%dma_wait3A_321, %dma_wait3A_322] : memref<10240x64xf32, #tpu.memory_space<vmem_shared>> -> memref<10240x64xf32, #tpu.memory_space<vmem_shared>>
      tpu.wait_indirect_dma semaphore(%arg18 : memref<!tpu.dma_semaphore, #tpu.memory_space<semaphore_mem>>) src(%arg9 : memref<112x64xf32, #tpu.memory_space<vmem>>) dst(%dma_wait3A_323 : memref<10240x64xf32, #tpu.memory_space<vmem_shared>>)
      %dma_start3A_324 = arith.constant 0 : i32
      %dma_start3A_325 = arith.constant 0 : i32
      %dma_start3A_326 = tpu.memref_slice %arg6[%dma_start3A_324, %dma_start3A_325] : memref<3x112xi32, #tpu.memory_space<vmem>> -> memref<1x112xi32, #tpu.memory_space<vmem>>
      %dma_start3A_327 = tpu.memref_squeeze %dma_start3A_326 : memref<1x112xi32, #tpu.memory_space<vmem>> -> memref<112xi32, #tpu.memory_space<vmem>>
      %dma_start3A_328 = arith.constant 0 : i32
      %dma_start3A_329 = arith.constant 0 : i32
      %dma_start3A_330 = tpu.memref_slice %arg3[%dma_start3A_328, %dma_start3A_329] : memref<10240x64xf32, #tpu.memory_space<hbm>> -> memref<10240x64xf32, #tpu.memory_space<hbm>>
      tpu.enqueue_indirect_dma source(%dma_start3A_330 : memref<10240x64xf32, #tpu.memory_space<hbm>>) target(%arg8 : memref<112x64xf32, #tpu.memory_space<vmem>>) offsets(%dma_start3A_327 : memref<112xi32, #tpu.memory_space<vmem>>) semaphore(%arg11 : memref<!tpu.dma_semaphore, #tpu.memory_space<semaphore_mem>>)
      %dma_wait3A_331 = arith.constant 0 : i32
      %dma_wait3A_332 = arith.constant 0 : i32
      %dma_wait3A_333 = tpu.memref_slice %arg6[%dma_wait3A_331, %dma_wait3A_332] : memref<3x112xi32, #tpu.memory_space<vmem>> -> memref<1x112xi32, #tpu.memory_space<vmem>>
      %dma_wait3A_334 = tpu.memref_squeeze %dma_wait3A_333 : memref<1x112xi32, #tpu.memory_space<vmem>> -> memref<112xi32, #tpu.memory_space<vmem>>
      %dma_wait3A_335 = arith.constant 0 : i32
      %dma_wait3A_336 = arith.constant 0 : i32
      %dma_wait3A_337 = tpu.memref_slice %arg3[%dma_wait3A_335, %dma_wait3A_336] : memref<10240x64xf32, #tpu.memory_space<hbm>> -> memref<10240x64xf32, #tpu.memory_space<hbm>>
      tpu.wait_indirect_dma semaphore(%arg13 : memref<!tpu.dma_semaphore, #tpu.memory_space<semaphore_mem>>) src(%dma_wait3A_337 : memref<10240x64xf32, #tpu.memory_space<hbm>>) dst(%arg10 : memref<112x64xf32, #tpu.memory_space<vmem>>)
      %dma_start3A_338 = arith.constant 2 : i32
      %dma_start3A_339 = arith.constant 0 : i32
      %dma_start3A_340 = tpu.memref_slice %arg7[%dma_start3A_338, %dma_start3A_339] : memref<3x112xi32, #tpu.memory_space<vmem>> -> memref<1x112xi32, #tpu.memory_space<vmem>>
      %dma_start3A_341 = tpu.memref_squeeze %dma_start3A_340 : memref<1x112xi32, #tpu.memory_space<vmem>> -> memref<112xi32, #tpu.memory_space<vmem>>
      %dma_start3A_342 = arith.constant 0 : i32
      %dma_start3A_343 = arith.constant 0 : i32
      %dma_start3A_344 = tpu.memref_slice %arg20[%dma_start3A_342, %dma_start3A_343] : memref<10240x64xf32, #tpu.memory_space<vmem_shared>> -> memref<10240x64xf32, #tpu.memory_space<vmem_shared>>
      tpu.enqueue_indirect_dma source(%arg10 : memref<112x64xf32, #tpu.memory_space<vmem>>) target(%dma_start3A_344 : memref<10240x64xf32, #tpu.memory_space<vmem_shared>>) offsets(%dma_start3A_341 : memref<112xi32, #tpu.memory_space<vmem>>) semaphore(%arg19 : memref<!tpu.dma_semaphore, #tpu.memory_space<semaphore_mem>>) {add = true}
      %dma_start3A_345 = arith.constant 0 : i32
      %dma_start3A_346 = arith.constant 1 : i32
      %dma_start3A_347 = arith.constant 0 : i32
      %dma_start3A_348 = tpu.memref_slice %arg6[%dma_start3A_346, %dma_start3A_347] : memref<3x112xi32, #tpu.memory_space<vmem>> -> memref<1x112xi32, #tpu.memory_space<vmem>>
      %dma_start3A_349 = tpu.memref_squeeze %dma_start3A_348 : memref<1x112xi32, #tpu.memory_space<vmem>> -> memref<112xi32, #tpu.memory_space<vmem>>
      %dma_start3A_350 = arith.constant 0 : i32
      %dma_start3A_351 = tpu.memref_slice %arg2[%dma_start3A_345, %add3A, %min3A_286, %dma_start3A_350] : memref<2x32x90x112xi32, #tpu.memory_space<hbm>> -> memref<1x1x1x112xi32, #tpu.memory_space<hbm>>
      %dma_start3A_352 = tpu.memref_squeeze %dma_start3A_351 : memref<1x1x1x112xi32, #tpu.memory_space<hbm>> -> memref<112xi32, #tpu.memory_space<hbm>>
      %dma_start3A_353 = arith.constant 0 : i32
      %dma_start3A_354 = tpu.memref_slice %arg6[%dma_start3A_346, %dma_start3A_353] : memref<3x112xi32, #tpu.memory_space<vmem>> -> memref<1x112xi32, #tpu.memory_space<vmem>>
      %dma_start3A_355 = tpu.memref_squeeze %dma_start3A_354 : memref<1x112xi32, #tpu.memory_space<vmem>> -> memref<112xi32, #tpu.memory_space<vmem>>
      %dma_start3A_356 = arith.constant 0 : i32
      %dma_start3A_357 = tpu.memref_slice %arg2[%dma_start3A_345, %add3A, %min3A_286, %dma_start3A_356] : memref<2x32x90x112xi32, #tpu.memory_space<hbm>> -> memref<1x1x1x112xi32, #tpu.memory_space<hbm>>
      %dma_start3A_358 = tpu.memref_squeeze %dma_start3A_357 : memref<1x1x1x112xi32, #tpu.memory_space<hbm>> -> memref<112xi32, #tpu.memory_space<hbm>>
      tpu.enqueue_dma source(%dma_start3A_358 : memref<112xi32, #tpu.memory_space<hbm>>) target(%dma_start3A_355 : memref<112xi32, #tpu.memory_space<vmem>>) target_semaphore(%arg15 : memref<!tpu.dma_semaphore, #tpu.memory_space<semaphore_mem>>)
      %dma_start3A_359 = arith.constant 1 : i32
      %dma_start3A_360 = arith.constant 1 : i32
      %dma_start3A_361 = arith.constant 0 : i32
      %dma_start3A_362 = tpu.memref_slice %arg7[%dma_start3A_360, %dma_start3A_361] : memref<3x112xi32, #tpu.memory_space<vmem>> -> memref<1x112xi32, #tpu.memory_space<vmem>>
      %dma_start3A_363 = tpu.memref_squeeze %dma_start3A_362 : memref<1x112xi32, #tpu.memory_space<vmem>> -> memref<112xi32, #tpu.memory_space<vmem>>
      %dma_start3A_364 = arith.constant 0 : i32
      %dma_start3A_365 = tpu.memref_slice %arg2[%dma_start3A_359, %add3A, %min3A_286, %dma_start3A_364] : memref<2x32x90x112xi32, #tpu.memory_space<hbm>> -> memref<1x1x1x112xi32, #tpu.memory_space<hbm>>
      %dma_start3A_366 = tpu.memref_squeeze %dma_start3A_365 : memref<1x1x1x112xi32, #tpu.memory_space<hbm>> -> memref<112xi32, #tpu.memory_space<hbm>>
      %dma_start3A_367 = arith.constant 0 : i32
      %dma_start3A_368 = tpu.memref_slice %arg7[%dma_start3A_360, %dma_start3A_367] : memref<3x112xi32, #tpu.memory_space<vmem>> -> memref<1x112xi32, #tpu.memory_space<vmem>>
      %dma_start3A_369 = tpu.memref_squeeze %dma_start3A_368 : memref<1x112xi32, #tpu.memory_space<vmem>> -> memref<112xi32, #tpu.memory_space<vmem>>
      %dma_start3A_370 = arith.constant 0 : i32
      %dma_start3A_371 = tpu.memref_slice %arg2[%dma_start3A_359, %add3A, %min3A_286, %dma_start3A_370] : memref<2x32x90x112xi32, #tpu.memory_space<hbm>> -> memref<1x1x1x112xi32, #tpu.memory_space<hbm>>
      %dma_start3A_372 = tpu.memref_squeeze %dma_start3A_371 : memref<1x1x1x112xi32, #tpu.memory_space<hbm>> -> memref<112xi32, #tpu.memory_space<hbm>>
      tpu.enqueue_dma source(%dma_start3A_372 : memref<112xi32, #tpu.memory_space<hbm>>) target(%dma_start3A_369 : memref<112xi32, #tpu.memory_space<vmem>>) target_semaphore(%arg15 : memref<!tpu.dma_semaphore, #tpu.memory_space<semaphore_mem>>)
    }
    %scan3A_47 = arith.constant 30 : i32
    %dma_wait3A = arith.constant 0 : i32
    %dma_wait3A_48 = arith.constant 0 : i32
    %dma_wait3A_49 = tpu.memref_slice %arg6[%dma_wait3A, %dma_wait3A_48] : memref<3x112xi32, #tpu.memory_space<vmem>> -> memref<1x112xi32, #tpu.memory_space<vmem>>
    %dma_wait3A_50 = tpu.memref_squeeze %dma_wait3A_49 : memref<1x112xi32, #tpu.memory_space<vmem>> -> memref<112xi32, #tpu.memory_space<vmem>>
    %dma_wait3A_51 = arith.constant 0 : i32
    %dma_wait3A_52 = arith.constant 0 : i32
    %dma_wait3A_53 = tpu.memref_slice %arg3[%dma_wait3A_51, %dma_wait3A_52] : memref<10240x64xf32, #tpu.memory_space<hbm>> -> memref<10240x64xf32, #tpu.memory_space<hbm>>
    tpu.wait_indirect_dma semaphore(%arg11 : memref<!tpu.dma_semaphore, #tpu.memory_space<semaphore_mem>>) src(%dma_wait3A_53 : memref<10240x64xf32, #tpu.memory_space<hbm>>) dst(%arg8 : memref<112x64xf32, #tpu.memory_space<vmem>>)
    %dma_wait3A_54 = arith.constant 0 : i32
    %dma_wait3A_55 = arith.constant 0 : i32
    %dma_wait3A_56 = tpu.memref_slice %arg7[%dma_wait3A_54, %dma_wait3A_55] : memref<3x112xi32, #tpu.memory_space<vmem>> -> memref<1x112xi32, #tpu.memory_space<vmem>>
    %dma_wait3A_57 = tpu.memref_squeeze %dma_wait3A_56 : memref<1x112xi32, #tpu.memory_space<vmem>> -> memref<112xi32, #tpu.memory_space<vmem>>
    %dma_wait3A_58 = arith.constant 0 : i32
    %dma_wait3A_59 = arith.constant 0 : i32
    %dma_wait3A_60 = tpu.memref_slice %arg20[%dma_wait3A_58, %dma_wait3A_59] : memref<10240x64xf32, #tpu.memory_space<vmem_shared>> -> memref<10240x64xf32, #tpu.memory_space<vmem_shared>>
    tpu.wait_indirect_dma semaphore(%arg19 : memref<!tpu.dma_semaphore, #tpu.memory_space<semaphore_mem>>) src(%arg10 : memref<112x64xf32, #tpu.memory_space<vmem>>) dst(%dma_wait3A_60 : memref<10240x64xf32, #tpu.memory_space<vmem_shared>>)
    %dma_wait3A_61 = arith.constant 0 : i32
    %dma_wait3A_62 = arith.constant 0 : i32
    %dma_wait3A_63 = arith.constant 1 : i32
    %dma_wait3A_64 = arith.constant 0 : i32
    %dma_wait3A_65 = tpu.memref_slice %arg6[%dma_wait3A_63, %dma_wait3A_64] : memref<3x112xi32, #tpu.memory_space<vmem>> -> memref<1x112xi32, #tpu.memory_space<vmem>>
    %dma_wait3A_66 = tpu.memref_squeeze %dma_wait3A_65 : memref<1x112xi32, #tpu.memory_space<vmem>> -> memref<112xi32, #tpu.memory_space<vmem>>
    %dma_wait3A_67 = arith.constant 0 : i32
    %dma_wait3A_68 = tpu.memref_slice %arg2[%dma_wait3A_61, %add3A, %dma_wait3A_62, %dma_wait3A_67] : memref<2x32x90x112xi32, #tpu.memory_space<hbm>> -> memref<1x1x1x112xi32, #tpu.memory_space<hbm>>
    %dma_wait3A_69 = tpu.memref_squeeze %dma_wait3A_68 : memref<1x1x1x112xi32, #tpu.memory_space<hbm>> -> memref<112xi32, #tpu.memory_space<hbm>>
    %dma_wait3A_70 = arith.constant 0 : i32
    %dma_wait3A_71 = tpu.memref_slice %arg6[%dma_wait3A_63, %dma_wait3A_70] : memref<3x112xi32, #tpu.memory_space<vmem>> -> memref<1x112xi32, #tpu.memory_space<vmem>>
    %dma_wait3A_72 = tpu.memref_squeeze %dma_wait3A_71 : memref<1x112xi32, #tpu.memory_space<vmem>> -> memref<112xi32, #tpu.memory_space<vmem>>
    %dma_wait3A_73 = arith.constant 0 : i32
    %dma_wait3A_74 = tpu.memref_slice %arg2[%dma_wait3A_61, %add3A, %dma_wait3A_62, %dma_wait3A_73] : memref<2x32x90x112xi32, #tpu.memory_space<hbm>> -> memref<1x1x1x112xi32, #tpu.memory_space<hbm>>
    %dma_wait3A_75 = tpu.memref_squeeze %dma_wait3A_74 : memref<1x1x1x112xi32, #tpu.memory_space<hbm>> -> memref<112xi32, #tpu.memory_space<hbm>>
    tpu.wait_dma2 semaphore(%arg15 : memref<!tpu.dma_semaphore, #tpu.memory_space<semaphore_mem>>) src(%dma_wait3A_75 : memref<112xi32, #tpu.memory_space<hbm>>) dst(%dma_wait3A_72 : memref<112xi32, #tpu.memory_space<vmem>>)
    %dma_wait3A_76 = arith.constant 1 : i32
    %dma_wait3A_77 = arith.constant 0 : i32
    %dma_wait3A_78 = arith.constant 1 : i32
    %dma_wait3A_79 = arith.constant 0 : i32
    %dma_wait3A_80 = tpu.memref_slice %arg7[%dma_wait3A_78, %dma_wait3A_79] : memref<3x112xi32, #tpu.memory_space<vmem>> -> memref<1x112xi32, #tpu.memory_space<vmem>>
    %dma_wait3A_81 = tpu.memref_squeeze %dma_wait3A_80 : memref<1x112xi32, #tpu.memory_space<vmem>> -> memref<112xi32, #tpu.memory_space<vmem>>
    %dma_wait3A_82 = arith.constant 0 : i32
    %dma_wait3A_83 = tpu.memref_slice %arg2[%dma_wait3A_76, %add3A, %dma_wait3A_77, %dma_wait3A_82] : memref<2x32x90x112xi32, #tpu.memory_space<hbm>> -> memref<1x1x1x112xi32, #tpu.memory_space<hbm>>
    %dma_wait3A_84 = tpu.memref_squeeze %dma_wait3A_83 : memref<1x1x1x112xi32, #tpu.memory_space<hbm>> -> memref<112xi32, #tpu.memory_space<hbm>>
    %dma_wait3A_85 = arith.constant 0 : i32
    %dma_wait3A_86 = tpu.memref_slice %arg7[%dma_wait3A_78, %dma_wait3A_85] : memref<3x112xi32, #tpu.memory_space<vmem>> -> memref<1x112xi32, #tpu.memory_space<vmem>>
    %dma_wait3A_87 = tpu.memref_squeeze %dma_wait3A_86 : memref<1x112xi32, #tpu.memory_space<vmem>> -> memref<112xi32, #tpu.memory_space<vmem>>
    %dma_wait3A_88 = arith.constant 0 : i32
    %dma_wait3A_89 = tpu.memref_slice %arg2[%dma_wait3A_76, %add3A, %dma_wait3A_77, %dma_wait3A_88] : memref<2x32x90x112xi32, #tpu.memory_space<hbm>> -> memref<1x1x1x112xi32, #tpu.memory_space<hbm>>
    %dma_wait3A_90 = tpu.memref_squeeze %dma_wait3A_89 : memref<1x1x1x112xi32, #tpu.memory_space<hbm>> -> memref<112xi32, #tpu.memory_space<hbm>>
    tpu.wait_dma2 semaphore(%arg15 : memref<!tpu.dma_semaphore, #tpu.memory_space<semaphore_mem>>) src(%dma_wait3A_90 : memref<112xi32, #tpu.memory_space<hbm>>) dst(%dma_wait3A_87 : memref<112xi32, #tpu.memory_space<vmem>>)
    %barrier3A_91 = arith.constant 0 : index
    tpu.barrier barrier_id(%barrier3A_91)
    "tpu.region"() ({
      %run_scoped3A_92 = tpu.sem_alloc : memref<!tpu.dma_semaphore, #tpu.memory_space<semaphore_mem>>
      %dma_start3A_93 = arith.constant 0 : i32
      %dma_start3A_94 = tpu.memref_slice %arg5[%arg0, %mul3A_2, %dma_start3A_93] : memref<2x10240x64xf32, #tpu.memory_space<hbm>> -> memref<1x640x64xf32, #tpu.memory_space<hbm>>
      %dma_start3A_95 = tpu.memref_squeeze %dma_start3A_94 : memref<1x640x64xf32, #tpu.memory_space<hbm>> -> memref<640x64xf32, #tpu.memory_space<hbm>>
      %dma_start3A_96 = arith.constant 0 : i32
      %dma_start3A_97 = tpu.memref_slice %arg20[%mul3A_2, %dma_start3A_96] : memref<10240x64xf32, #tpu.memory_space<vmem_shared>> -> memref<640x64xf32, #tpu.memory_space<vmem_shared>>
      tpu.enqueue_dma source(%dma_start3A_97 : memref<640x64xf32, #tpu.memory_space<vmem_shared>>) target(%dma_start3A_95 : memref<640x64xf32, #tpu.memory_space<hbm>>) target_semaphore(%run_scoped3A_92 : memref<!tpu.dma_semaphore, #tpu.memory_space<semaphore_mem>>)
      %dma_wait3A_98 = arith.constant 0 : i32
      %dma_wait3A_99 = tpu.memref_slice %arg5[%arg0, %mul3A_2, %dma_wait3A_98] : memref<2x10240x64xf32, #tpu.memory_space<hbm>> -> memref<1x640x64xf32, #tpu.memory_space<hbm>>
      %dma_wait3A_100 = tpu.memref_squeeze %dma_wait3A_99 : memref<1x640x64xf32, #tpu.memory_space<hbm>> -> memref<640x64xf32, #tpu.memory_space<hbm>>
      %dma_wait3A_101 = arith.constant 0 : i32
      %dma_wait3A_102 = tpu.memref_slice %arg20[%mul3A_2, %dma_wait3A_101] : memref<10240x64xf32, #tpu.memory_space<vmem_shared>> -> memref<640x64xf32, #tpu.memory_space<vmem_shared>>
      tpu.wait_dma2 semaphore(%run_scoped3A_92 : memref<!tpu.dma_semaphore, #tpu.memory_space<semaphore_mem>>) src(%dma_wait3A_102 : memref<640x64xf32, #tpu.memory_space<vmem_shared>>) dst(%dma_wait3A_100 : memref<640x64xf32, #tpu.memory_space<hbm>>)
      tpu.yield
    }) : () -> ()
    return
  }
}

module attributes {stable_mosaic.version = 14 : i64} {
  func.func @_scale_body(%arg0: i32, %arg1: memref<2048x128xf32, #tpu.memory_space<vmem>>, %arg2: memref<2x2048xf32, #tpu.memory_space<vmem>>, %arg3: memref<2x2048xf32, #tpu.memory_space<vmem>>, %arg4: memref<2048x128xf32, #tpu.memory_space<vmem>>, %arg5: memref<2048x1xf32, #tpu.memory_space<vmem>>, %arg6: memref<2048x1xf32, #tpu.memory_space<vmem>>) attributes {dimension_semantics = [#tpu.dimension_semantics<arbitrary>], iteration_bounds = array<i64: 5>, scalar_prefetch = 0 : i64, scratch_operands = 0 : i64, tpu.core_type = #tpu.core_type<tc>, window_params = [{transform_indices = @transform_0, window_bounds = array<i64: 2048, 128>}, {transform_indices = @transform_1, window_bounds = array<i64: 2, 2048>}, {transform_indices = @transform_2, window_bounds = array<i64: 2, 2048>}, {transform_indices = @transform_3, window_bounds = array<i64: 2048, 128>}, {transform_indices = @transform_4, window_bounds = array<i64: 2048, 1>}, {transform_indices = @transform_5, window_bounds = array<i64: 2048, 1>}]} {
    %get3A = arith.constant 0 : index
    %get3A_0 = arith.constant 0 : index
    %get3A_1 = vector.load %arg2[%get3A, %get3A_0] : memref<2x2048xf32, #tpu.memory_space<vmem>>, vector<2x2048xf32>
    %slice3A = vector.extract_strided_slice %get3A_1 {offsets = [0, 0], sizes = [1, 2048], strides = [1, 1]} : vector<2x2048xf32> to vector<1x2048xf32>
    %squeeze3A = vector.shape_cast %slice3A : vector<1x2048xf32> to vector<2048xf32>
    %slice3A_2 = vector.extract_strided_slice %get3A_1 {offsets = [1, 0], sizes = [1, 2048], strides = [1, 1]} : vector<2x2048xf32> to vector<1x2048xf32>
    %squeeze3A_3 = vector.shape_cast %slice3A_2 : vector<1x2048xf32> to vector<2048xf32>
    %add3A = arith.addf %squeeze3A, %squeeze3A_3 : vector<2048xf32>
    %max3A = arith.constant 1.000000e+00 : f32
    %max3A_4 = vector.broadcast %max3A : f32 to vector<2048xf32>
    %max3A_5 = arith.maximumf %add3A, %max3A_4 : vector<2048xf32>
    %sqrt3A = math.sqrt %max3A_5 : vector<2048xf32>
    %div3A = arith.constant 1.000000e+00 : f32
    %div3A_6 = vector.broadcast %div3A : f32 to vector<2048xf32>
    %div3A_7 = arith.divf %div3A_6, %sqrt3A : vector<2048xf32>
    %get3A_8 = arith.constant 0 : index
    %get3A_9 = arith.constant 0 : index
    %get3A_10 = vector.load %arg1[%get3A_8, %get3A_9] : memref<2048x128xf32, #tpu.memory_space<vmem>>, vector<2048x128xf32>
    %broadcast_in_dim3A = vector.shape_cast %div3A_7 : vector<2048xf32> to vector<2048x1xf32>
    %mul3A = vector.broadcast %broadcast_in_dim3A : vector<2048x1xf32> to vector<2048x128xf32>
    %mul3A_11 = arith.mulf %get3A_10, %mul3A : vector<2048x128xf32>
    %swap3A = arith.constant 0 : index
    %swap3A_12 = arith.constant 0 : index
    %swap3A_13 = vector.load %arg4[%swap3A, %swap3A_12] : memref<2048x128xf32, #tpu.memory_space<vmem>>, vector<2048x128xf32>
    tpu.vector_store %arg4[%swap3A, %swap3A_12], %mul3A_11 {strides = array<i32>} : memref<2048x128xf32, #tpu.memory_space<vmem>>, vector<2048x128xf32>,
    %broadcast_in_dim3A_14 = vector.shape_cast %div3A_7 : vector<2048xf32> to vector<2048x1xf32>
    %swap3A_15 = arith.constant 0 : index
    %swap3A_16 = arith.constant 0 : index
    %swap3A_17 = vector.load %arg5[%swap3A_15, %swap3A_16] : memref<2048x1xf32, #tpu.memory_space<vmem>>, vector<2048x1xf32>
    tpu.vector_store %arg5[%swap3A_15, %swap3A_16], %broadcast_in_dim3A_14 {strides = array<i32>} : memref<2048x1xf32, #tpu.memory_space<vmem>>, vector<2048x1xf32>,
    %get3A_18 = arith.constant 0 : index
    %get3A_19 = arith.constant 0 : index
    %get3A_20 = vector.load %arg3[%get3A_18, %get3A_19] : memref<2x2048xf32, #tpu.memory_space<vmem>>, vector<2x2048xf32>
    %slice3A_21 = vector.extract_strided_slice %get3A_20 {offsets = [0, 0], sizes = [1, 2048], strides = [1, 1]} : vector<2x2048xf32> to vector<1x2048xf32>
    %squeeze3A_22 = vector.shape_cast %slice3A_21 : vector<1x2048xf32> to vector<2048xf32>
    %slice3A_23 = vector.extract_strided_slice %get3A_20 {offsets = [1, 0], sizes = [1, 2048], strides = [1, 1]} : vector<2x2048xf32> to vector<1x2048xf32>
    %squeeze3A_24 = vector.shape_cast %slice3A_23 : vector<1x2048xf32> to vector<2048xf32>
    %add3A_25 = arith.addf %squeeze3A_22, %squeeze3A_24 : vector<2048xf32>
    %max3A_26 = arith.constant 1.000000e+00 : f32
    %max3A_27 = vector.broadcast %max3A_26 : f32 to vector<2048xf32>
    %max3A_28 = arith.maximumf %add3A_25, %max3A_27 : vector<2048xf32>
    %sqrt3A_29 = math.sqrt %max3A_28 : vector<2048xf32>
    %div3A_30 = arith.constant 1.000000e+00 : f32
    %div3A_31 = vector.broadcast %div3A_30 : f32 to vector<2048xf32>
    %div3A_32 = arith.divf %div3A_31, %sqrt3A_29 : vector<2048xf32>
    %broadcast_in_dim3A_33 = vector.shape_cast %div3A_32 : vector<2048xf32> to vector<2048x1xf32>
    %swap3A_34 = arith.constant 0 : index
    %swap3A_35 = arith.constant 0 : index
    %swap3A_36 = vector.load %arg6[%swap3A_34, %swap3A_35] : memref<2048x1xf32, #tpu.memory_space<vmem>>, vector<2048x1xf32>
    tpu.vector_store %arg6[%swap3A_34, %swap3A_35], %broadcast_in_dim3A_33 {strides = array<i32>} : memref<2048x1xf32, #tpu.memory_space<vmem>>, vector<2048x1xf32>,
    return
  }
  func.func @transform_0(%arg0: i32) -> (i32, i32) {
    %c0_i32 = arith.constant 0 : i32
    %c0_i32_0 = arith.constant 0 : i32
    return %arg0, %c0_i32 : i32, i32
  }
  func.func @transform_1(%arg0: i32) -> (i32, i32) {
    %c0_i32 = arith.constant 0 : i32
    %c0_i32_0 = arith.constant 0 : i32
    return %c0_i32, %arg0 : i32, i32
  }
  func.func @transform_2(%arg0: i32) -> (i32, i32) {
    %c0_i32 = arith.constant 0 : i32
    %c0_i32_0 = arith.constant 0 : i32
    return %c0_i32, %arg0 : i32, i32
  }
  func.func @transform_3(%arg0: i32) -> (i32, i32) {
    %c0_i32 = arith.constant 0 : i32
    %c0_i32_0 = arith.constant 0 : i32
    return %arg0, %c0_i32 : i32, i32
  }
  func.func @transform_4(%arg0: i32) -> (i32, i32) {
    %c0_i32 = arith.constant 0 : i32
    %c0_i32_0 = arith.constant 0 : i32
    return %arg0, %c0_i32 : i32, i32
  }
  func.func @transform_5(%arg0: i32) -> (i32, i32) {
    %c0_i32 = arith.constant 0 : i32
    %c0_i32_0 = arith.constant 0 : i32
    return %arg0, %c0_i32 : i32, i32
  }
}

module attributes {stable_mosaic.version = 14 : i64} {
  func.func @_mm_body(%arg0: i32, %arg1: memref<2x2048x128xf32, #tpu.memory_space<vmem>>, %arg2: memref<2048x1xf32, #tpu.memory_space<vmem>>, %arg3: memref<2048x1xf32, #tpu.memory_space<vmem>>, %arg4: memref<128x256xf32, #tpu.memory_space<vmem>>, %arg5: memref<1x256xf32, #tpu.memory_space<vmem>>, %arg6: memref<256x64xf32, #tpu.memory_space<vmem>>, %arg7: memref<2048x64xf32, #tpu.memory_space<vmem>>) attributes {dimension_semantics = [#tpu.dimension_semantics<arbitrary>], iteration_bounds = array<i64: 5>, scalar_prefetch = 0 : i64, scratch_operands = 0 : i64, tpu.core_type = #tpu.core_type<tc>, window_params = [{transform_indices = @transform_0, window_bounds = array<i64: 2, 2048, 128>}, {transform_indices = @transform_1, window_bounds = array<i64: 2048, 1>}, {transform_indices = @transform_2, window_bounds = array<i64: 2048, 1>}, {pipeline_mode = #tpu.pipeline_mode<synchronous>, transform_indices = @transform_3, window_bounds = array<i64: 128, 256>}, {pipeline_mode = #tpu.pipeline_mode<synchronous>, transform_indices = @transform_4, window_bounds = array<i64: 1, 256>}, {pipeline_mode = #tpu.pipeline_mode<synchronous>, transform_indices = @transform_5, window_bounds = array<i64: 256, 64>}, {transform_indices = @transform_6, window_bounds = array<i64: 2048, 64>}]} {
    %get3A = arith.constant 0 : index
    %get3A_0 = arith.constant 0 : index
    %get3A_1 = arith.constant 0 : index
    %get3A_2 = vector.load %arg1[%get3A, %get3A_0, %get3A_1] : memref<2x2048x128xf32, #tpu.memory_space<vmem>>, vector<1x2048x128xf32>
    %get3A_3 = vector.shape_cast %get3A_2 : vector<1x2048x128xf32> to vector<2048x128xf32>
    %get3A_4 = arith.constant 1 : index
    %get3A_5 = arith.constant 0 : index
    %get3A_6 = arith.constant 0 : index
    %get3A_7 = vector.load %arg1[%get3A_4, %get3A_5, %get3A_6] : memref<2x2048x128xf32, #tpu.memory_space<vmem>>, vector<1x2048x128xf32>
    %get3A_8 = vector.shape_cast %get3A_7 : vector<1x2048x128xf32> to vector<2048x128xf32>
    %add3A = arith.addf %get3A_3, %get3A_8 : vector<2048x128xf32>
    %get3A_9 = arith.constant 0 : index
    %get3A_10 = arith.constant 0 : index
    %get3A_11 = vector.load %arg2[%get3A_9, %get3A_10] : memref<2048x1xf32, #tpu.memory_space<vmem>>, vector<2048x1xf32>
    %mul3A = vector.broadcast %get3A_11 : vector<2048x1xf32> to vector<2048x128xf32>
    %mul3A_12 = arith.mulf %add3A, %mul3A : vector<2048x128xf32>
    %get3A_13 = arith.constant 0 : index
    %get3A_14 = arith.constant 0 : index
    %get3A_15 = vector.load %arg4[%get3A_13, %get3A_14] : memref<128x256xf32, #tpu.memory_space<vmem>>, vector<128x256xf32>
    %dot_general3A = arith.constant dense<0.000000e+00> : vector<2048x256xf32>
    %dot_general3A_16 = tpu.matmul %mul3A_12, %get3A_15, %dot_general3A {dimension_numbers = #tpu.dot_dimension_numbers<[1], [0], [0], [1], [0, 0, 1, 1], [], []>, transpose_lhs_hint = false} : vector<2048x128xf32>, vector<128x256xf32>, vector<2048x256xf32> -> vector<2048x256xf32>
    %get3A_17 = arith.constant 0 : index
    %get3A_18 = arith.constant 0 : index
    %get3A_19 = vector.load %arg5[%get3A_17, %get3A_18] : memref<1x256xf32, #tpu.memory_space<vmem>>, vector<1x256xf32>
    %add3A_20 = vector.broadcast %get3A_19 : vector<1x256xf32> to vector<2048x256xf32>
    %add3A_21 = arith.addf %dot_general3A_16, %add3A_20 : vector<2048x256xf32>
    %max3A = arith.constant 0.000000e+00 : f32
    %max3A_22 = vector.broadcast %max3A : f32 to vector<2048x256xf32>
    %max3A_23 = arith.maximumf %add3A_21, %max3A_22 : vector<2048x256xf32>
    %get3A_24 = arith.constant 0 : index
    %get3A_25 = arith.constant 0 : index
    %get3A_26 = vector.load %arg6[%get3A_24, %get3A_25] : memref<256x64xf32, #tpu.memory_space<vmem>>, vector<256x64xf32>
    %dot_general3A_27 = arith.constant dense<0.000000e+00> : vector<2048x64xf32>
    %dot_general3A_28 = tpu.matmul %max3A_23, %get3A_26, %dot_general3A_27 {dimension_numbers = #tpu.dot_dimension_numbers<[1], [0], [0], [1], [0, 0, 1, 1], [], []>, transpose_lhs_hint = false} : vector<2048x256xf32>, vector<256x64xf32>, vector<2048x64xf32> -> vector<2048x64xf32>
    %get3A_29 = arith.constant 0 : index
    %get3A_30 = arith.constant 0 : index
    %get3A_31 = vector.load %arg3[%get3A_29, %get3A_30] : memref<2048x1xf32, #tpu.memory_space<vmem>>, vector<2048x1xf32>
    %mul3A_32 = vector.broadcast %get3A_31 : vector<2048x1xf32> to vector<2048x64xf32>
    %mul3A_33 = arith.mulf %dot_general3A_28, %mul3A_32 : vector<2048x64xf32>
    %swap3A = arith.constant 0 : index
    %swap3A_34 = arith.constant 0 : index
    %swap3A_35 = vector.load %arg7[%swap3A, %swap3A_34] : memref<2048x64xf32, #tpu.memory_space<vmem>>, vector<2048x64xf32>
    tpu.vector_store %arg7[%swap3A, %swap3A_34], %mul3A_33 {strides = array<i32>} : memref<2048x64xf32, #tpu.memory_space<vmem>>, vector<2048x64xf32>,
    return
  }
  func.func @transform_0(%arg0: i32) -> (i32, i32, i32) {
    %c0_i32 = arith.constant 0 : i32
    %c0_i32_0 = arith.constant 0 : i32
    %c0_i32_1 = arith.constant 0 : i32
    return %c0_i32, %arg0, %c0_i32_0 : i32, i32, i32
  }
  func.func @transform_1(%arg0: i32) -> (i32, i32) {
    %c0_i32 = arith.constant 0 : i32
    %c0_i32_0 = arith.constant 0 : i32
    return %arg0, %c0_i32 : i32, i32
  }
  func.func @transform_2(%arg0: i32) -> (i32, i32) {
    %c0_i32 = arith.constant 0 : i32
    %c0_i32_0 = arith.constant 0 : i32
    return %arg0, %c0_i32 : i32, i32
  }
  func.func @transform_3(%arg0: i32) -> (i32, i32) {
    %c0_i32 = arith.constant 0 : i32
    %c0_i32_0 = arith.constant 0 : i32
    %c0_i32_1 = arith.constant 0 : i32
    return %c0_i32, %c0_i32_0 : i32, i32
  }
  func.func @transform_4(%arg0: i32) -> (i32, i32) {
    %c0_i32 = arith.constant 0 : i32
    %c0_i32_0 = arith.constant 0 : i32
    %c0_i32_1 = arith.constant 0 : i32
    return %c0_i32, %c0_i32_0 : i32, i32
  }
  func.func @transform_5(%arg0: i32) -> (i32, i32) {
    %c0_i32 = arith.constant 0 : i32
    %c0_i32_0 = arith.constant 0 : i32
    %c0_i32_1 = arith.constant 0 : i32
    return %c0_i32, %c0_i32_0 : i32, i32
  }
  func.func @transform_6(%arg0: i32) -> (i32, i32) {
    %c0_i32 = arith.constant 0 : i32
    %c0_i32_0 = arith.constant 0 : i32
    return %arg0, %c0_i32 : i32, i32
  }
}

module attributes {stable_mosaic.version = 14 : i64} {
  func.func @_final_body(%arg0: i32, %arg1: memref<2x1000x64xf32, #tpu.memory_space<vmem>>, %arg2: memref<1000x1xf32, #tpu.memory_space<vmem>>, %arg3: memref<1x64xf32, #tpu.memory_space<vmem>>, %arg4: memref<1000x64xf32, #tpu.memory_space<vmem>>) attributes {dimension_semantics = [#tpu.dimension_semantics<arbitrary>], iteration_bounds = array<i64: 10>, scalar_prefetch = 0 : i64, scratch_operands = 0 : i64, tpu.core_type = #tpu.core_type<tc>, window_params = [{transform_indices = @transform_0, window_bounds = array<i64: 2, 1000, 64>}, {transform_indices = @transform_1, window_bounds = array<i64: 1000, 1>}, {pipeline_mode = #tpu.pipeline_mode<synchronous>, transform_indices = @transform_2, window_bounds = array<i64: 1, 64>}, {transform_indices = @transform_3, window_bounds = array<i64: 1000, 64>}]} {
    %get3A = arith.constant 0 : index
    %get3A_0 = arith.constant 0 : index
    %get3A_1 = arith.constant 0 : index
    %get3A_2 = vector.load %arg1[%get3A, %get3A_0, %get3A_1] : memref<2x1000x64xf32, #tpu.memory_space<vmem>>, vector<1x1000x64xf32>
    %get3A_3 = vector.shape_cast %get3A_2 : vector<1x1000x64xf32> to vector<1000x64xf32>
    %get3A_4 = arith.constant 1 : index
    %get3A_5 = arith.constant 0 : index
    %get3A_6 = arith.constant 0 : index
    %get3A_7 = vector.load %arg1[%get3A_4, %get3A_5, %get3A_6] : memref<2x1000x64xf32, #tpu.memory_space<vmem>>, vector<1x1000x64xf32>
    %get3A_8 = vector.shape_cast %get3A_7 : vector<1x1000x64xf32> to vector<1000x64xf32>
    %add3A = arith.addf %get3A_3, %get3A_8 : vector<1000x64xf32>
    %get3A_9 = arith.constant 0 : index
    %get3A_10 = arith.constant 0 : index
    %get3A_11 = vector.load %arg2[%get3A_9, %get3A_10] : memref<1000x1xf32, #tpu.memory_space<vmem>>, vector<1000x1xf32>
    %mul3A = vector.broadcast %get3A_11 : vector<1000x1xf32> to vector<1000x64xf32>
    %mul3A_12 = arith.mulf %add3A, %mul3A : vector<1000x64xf32>
    %get3A_13 = arith.constant 0 : index
    %get3A_14 = arith.constant 0 : index
    %get3A_15 = vector.load %arg3[%get3A_13, %get3A_14] : memref<1x64xf32, #tpu.memory_space<vmem>>, vector<1x64xf32>
    %add3A_16 = vector.broadcast %get3A_15 : vector<1x64xf32> to vector<1000x64xf32>
    %add3A_17 = arith.addf %mul3A_12, %add3A_16 : vector<1000x64xf32>
    %swap3A = arith.constant 0 : index
    %swap3A_18 = arith.constant 0 : index
    %swap3A_19 = vector.load %arg4[%swap3A, %swap3A_18] : memref<1000x64xf32, #tpu.memory_space<vmem>>, vector<1000x64xf32>
    tpu.vector_store %arg4[%swap3A, %swap3A_18], %add3A_17 {strides = array<i32>} : memref<1000x64xf32, #tpu.memory_space<vmem>>, vector<1000x64xf32>,
    return
  }
  func.func @transform_0(%arg0: i32) -> (i32, i32, i32) {
    %c0_i32 = arith.constant 0 : i32
    %c0_i32_0 = arith.constant 0 : i32
    %c0_i32_1 = arith.constant 0 : i32
    return %c0_i32, %arg0, %c0_i32_0 : i32, i32, i32
  }
  func.func @transform_1(%arg0: i32) -> (i32, i32) {
    %c0_i32 = arith.constant 0 : i32
    %c0_i32_0 = arith.constant 0 : i32
    return %arg0, %c0_i32 : i32, i32
  }
  func.func @transform_2(%arg0: i32) -> (i32, i32) {
    %c0_i32 = arith.constant 0 : i32
    %c0_i32_0 = arith.constant 0 : i32
    %c0_i32_1 = arith.constant 0 : i32
    return %c0_i32, %c0_i32_0 : i32, i32
  }
  func.func @transform_3(%arg0: i32) -> (i32, i32) {
    %c0_i32 = arith.constant 0 : i32
    %c0_i32_0 = arith.constant 0 : i32
    return %arg0, %c0_i32 : i32, i32
  }
}

</mosaic_0001>

<sc_bundles>
// kernel: kernel.11.cloned.1.call-start
scs
__scs_entry_jumppad:
0x0: {  	(pc) =	sbr.rel $0x88, $3  }
0x1: {  	(tag) =	ssettag $0x0;
	lr =	simm.s32 $0x1  }
0x2: {  	[smem:$0x3F9B] =	sst lr;
	_ =	strace $0xD0000000  }
0x3: {  	_ = 	snop  }
0x4: {  	_ = 	snop  }
0x5: {  	_ = 	snop  }
0x6: {  	_ = 	snop  }
0x7: {  	_ = 	snop  }
__scs_overlays_trampoline_lowered:
0x8: {  	[smem:$0x3FAA] =	sst s0  }
0x9: {  	[smem:$0x3FAB] =	sst s1  }
0xa: {  	[smem:$0x3FAC] =	sst s2  }
0xb: {  	[smem:$0x3FAD] =	sst s3  }
0xc: {  	[smem:$0x3FAE] =	sst s4  }
0xd: {  	[smem:$0x3FAF] =	sst s5  }
0xe: {  	[smem:$0x3FB0] =	sst s6  }
0xf: {  	[smem:$0x3FB1] =	sst s7  }
0x10: {  	[smem:$0x3FB2] =	sst s8  }
0x11: {  	[smem:$0x3FB3] =	sst s9;
	s0 =	simm.s32 @!p0 $0x0  }
0x12: {  	s1 =	sld [smem:$0x3F99];
	s0 =	simm.s32 @p0 $0x1  }
0x13: {  	[smem:$0x3FB4] =	sst s0;
	s0 =	simm.s32 @!p1 $0x0  }
0x14: {  	s2 =	sld [smem:$0x3F98];
	s0 =	simm.s32 @p1 $0x1  }
0x15: {  	[smem:$0x3FB5] =	sst s0;
	s0 =	simm.s32 @!p2 $0x0  }
0x16: {  	s3 =	sld [smem:$0x3FDB];
	s0 =	simm.s32 @p2 $0x1  }
0x17: {  	s4 =	simm.s32 $0x1BF5;
	[smem:$0x3FB7] =	sst s0  }
0x18: {  	s0 =	sld [smem:$0x3F9A];
	_ =	swait.ge [sflag:s4], $0x0  }
0x19: {  	s7 =	sld [smem:$0x3F9B]  }
0x1a: {  	s8 =	sadd.s32 $0xFFFFE003, lr  }
0x1b: {  	s9 =	sadd.s32 $0xFFFFFEF7, lr;
	s5 =	simm.s32 $0xFFFFFFFF;
	p2 =	slt.u32 s8, $0xFFFFF086  }
0x1c: {  	p1 =	slt.u32 s9, $0xF7A;
	s5 =	simm.s32 @!p2 $0x0  }
0x1d: {  	s5 =	simm.s32 @p1 $0x1;
	p0 =	seq.s32 s7, s2  }
0x1e: {  	s7 =	smul.u32 @!p0 $0xF7A, s2;
	p2 =	seq.s32 @!p0 s5, $0x0  }
0x1f: {  	s9 =	smul.u32 $0xF7A, s1;
	s8 =	simm.s32 @!p0 $0x1BF5;
	p2 =	por !p2, p0  }
0x20: {  	[sflag:s8] =	ssyncset.s32 @!p0 $0xFFFFF086;
	s6 =	sadd.s32 @!p0 s3, s7;
	s7 =	simm.s32 @!p0 $0x108  }
0x21: {  	s3 =	sadd.s32 s3, s9;
	s6 =	sadd.s32 @!p0 $0x88, s6;
	s7 =	simm.s32 @p2 $0x1082  }
0x22: {  	[simem:s7], [sflag:s8] =	dma.local @!p0 [hbm:s6], $0xF7A  }
0x23: {  	s9 =	sor.u32 $0xD0000000, s2;
	s6 =	simm.s32 $0x108;
	_ =	swait.ge @!p0 [sflag:s8], $0x0  }
0x24: {  	s3 =	sadd.s32 $0x88, s3;
	s6 =	simm.s32 @!p1 $0x1082;
	[sflag:s4] =	ssyncset.s32 $0xFFFFF086  }
0x25: {  	[simem:s6], [sflag:s4] =	dma.local [hbm:s3], $0xF7A  }
0x26: {  	[smem:$0x3F9B] =	sst s1;
	(tag) =	ssettag s2;
	_ =	strace s9  }
0x27: {  	s1 =	sld [smem:$0x3FAB]  }
0x28: {  	s2 =	sld [smem:$0x3FAC]  }
0x29: {  	s4 =	sld [smem:$0x3FAE]  }
0x2a: {  	p0 =	seq.s32 s5, $0x0;
	s5 =	sld [smem:$0x3FAF]  }
0x2b: {  	s6 =	sld [smem:$0x3FB0]  }
0x2c: {  	s7 =	sld [smem:$0x3FB1]  }
0x2d: {  	s3 =	simm.s32 $0x108;
	s8 =	sld [smem:$0x3FB2]  }
0x2e: {  	s3 =	simm.s32 @!p0 $0x1082;
	s9 =	sld [smem:$0x3FB3]  }
0x2f: {  	lr =	sadd.s32 s0, s3;
	s0 =	sld [smem:$0x3FAA]  }
0x30: {  	s3 =	sld [smem:$0x3FAD]  }
0x31: {  	[smem:$0x3FB6] =	sst s10  }
0x32: {  	s10 =	sld [smem:$0x3FB4];
	_ =	sdelay $0x3  }
0x33: {  	p0 =	seq.s32 s10, $0x1;
	s10 =	sld [smem:$0x3FB6];
	_ =	sdelay $0x3  }
0x34: {  	[smem:$0x3FB6] =	sst s10  }
0x35: {  	s10 =	sld [smem:$0x3FB5];
	_ =	sdelay $0x3  }
0x36: {  	p1 =	seq.s32 s10, $0x1;
	s10 =	sld [smem:$0x3FB6];
	_ =	sdelay $0x3  }
0x37: {  	[smem:$0x3FB6] =	sst s10  }
0x38: {  	s10 =	sld [smem:$0x3FB7]  }
0x39: {  	_ = 	snop;
	(pc) =	sbr.ind lr, $3  }
0x3a: {  	_ = 	snop  }
0x3b: {  	_ = 	snop  }
0x3c: {  	p2 =	seq.s32 s10, $0x1;
	s10 =	sld [smem:$0x3FB6]  }
0x3d: {  	_ =	shalt  }
0x3e: {  	_ =	shalt  }
0x3f: {  	_ =	shalt  }
0x40: {  	_ =	shalt  }
0x41: {  	_ =	shalt  }
0x42: {  	_ =	shalt  }
0x43: {  	_ =	shalt  }
0x44: {  	_ =	shalt  }
0x45: {  	_ =	shalt  }
0x46: {  	_ =	shalt  }
0x47: {  	_ =	shalt  }
0x48: {  	_ =	shalt  }
0x49: {  	_ =	shalt  }
0x4a: {  	_ =	shalt  }
0x4b: {  	_ =	shalt  }
0x4c: {  	_ =	shalt  }
0x4d: {  	_ =	shalt  }
0x4e: {  	_ =	shalt  }
0x4f: {  	_ =	shalt  }
0x50: {  	_ =	shalt  }
0x51: {  	_ =	shalt  }
0x52: {  	_ =	shalt  }
0x53: {  	_ =	shalt  }
0x54: {  	_ =	shalt  }
0x55: {  	_ =	shalt  }
0x56: {  	_ =	shalt  }
0x57: {  	_ =	shalt  }
0x58: {  	_ =	shalt  }
0x59: {  	_ =	shalt  }
0x5a: {  	_ =	shalt  }
0x5b: {  	_ =	shalt  }
0x5c: {  	_ =	shalt  }
0x5d: {  	_ =	shalt  }
0x5e: {  	_ =	shalt  }
0x5f: {  	_ =	shalt  }
0x60: {  	_ =	shalt  }
0x61: {  	_ =	shalt  }
0x62: {  	_ =	shalt  }
0x63: {  	_ =	shalt  }
0x64: {  	_ =	shalt  }
0x65: {  	_ =	shalt  }
0x66: {  	_ =	shalt  }
0x67: {  	_ =	shalt  }
0x68: {  	_ =	shalt  }
0x69: {  	_ =	shalt  }
0x6a: {  	_ =	shalt  }
0x6b: {  	_ =	shalt  }
0x6c: {  	_ =	shalt  }
0x6d: {  	_ =	shalt  }
0x6e: {  	_ =	shalt  }
0x6f: {  	_ =	shalt  }
0x70: {  	_ =	shalt  }
0x71: {  	_ =	shalt  }
0x72: {  	_ =	shalt  }
0x73: {  	_ =	shalt  }
0x74: {  	_ =	shalt  }
0x75: {  	_ =	shalt  }
0x76: {  	_ =	shalt  }
0x77: {  	_ =	shalt  }
0x78: {  	_ =	shalt  }
0x79: {  	_ =	shalt  }
0x7a: {  	_ =	shalt  }
0x7b: {  	_ =	shalt  }
0x7c: {  	_ =	shalt  }
0x7d: {  	_ =	shalt  }
0x7e: {  	_ =	shalt  }
0x7f: {  	_ =	shalt  }
0x80: {  	_ =	shalt  }
0x81: {  	_ =	shalt  }
0x82: {  	_ =	shalt  }
0x83: {  	_ =	shalt  }
0x84: {  	_ =	shalt  }
0x85: {  	_ =	shalt  }
0x86: {  	_ =	shalt  }
0x87: {  	_ =	shalt  }
.Lfunc_end0:
.L_simem_size_0:
called_computation.1_lowered:
.L_overlay_start_0:
0x88: {  	s2 =	sld [smem:$0x3FD9]  }
0x89: {  	s3 =	sld [smem:$0x3FFE];
	_ =	sdelay $0x1  }
0x8a: {  	s1 =	srdreg.scid  }
0x8b: {  	s0 =	sand.u32 $0x1, s1  }
0x8c: {  	s17 =	sshll.u32 s0, $0xA;
	s2 =	sadd.s32 s3, s2  }
0x8d: {  	s2 =	sadd.s32 s2, s17  }
0x8e: {  	[smem:$0x3FC2] =	sst s2  }
0x8f: {  	_ = 	snop  }
0x90: {  	s2 =	sld [smem:$0x3FD0];
	(tm) =	ssettm $0x1  }
0x91: {  	s18 =	sld [smem:$0x3FFB];
	_ =	sdelay $0x3  }
0x92: {  	_ =	strace s18  }
0x93: {  	s3 =	sld [smem:$0x3FFC];
	_ =	sdelay $0x3  }
0x94: {  	_ =	strace s3  }
0x95: {  	s3 =	sld [smem:$0x3FFD];
	_ =	sdelay $0x3  }
0x96: {  	_ =	strace s3  }
0x97: {  	_ =	strace $0x8FFFFFFF  }
0x98: {  	s19 =	sld [smem:$0x3FDB];
	_ =	sdelay $0x1  }
0x99: {  	s4 =	simm.s32 $_scs_section_size  }
0x9a: {  	s5 =	simm.s32 $_size__tile_overlayer_lowered;
	s6 =	simm.s32 $_tile_overlayer_lowered  }
0x9b: {  	s22 =	simm.s32 $0x1BFF;
	s21 =	sshll.u32 s6, $0x1;
	s3 =	sadd.s32 s4, s19  }
0x9c: {  	s7 =	simm.s32 $0x0;
	s20 =	sshll.u32 s5, $0x1;
	s5 =	sadd.s32 s21, s3  }
0x9d: {  	[timem:s7], [sflag:s22] =	dma.local [hbm:s5], s20  }
0x9e: {  	_ =	swait.ge [sflag:s22], s20  }
0x9f: {  	s4 =	ssub.s32 $0x0, s20;
	[sflag:s22] =	ssyncset.done $0x0  }
0xa0: {  	[sflag:s22] =	ssyncadd.s32 s4;
	_ =	sdelay $0x1  }
0xa1: {  	s23 =	simm.s32 $0x1B8B  }
0xa2: {  	_ =	swait.ge [sflag:s23], $0x1  }
0xa3: {  	[sflag:s23] =	ssyncset.done $0x0  }
0xa4: {  	s25 =	simm.s32 $0x1B8E;
	s24 =	sld [smem:$0x3FFE];
	[sflag:s23] =	ssyncadd.s32 $0xFFFFFFFF  }
0xa5: {  	s26 =	simm.s32 $execute0_lowered;
	[smem:$0x3FD2] =	sst s25  }
0xa6: {  	s5 =	sshll.u32 s26, $0x1;
	_ =	strace $0x80000049;
	[dreg:$0x1] =	wrdreg $0xFFFFFFFF  }
0xa7: {  	s28 =	simm.s32 $_size_execute0_lowered;
	s3 =	sadd.s32 s3, s5;
	[dreg:$0x0] =	wrdreg $0x0  }
0xa8: {  	s5 =	sshll.u32 s28, $0x1;
	[dreg:$0x2] =	wrdreg s3  }
0xa9: {  	[dreg:$0x3] =	wrdreg s5  }
0xaa: {  	[dreg:$0x4] =	wrdreg $0xC0  }
0xab: {  	_ =	task [dreg:s7], $0x5FFFF  }
0xac: {  	[dreg:$0x1] =	wrdreg $0xFFFFFFFF  }
0xad: {  	[dreg:$0x0] =	wrdreg $0x60  }
0xae: {  	[dreg:$0x2] =	wrdreg s2  }
0xaf: {  	[dreg:$0x3] =	wrdreg s24  }
0xb0: {  	[dreg:$0x4] =	wrdreg $0xAAA00  }
0xb1: {  	[dreg:$0x5] =	wrdreg $0x9  }
0xb2: {  	_ =	task.clear_ibuf [dreg:s7], $0x6FFFF;
	_ =	strace $0x90000049  }
0xb3: {  	s29 =	simm.s32 $0x9;
	_ =	strace $0x8000004B  }
0xb4: {  	_ =	swait.ge [sflag:s29], $0x1  }
0xb5: {  	[sflag:s29] =	ssyncadd.s32 $0xFFFFFFFF  }
0xb6: {  	_ =	strace $0x9000004B  }
0xb7: {  	_ =	sfence  }
0xb8: {  	s30 =	sld [smem:$0x0];
	_ =	sdelay $0x2  }
0xb9: {  	s31 =	sshll.u32 s1, $0xD;
	s1 =	sshrl.u32 s1, $0x2  }
0xba: {  	s3 =	sand.u32 $0x4000, s31;
	s1 =	sadd.s32 s1, s30  }
0xbb: {  	s0 =	sor.u32 s3, s0;
	s1 =	sshll.u32 s1, $0x11  }
0xbc: {  	s0 =	sor.u32 s1, s0  }
0xbd: {  	s0 =	sadd.s32 $0x8F2B, s0  }
0xbe: {  	[sflag:s0] =	ssyncadd.remote.s32 $0x1  }
0xbf: {  	_ =	sfence.sel $0xFFFF  }
0xc0: {  	[dreg:$0x0] =	wrdreg $0xFFFFFFFF;
	(pc) =	sbr.abs _section_cstart, $3  }
0xc1: {  	[dreg:$0x1] =	wrdreg $0xFFFFFFFF  }
0xc2: {  	_ =	task.clear_ibuf [dreg:s7], $0x2FFFF;
	_ =	strace $0x9FFFFFFF  }
0xc3: {  	(tm) =	ssettm $0x7FFFFFFF  }
tec
execute0_lowered:
.L_overlay_start_1:
0x0: {  	(tag) =	ssettag $0x1  }
0x1: {  	s1 =	rddreg [dreg:$0x0]  }
0x2: {  	s0 =	rddreg [dreg:$0x1]  }
0x3: {  	s3 =	rddreg [dreg:$0x2]  }
0x4: {  	s2 =	srdreg.scid;
	s11 =	stileid.u32;
	s4 =	simm.s32 $0x0  }
0x5: {  	s16 =	simm.s32 $0x150;
	s28 =	simm.s32 $0x6;
	s29 =	simm.s32 $0x7  }
0x6: {  	s30 =	simm.s32 $0x72A0;
	s31 =	simm.s32 $0x2;
	s2 =	sand.u32 $0x1, s2  }
0x7: {  	s6 =	smul.u32 $0x14000, s11;
	[smem:$0x7FF] =	sst s4;
	s9 =	sadd.s32 $0x2A400, s0  }
0x8: {  	s22 =	smul.u32 $0x2760, s11;
	s26 =	sshll.u32 s11, $0x6;
	s5 =	sshll.u32 s2, $0x4  }
0x9: {  	s7 =	smul.u32 $0x140000, s2;
	_ =	strace $0x8000004A;
	[dreg:$0x6] =	wrdreg s9  }
0xa: {  	s18 =	ssub.s32 $0x2, s2;
	s2 =	smul.u32 $0x27600, s2;
	s5 =	sor.u32 s11, s5  }
0xb: {  	s9 =	simm.s32 $0x0;
	s19 =	sshrl.u32 s18, $0x1;
	s8 =	smul.u32 $0x2760, s5  }
0xc: {  	s5 =	sadd.s32 $0x2400, s0;
	s7 =	sadd.s32 s6, s7;
	s6 =	sadd.s32 s6, s3  }
0xd: {  	s2 =	sadd.s32 s22, s2;
	s22 =	simm.s32 $0x5;
	s7 =	sshrl.u32 s7, $0x3  }
0xe: {  	s24 =	sadd.s32 $0x4ECE0, s2;
	s2 =	sadd.s32 $0xE0, s2;
	s11 =	sshrl.u32 s6, $0x3  }
0xf: {  	s6 =	simm.s32 $0x3;
	s10 =	sshrl.u32 s8, $0x3;
	s0 =	sadd.s32 s7, s0  }
0x10: {  	s7 =	ssub.s32 s18, s19;
	s21 =	sadd.s32 $0x150, s8;
	[dreg:$0x10] =	wrdreg s11  }
0x11: {  	s8 =	sadd.s32 $0x1C0, s8;
	s2 =	sshrl.u32 s2, $0x3;
	[dreg:$0x4] =	wrdreg s21  }
0x12: {  	s19 =	simm.s32 $0x70;
	s12 =	sadd.s32 s1, s10;
	[dreg:$0x5] =	wrdreg s8  }
0x13: {  	s0 =	sadd.s32 $0x2CC00, s0;
	s7 =	smax.u32 s7, $0x1;
	[dreg:$0x7] =	wrdreg s12  }
0x14: {  	s25 =	sadd.s32 s2, s1;
	s8 =	simm.s32 $0xA;
	[dreg:$0xb] =	wrdreg s0  }
0x15: {  	s10 =	sor.u32 $0x1C0A, s26;
	s21 =	simm.s32 $0x1C0;
	[dreg:$0xc] =	wrdreg s7  }
0x16: {  	s26 =	simm.s32 $0x230;
	s2 =	simm.s32 $0x8;
	[dreg:$0xe] =	wrdreg s25  }
0x17: {  	s20 =	sadd.s32 $0x9D80, s12;
	s13 =	sadd.s32 $0xE, s12;
	[dreg:$0xf] =	wrdreg s10  }
0x18: {  	s23 =	sadd.s32 $0x9D8E, s12;
	s0 =	sshrl.u32 s24, $0x3;
	[dreg:$0x8] =	wrdreg s20  }
0x19: {  	s24 =	simm.s32 $0x1;
	s25 =	simm.s32 $0xE0;
	[dreg:$0x9] =	wrdreg s13  }
0x1a: {  	[dreg:$0xa] =	wrdreg s23;
	s0 =	sadd.s32 s0, s1;
	s20 =	simm.s32 $0x2A0  }
0x1b: {  	s23 =	simm.s32 $0x3AA0;
	[dreg:$0xd] =	wrdreg s0;
	s0 =	simm.s32 $0x4  }
.LBB2_1:
0x1c: {  	s7 =	rddreg [dreg:$0x7]  }
0x1d: {  	[tilespmem:s4], [sflag:$0xA] =	stream.linear.gather [hbm4b:s7+s4], $0x70, $0x38;
	[tilespmem:$0x1EAA0] =	vst v63  }
0x1e: {  	_ =	swait.ge [sflag:s8], $0x70  }
0x1f: {  	[sflag:s8] =	ssyncset.done $0x0  }
0x20: {  	s17 =	rddreg [dreg:$0x8];
	[sflag:s8] =	ssyncadd.s32 $0xFFFFFF90  }
0x21: {  	[tilespmem:s16], [sflag:$0xA] =	stream.linear.gather [hbm4b:s17+s4], $0x70, $0x38;
	[tilespmem:$0x1EAA0] =	vst v63  }
0x22: {  	_ =	swait.ge [sflag:s8], $0x70  }
0x23: {  	[sflag:s8] =	ssyncset.done $0x0  }
0x24: {  	s18 =	rddreg [dreg:$0x6];
	[sflag:s8] =	ssyncadd.s32 $0xFFFFFF90  }
0x25: {  	[spmem:s11], [sflag:s10] =	dma.local [hbm:s18], $0x2800  }
0x26: {  	_ =	swait.ge [sflag:s8], $0x2800  }
0x27: {  	[sflag:s8] =	ssyncset.done $0x0  }
0x28: {  	[sflag:s8] =	ssyncadd.s32 $0xFFFFD800  }
0x29: {  	[bflag:$0x0] =	sbarrier.arrive $0xFFFF  }
0x2a: {  	[tilespmem:s20], [sflag:$0x1] =	stream.indirect.gather [hbm4b:s5+s19], $0x80, s4, s19, $0xb8;
	[tilespmem:$0x1EAA0] =	vst v63  }
0x2b: {  	s11 =	rddreg [dreg:$0x9]  }
0x2c: {  	[tilespmem:s19], [sflag:$0x5] =	stream.linear.gather [hbm4b:s11+s4], $0x70, $0x38;
	[tilespmem:$0x1EAA0] =	vst v63  }
0x2d: {  	s12 =	rddreg [dreg:$0xa]  }
0x2e: {  	[tilespmem:s21], [sflag:$0x5] =	stream.linear.gather [hbm4b:s12+s4], $0x70, $0x38;
	[tilespmem:$0x1EAA0] =	vst v63  }
0x2f: {  	_ =	swait.ge [sflag:s22], $0x70  }
0x30: {  	[sflag:s22] =	ssyncset.done $0x0  }
0x31: {  	[sflag:s22] =	ssyncadd.s32 $0xFFFFFF90  }
0x32: {  	_ =	swait.ge [sflag:s22], $0x70  }
0x33: {  	p0 =	por $0x1, $0x1;
	[sflag:s22] =	ssyncset.done $0x0  }
0x34: {  	s7 =	simm.s32 @!p0 $0x9;
	[sflag:s22] =	ssyncadd.s32 $0xFFFFFF90  }
0x35: {  	_ =	swait.ge @!p0 [sflag:s7], $0x3800  }
0x36: {  	[sflag:s7] =	ssyncset.done @!p0 $0x0  }
0x37: {  	[sflag:s7] =	ssyncadd.s32 @!p0 $0xFFFFC800  }
0x38: {  	[tilespmem:s23], [sflag:$0x2] =	stream.indirect.gather [hbm4b:s5+s19], $0x80, s19, s19, $0xb8;
	[tilespmem:$0x1EAA0] =	vst v63  }
0x39: {  	_ =	swait.ge [sflag:s24], $0x3800  }
0x3a: {  	[sflag:s24] =	ssyncset.done $0x0  }
0x3b: {  	[sflag:s24] =	ssyncadd.s32 $0xFFFFC800  }
0x3c: {  	[spmem:s3] =	stream.indirect.scatter.add.f32 [tilespmem:s20], [sflag:$0x7], $0x80, s16, s19, $0xb8;
	[tilespmem:$0x1EAA0] =	vst v63  }
0x3d: {  	s12 =	rddreg [dreg:$0xe]  }
0x3e: {  	[tilespmem:s25], [sflag:$0x6] =	stream.linear.gather [hbm4b:s12+s4], $0x70, $0x38;
	[tilespmem:$0x1EAA0] =	vst v63  }
0x3f: {  	s13 =	rddreg [dreg:$0xd]  }
0x40: {  	[tilespmem:s26], [sflag:$0x6] =	stream.linear.gather [hbm4b:s13+s4], $0x70, $0x38;
	[tilespmem:$0x1EAA0] =	vst v63  }
0x41: {  	_ =	swait.ge [sflag:s28], $0x70  }
0x42: {  	[sflag:s28] =	ssyncset.done $0x0  }
0x43: {  	[sflag:s28] =	ssyncadd.s32 $0xFFFFFF90  }
0x44: {  	_ =	swait.ge [sflag:s28], $0x70  }
0x45: {  	[sflag:s28] =	ssyncset.done $0x0  }
0x46: {  	[sflag:s28] =	ssyncadd.s32 $0xFFFFFF90  }
0x47: {  	_ =	swait.ge [sflag:s29], $0x3800  }
0x48: {  	[sflag:s29] =	ssyncset.done $0x0  }
0x49: {  	s14 =	smin.u32 s4, $0x56;
	[sflag:s29] =	ssyncadd.s32 $0xFFFFC800  }
0x4a: {  	[tilespmem:s30], [sflag:$0x3] =	stream.indirect.gather [hbm4b:s5+s19], $0x80, s25, s19, $0xb8;
	[tilespmem:$0x1EAA0] =	vst v63  }
0x4b: {  	s7 =	smul.u32 $0x70, s14;
	_ =	swait.ge [sflag:s31], $0x3800  }
0x4c: {  	s15 =	rddreg [dreg:$0x4]  }
0x4d: {  	[sflag:s31] =	ssyncset.done $0x0;
	s7 =	sadd.s32 s7, s15  }
0x4e: {  	[sflag:s31] =	ssyncadd.s32 $0xFFFFC800;
	s7 =	sshrl.u32 s7, $0x3  }
0x4f: {  	[spmem:s3] =	stream.indirect.scatter.add.f32 [tilespmem:s23], [sflag:$0x8], $0x80, s21, s19, $0xb8;
	[tilespmem:$0x1EAA0] =	vst v63  }
0x50: {  	s7 =	sadd.s32 s1, s7  }
0x51: {  	[tilespmem:s4], [sflag:$0x4] =	stream.linear.gather [hbm4b:s7+s4], $0x70, $0x38;
	[tilespmem:$0x1EAA0] =	vst v63  }
0x52: {  	s7 =	sadd.s32 $0x9D80, s7  }
0x53: {  	[tilespmem:s16], [sflag:$0x4] =	stream.linear.gather [hbm4b:s7+s4], $0x70, $0x38;
	[tilespmem:$0x1EAA0] =	vst v63  }
0x54: {  	_ =	swait.ge [sflag:s0], $0x70  }
0x55: {  	[sflag:s0] =	ssyncset.done $0x0  }
0x56: {  	[sflag:s0] =	ssyncadd.s32 $0xFFFFFF90  }
0x57: {  	_ =	swait.ge [sflag:s0], $0x70  }
0x58: {  	[sflag:s0] =	ssyncset.done $0x0  }
0x59: {  	[sflag:s0] =	ssyncadd.s32 $0xFFFFFF90  }
0x5a: {  	_ =	swait.ge [sflag:s2], $0x3800  }
0x5b: {  	s17 =	smin.u32 s4, $0x55;
	s10 =	simm.s32 $0x6;
	[sflag:s2] =	ssyncset.done $0x0  }
0x5c: {  	s14 =	simm.s32 $0x9;
	s12 =	sadd.s32 $0x2A, s12;
	[sflag:s2] =	ssyncadd.s32 $0xFFFFC800  }
0x5d: {  	[tilespmem:s20], [sflag:$0x1] =	stream.indirect.gather [hbm4b:s5+s19], $0x80, s4, s19, $0xb8;
	[tilespmem:$0x1EAA0] =	vst v63  }
0x5e: {  	s11 =	sadd.s32 $0x2A, s13;
	s8 =	smov.u32 s12;
	_ =	swait.ge [sflag:s6], $0x3800  }
0x5f: {  	s13 =	smov.u32 s11;
	s15 =	smul.u32 $0x70, s17;
	[sflag:s6] =	ssyncset.done $0x0  }
0x60: {  	s7 =	simm.s32 $0x3;
	s18 =	rddreg [dreg:$0x5];
	[sflag:s6] =	ssyncadd.s32 $0xFFFFC800  }
.LBB2_2:
0x61: {  	[spmem:s3] =	stream.indirect.scatter.add.f32 [tilespmem:s30], [sflag:$0x9], $0x80, s26, s19, $0xb8;
	[tilespmem:$0x1EAA0] =	vst v63  }
0x62: {  	s15 =	sadd.s32 s15, s18  }
0x63: {  	s15 =	sshrl.u32 s15, $0x3  }
0x64: {  	s15 =	sadd.s32 s1, s15  }
0x65: {  	[tilespmem:s19], [sflag:$0x5] =	stream.linear.gather [hbm4b:s15+s4], $0x70, $0x38;
	[tilespmem:$0x1EAA0] =	vst v63  }
0x66: {  	s15 =	sadd.s32 $0x9D80, s15  }
0x67: {  	[tilespmem:s21], [sflag:$0x5] =	stream.linear.gather [hbm4b:s15+s4], $0x70, $0x38;
	[tilespmem:$0x1EAA0] =	vst v63  }
0x68: {  	_ =	swait.ge [sflag:s22], $0x70  }
0x69: {  	[sflag:s22] =	ssyncset.done $0x0  }
0x6a: {  	[sflag:s22] =	ssyncadd.s32 $0xFFFFFF90  }
0x6b: {  	_ =	swait.ge [sflag:s22], $0x70  }
0x6c: {  	p1 =	seq.s32 s7, $0x0;
	[sflag:s22] =	ssyncset.done $0x0  }
0x6d: {  	s15 =	simm.s32 @!p1 $0x9;
	[sflag:s22] =	ssyncadd.s32 $0xFFFFFF90  }
0x6e: {  	_ =	swait.ge @!p1 [sflag:s15], $0x3800  }
0x6f: {  	[sflag:s15] =	ssyncset.done @!p1 $0x0  }
0x70: {  	[sflag:s15] =	ssyncadd.s32 @!p1 $0xFFFFC800  }
0x71: {  	[tilespmem:s23], [sflag:$0x2] =	stream.indirect.gather [hbm4b:s5+s19], $0x80, s19, s19, $0xb8;
	[tilespmem:$0x1EAA0] =	vst v63  }
0x72: {  	_ =	swait.ge [sflag:s24], $0x3800  }
0x73: {  	[sflag:s24] =	ssyncset.done $0x0  }
0x74: {  	[sflag:s24] =	ssyncadd.s32 $0xFFFFC800  }
0x75: {  	[spmem:s3] =	stream.indirect.scatter.add.f32 [tilespmem:s20], [sflag:$0x7], $0x80, s16, s19, $0xb8;
	[tilespmem:$0x1EAA0] =	vst v63  }
0x76: {  	_ = 	snop  }
0x77: {  	[tilespmem:s25], [sflag:$0x6] =	stream.linear.gather [hbm4b:s8+s4], $0x70, $0x38;
	[tilespmem:$0x1EAA0] =	vst v63  }
0x78: {  	_ = 	snop  }
0x79: {  	[tilespmem:s26], [sflag:$0x6] =	stream.linear.gather [hbm4b:s13+s4], $0x70, $0x38;
	[tilespmem:$0x1EAA0] =	vst v63  }
0x7a: {  	_ =	swait.ge [sflag:s28], $0x70  }
0x7b: {  	[sflag:s28] =	ssyncset.done $0x0  }
0x7c: {  	[sflag:s28] =	ssyncadd.s32 $0xFFFFFF90  }
0x7d: {  	_ =	swait.ge [sflag:s28], $0x70  }
0x7e: {  	[sflag:s28] =	ssyncset.done $0x0  }
0x7f: {  	[sflag:s28] =	ssyncadd.s32 $0xFFFFFF90  }
0x80: {  	_ =	swait.ge [sflag:s29], $0x3800  }
0x81: {  	[sflag:s29] =	ssyncset.done $0x0  }
0x82: {  	s15 =	smin.u32 s7, $0x56;
	[sflag:s29] =	ssyncadd.s32 $0xFFFFC800  }
0x83: {  	[tilespmem:s30], [sflag:$0x3] =	stream.indirect.gather [hbm4b:s5+s19], $0x80, s25, s19, $0xb8;
	[tilespmem:$0x1EAA0] =	vst v63  }
0x84: {  	s15 =	smul.u32 $0x70, s15;
	_ =	swait.ge [sflag:s31], $0x3800  }
0x85: {  	s18 =	rddreg [dreg:$0x4]  }
0x86: {  	[sflag:s31] =	ssyncset.done $0x0;
	s15 =	sadd.s32 s15, s18  }
0x87: {  	[sflag:s31] =	ssyncadd.s32 $0xFFFFC800;
	s15 =	sshrl.u32 s15, $0x3  }
0x88: {  	[spmem:s3] =	stream.indirect.scatter.add.f32 [tilespmem:s23], [sflag:$0x8], $0x80, s21, s19, $0xb8;
	[tilespmem:$0x1EAA0] =	vst v63  }
0x89: {  	s15 =	sadd.s32 s1, s15  }
0x8a: {  	[tilespmem:s4], [sflag:$0x4] =	stream.linear.gather [hbm4b:s15+s4], $0x70, $0x38;
	[tilespmem:$0x1EAA0] =	vst v63  }
0x8b: {  	s15 =	sadd.s32 $0x9D80, s15  }
0x8c: {  	[tilespmem:s16], [sflag:$0x4] =	stream.linear.gather [hbm4b:s15+s4], $0x70, $0x38;
	[tilespmem:$0x1EAA0] =	vst v63  }
0x8d: {  	_ =	swait.ge [sflag:s0], $0x70  }
0x8e: {  	[sflag:s0] =	ssyncset.done $0x0  }
0x8f: {  	[sflag:s0] =	ssyncadd.s32 $0xFFFFFF90  }
0x90: {  	_ =	swait.ge [sflag:s0], $0x70  }
0x91: {  	[sflag:s0] =	ssyncset.done $0x0  }
0x92: {  	s17 =	smov.u32 s10;
	[sflag:s0] =	ssyncadd.s32 $0xFFFFFF90  }
0x93: {  	s10 =	smov.u32 s14;
	s14 =	sadd.s32 $0x3, s14;
	_ =	swait.ge [sflag:s2], $0x3800  }
0x94: {  	s11 =	sadd.s32 $0x2A, s11;
	p0 =	sne.s32 s14, $0x5A;
	[sflag:s2] =	ssyncset.done $0x0  }
.Ltmp0:
0x95: {  	s12 =	sadd.s32 $0x2A, s12;
	[sflag:s2] =	ssyncadd.s32 $0xFFFFC800;
	(pc) =	sbr.rel @p0 .LBB2_2-.Ltmp0, $4  }
0x96: {  	[tilespmem:s20], [sflag:$0x1] =	stream.indirect.gather [hbm4b:s5+s19], $0x80, s4, s19, $0xb8;
	[tilespmem:$0x1EAA0] =	vst v63  }
0x97: {  	s8 =	smov.u32 s12;
	s13 =	smov.u32 s11;
	_ =	swait.ge [sflag:s6], $0x3800  }
0x98: {  	s15 =	smin.u32 s7, $0x55;
	s7 =	smov.u32 s17;
	[sflag:s6] =	ssyncset.done $0x0  }
0x99: {  	s15 =	smul.u32 $0x70, s15;
	s18 =	rddreg [dreg:$0x5];
	[sflag:s6] =	ssyncadd.s32 $0xFFFFC800  }
0x9a: {  	[spmem:s3] =	stream.indirect.scatter.add.f32 [tilespmem:s30], [sflag:$0x9], $0x80, s26, s19, $0xb8;
	[tilespmem:$0x1EAA0] =	vst v63  }
0x9b: {  	s14 =	sadd.s32 s15, s18  }
0x9c: {  	s14 =	sshrl.u32 s14, $0x3  }
0x9d: {  	s14 =	sadd.s32 s1, s14  }
0x9e: {  	[tilespmem:s19], [sflag:$0x5] =	stream.linear.gather [hbm4b:s14+s4], $0x70, $0x38;
	[tilespmem:$0x1EAA0] =	vst v63  }
0x9f: {  	s14 =	sadd.s32 $0x9D80, s14  }
0xa0: {  	[tilespmem:s21], [sflag:$0x5] =	stream.linear.gather [hbm4b:s14+s4], $0x70, $0x38;
	[tilespmem:$0x1EAA0] =	vst v63  }
0xa1: {  	_ =	swait.ge [sflag:s22], $0x70  }
0xa2: {  	[sflag:s22] =	ssyncset.done $0x0  }
0xa3: {  	[sflag:s22] =	ssyncadd.s32 $0xFFFFFF90  }
0xa4: {  	_ =	swait.ge [sflag:s22], $0x70  }
0xa5: {  	p0 =	seq.s32 s7, $0x0;
	[sflag:s22] =	ssyncset.done $0x0  }
0xa6: {  	s14 =	simm.s32 @!p0 $0x9;
	[sflag:s22] =	ssyncadd.s32 $0xFFFFFF90  }
0xa7: {  	_ =	swait.ge @!p0 [sflag:s14], $0x3800  }
0xa8: {  	[sflag:s14] =	ssyncset.done @!p0 $0x0  }
0xa9: {  	[sflag:s14] =	ssyncadd.s32 @!p0 $0xFFFFC800  }
0xaa: {  	[tilespmem:s23], [sflag:$0x2] =	stream.indirect.gather [hbm4b:s5+s19], $0x80, s19, s19, $0xb8;
	[tilespmem:$0x1EAA0] =	vst v63  }
0xab: {  	_ =	swait.ge [sflag:s24], $0x3800  }
0xac: {  	[sflag:s24] =	ssyncset.done $0x0  }
0xad: {  	[sflag:s24] =	ssyncadd.s32 $0xFFFFC800  }
0xae: {  	[spmem:s3] =	stream.indirect.scatter.add.f32 [tilespmem:s20], [sflag:$0x7], $0x80, s16, s19, $0xb8;
	[tilespmem:$0x1EAA0] =	vst v63  }
0xaf: {  	_ = 	snop  }
0xb0: {  	[tilespmem:s25], [sflag:$0x6] =	stream.linear.gather [hbm4b:s8+s4], $0x70, $0x38;
	[tilespmem:$0x1EAA0] =	vst v63  }
0xb1: {  	_ = 	snop  }
0xb2: {  	[tilespmem:s26], [sflag:$0x6] =	stream.linear.gather [hbm4b:s13+s4], $0x70, $0x38;
	[tilespmem:$0x1EAA0] =	vst v63  }
0xb3: {  	_ =	swait.ge [sflag:s28], $0x70  }
0xb4: {  	[sflag:s28] =	ssyncset.done $0x0  }
0xb5: {  	[sflag:s28] =	ssyncadd.s32 $0xFFFFFF90  }
0xb6: {  	_ =	swait.ge [sflag:s28], $0x70  }
0xb7: {  	[sflag:s28] =	ssyncset.done $0x0  }
0xb8: {  	[sflag:s28] =	ssyncadd.s32 $0xFFFFFF90  }
0xb9: {  	_ =	swait.ge [sflag:s29], $0x3800  }
0xba: {  	[sflag:s29] =	ssyncset.done $0x0  }
0xbb: {  	s13 =	smin.u32 s7, $0x56;
	[sflag:s29] =	ssyncadd.s32 $0xFFFFC800  }
0xbc: {  	[tilespmem:s30], [sflag:$0x3] =	stream.indirect.gather [hbm4b:s5+s19], $0x80, s25, s19, $0xb8;
	[tilespmem:$0x1EAA0] =	vst v63  }
0xbd: {  	s8 =	smul.u32 $0x70, s13;
	_ =	swait.ge [sflag:s31], $0x3800  }
0xbe: {  	s14 =	rddreg [dreg:$0x4]  }
0xbf: {  	[sflag:s31] =	ssyncset.done $0x0;
	s8 =	sadd.s32 s8, s14  }
0xc0: {  	[sflag:s31] =	ssyncadd.s32 $0xFFFFC800;
	s8 =	sshrl.u32 s8, $0x3  }
0xc1: {  	[spmem:s3] =	stream.indirect.scatter.add.f32 [tilespmem:s23], [sflag:$0x8], $0x80, s21, s19, $0xb8;
	[tilespmem:$0x1EAA0] =	vst v63  }
0xc2: {  	s8 =	sadd.s32 s1, s8  }
0xc3: {  	[tilespmem:s4], [sflag:$0x4] =	stream.linear.gather [hbm4b:s8+s4], $0x70, $0x38;
	[tilespmem:$0x1EAA0] =	vst v63  }
0xc4: {  	s8 =	sadd.s32 $0x9D80, s8  }
0xc5: {  	[tilespmem:s16], [sflag:$0x4] =	stream.linear.gather [hbm4b:s8+s4], $0x70, $0x38;
	[tilespmem:$0x1EAA0] =	vst v63  }
0xc6: {  	_ =	swait.ge [sflag:s0], $0x70  }
0xc7: {  	[sflag:s0] =	ssyncset.done $0x0  }
0xc8: {  	[sflag:s0] =	ssyncadd.s32 $0xFFFFFF90  }
0xc9: {  	_ =	swait.ge [sflag:s0], $0x70  }
0xca: {  	[sflag:s0] =	ssyncset.done $0x0  }
0xcb: {  	[sflag:s0] =	ssyncadd.s32 $0xFFFFFF90  }
0xcc: {  	_ =	swait.ge [sflag:s2], $0x3800  }
0xcd: {  	[sflag:s2] =	ssyncset.done $0x0  }
0xce: {  	s15 =	smin.u32 s7, $0x55;
	[sflag:s2] =	ssyncadd.s32 $0xFFFFC800  }
0xcf: {  	[tilespmem:s20], [sflag:$0x1] =	stream.indirect.gather [hbm4b:s5+s19], $0x80, s4, s19, $0xb8;
	[tilespmem:$0x1EAA0] =	vst v63  }
0xd0: {  	s7 =	smul.u32 $0x70, s15;
	_ =	swait.ge [sflag:s6], $0x3800  }
0xd1: {  	s17 =	rddreg [dreg:$0x5];
	[sflag:s6] =	ssyncset.done $0x0  }
0xd2: {  	s7 =	sadd.s32 s7, s17;
	[sflag:s6] =	ssyncadd.s32 $0xFFFFC800  }
0xd3: {  	[spmem:s3] =	stream.indirect.scatter.add.f32 [tilespmem:s30], [sflag:$0x9], $0x80, s26, s19, $0xb8;
	[tilespmem:$0x1EAA0] =	vst v63  }
0xd4: {  	s7 =	sshrl.u32 s7, $0x3  }
0xd5: {  	s7 =	sadd.s32 s1, s7  }
0xd6: {  	[tilespmem:s19], [sflag:$0x5] =	stream.linear.gather [hbm4b:s7+s4], $0x70, $0x38;
	[tilespmem:$0x1EAA0] =	vst v63  }
0xd7: {  	s7 =	sadd.s32 $0x9D80, s7  }
0xd8: {  	[tilespmem:s21], [sflag:$0x5] =	stream.linear.gather [hbm4b:s7+s4], $0x70, $0x38;
	[tilespmem:$0x1EAA0] =	vst v63  }
0xd9: {  	_ =	swait.ge [sflag:s22], $0x70  }
0xda: {  	[sflag:s22] =	ssyncset.done $0x0  }
0xdb: {  	[sflag:s22] =	ssyncadd.s32 $0xFFFFFF90  }
0xdc: {  	_ =	swait.ge [sflag:s22], $0x70  }
0xdd: {  	p0 =	seq.s32 s10, $0x0;
	[sflag:s22] =	ssyncset.done $0x0  }
0xde: {  	s7 =	simm.s32 @!p0 $0x9;
	[sflag:s22] =	ssyncadd.s32 $0xFFFFFF90  }
0xdf: {  	_ =	swait.ge @!p0 [sflag:s7], $0x3800  }
0xe0: {  	[sflag:s7] =	ssyncset.done @!p0 $0x0  }
0xe1: {  	[sflag:s7] =	ssyncadd.s32 @!p0 $0xFFFFC800  }
0xe2: {  	[tilespmem:s23], [sflag:$0x2] =	stream.indirect.gather [hbm4b:s5+s19], $0x80, s19, s19, $0xb8;
	[tilespmem:$0x1EAA0] =	vst v63  }
0xe3: {  	_ =	swait.ge [sflag:s24], $0x3800  }
0xe4: {  	[sflag:s24] =	ssyncset.done $0x0  }
0xe5: {  	[sflag:s24] =	ssyncadd.s32 $0xFFFFC800  }
0xe6: {  	[spmem:s3] =	stream.indirect.scatter.add.f32 [tilespmem:s20], [sflag:$0x7], $0x80, s16, s19, $0xb8;
	[tilespmem:$0x1EAA0] =	vst v63  }
0xe7: {  	s18 =	sadd.s32 $0x2A, s12  }
0xe8: {  	[tilespmem:s25], [sflag:$0x6] =	stream.linear.gather [hbm4b:s18+s4], $0x70, $0x38;
	[tilespmem:$0x1EAA0] =	vst v63  }
0xe9: {  	s8 =	sadd.s32 $0x2A, s11  }
0xea: {  	[tilespmem:s26], [sflag:$0x6] =	stream.linear.gather [hbm4b:s8+s4], $0x70, $0x38;
	[tilespmem:$0x1EAA0] =	vst v63  }
0xeb: {  	_ =	swait.ge [sflag:s28], $0x70  }
0xec: {  	[sflag:s28] =	ssyncset.done $0x0  }
0xed: {  	[sflag:s28] =	ssyncadd.s32 $0xFFFFFF90  }
0xee: {  	_ =	swait.ge [sflag:s28], $0x70  }
0xef: {  	[sflag:s28] =	ssyncset.done $0x0  }
0xf0: {  	[sflag:s28] =	ssyncadd.s32 $0xFFFFFF90  }
0xf1: {  	_ =	swait.ge [sflag:s29], $0x3800  }
0xf2: {  	[sflag:s29] =	ssyncset.done $0x0  }
0xf3: {  	s11 =	smin.u32 s10, $0x56;
	[sflag:s29] =	ssyncadd.s32 $0xFFFFC800  }
0xf4: {  	[tilespmem:s30], [sflag:$0x3] =	stream.indirect.gather [hbm4b:s5+s19], $0x80, s25, s19, $0xb8;
	[tilespmem:$0x1EAA0] =	vst v63  }
0xf5: {  	s7 =	smul.u32 $0x70, s11;
	_ =	swait.ge [sflag:s31], $0x3800  }
0xf6: {  	s12 =	rddreg [dreg:$0x4]  }
0xf7: {  	[sflag:s31] =	ssyncset.done $0x0;
	s7 =	sadd.s32 s7, s12  }
0xf8: {  	[sflag:s31] =	ssyncadd.s32 $0xFFFFC800;
	s7 =	sshrl.u32 s7, $0x3  }
0xf9: {  	[spmem:s3] =	stream.indirect.scatter.add.f32 [tilespmem:s23], [sflag:$0x8], $0x80, s21, s19, $0xb8;
	[tilespmem:$0x1EAA0] =	vst v63  }
0xfa: {  	s7 =	sadd.s32 s1, s7  }
0xfb: {  	[tilespmem:s4], [sflag:$0x4] =	stream.linear.gather [hbm4b:s7+s4], $0x70, $0x38;
	[tilespmem:$0x1EAA0] =	vst v63  }
0xfc: {  	s7 =	sadd.s32 $0x9D80, s7  }
0xfd: {  	[tilespmem:s16], [sflag:$0x4] =	stream.linear.gather [hbm4b:s7+s4], $0x70, $0x38;
	[tilespmem:$0x1EAA0] =	vst v63  }
0xfe: {  	_ =	swait.ge [sflag:s0], $0x70  }
0xff: {  	[sflag:s0] =	ssyncset.done $0x0  }
0x100: {  	[sflag:s0] =	ssyncadd.s32 $0xFFFFFF90  }
0x101: {  	_ =	swait.ge [sflag:s0], $0x70  }
0x102: {  	[sflag:s0] =	ssyncset.done $0x0  }
0x103: {  	[sflag:s0] =	ssyncadd.s32 $0xFFFFFF90  }
0x104: {  	_ =	swait.ge [sflag:s2], $0x3800  }
0x105: {  	[sflag:s2] =	ssyncset.done $0x0  }
0x106: {  	s13 =	smin.u32 s10, $0x55;
	[sflag:s2] =	ssyncadd.s32 $0xFFFFC800  }
0x107: {  	[tilespmem:s20], [sflag:$0x1] =	stream.indirect.gather [hbm4b:s5+s19], $0x80, s4, s19, $0xb8;
	[tilespmem:$0x1EAA0] =	vst v63  }
0x108: {  	s7 =	smul.u32 $0x70, s13;
	_ =	swait.ge [sflag:s6], $0x3800  }
0x109: {  	s14 =	rddreg [dreg:$0x5];
	[sflag:s6] =	ssyncset.done $0x0  }
0x10a: {  	s7 =	sadd.s32 s7, s14;
	[sflag:s6] =	ssyncadd.s32 $0xFFFFC800  }
0x10b: {  	[spmem:s3] =	stream.indirect.scatter.add.f32 [tilespmem:s30], [sflag:$0x9], $0x80, s26, s19, $0xb8;
	[tilespmem:$0x1EAA0] =	vst v63  }
0x10c: {  	s7 =	sshrl.u32 s7, $0x3  }
0x10d: {  	s7 =	sadd.s32 s1, s7  }
0x10e: {  	[tilespmem:s19], [sflag:$0x5] =	stream.linear.gather [hbm4b:s7+s4], $0x70, $0x38;
	[tilespmem:$0x1EAA0] =	vst v63  }
0x10f: {  	s7 =	sadd.s32 $0x9D80, s7  }
0x110: {  	[tilespmem:s21], [sflag:$0x5] =	stream.linear.gather [hbm4b:s7+s4], $0x70, $0x38;
	[tilespmem:$0x1EAA0] =	vst v63  }
0x111: {  	_ =	swait.ge [sflag:s24], $0x3800  }
0x112: {  	[sflag:s24] =	ssyncset.done $0x0  }
0x113: {  	s15 =	simm.s32 $0x9;
	[sflag:s24] =	ssyncadd.s32 $0xFFFFC800  }
0x114: {  	_ =	swait.ge [sflag:s15], $0x3800  }
0x115: {  	[sflag:s15] =	ssyncset.done $0x0  }
0x116: {  	[sflag:s15] =	ssyncadd.s32 $0xFFFFC800  }
0x117: {  	_ =	swait.ge [sflag:s22], $0x70  }
0x118: {  	[sflag:s22] =	ssyncset.done $0x0  }
0x119: {  	[sflag:s22] =	ssyncadd.s32 $0xFFFFFF90  }
0x11a: {  	_ =	swait.ge [sflag:s22], $0x70  }
0x11b: {  	[sflag:s22] =	ssyncset.done $0x0  }
0x11c: {  	[sflag:s22] =	ssyncadd.s32 $0xFFFFFF90  }
0x11d: {  	[bflag:$0x0] =	sbarrier.arrive $0xFFFF  }
0x11e: {  	s17 =	rddreg [dreg:$0xb]  }
0x11f: {  	s10 =	rddreg [dreg:$0xf]  }
0x120: {  	s8 =	simm.s32 $0xA;
	s11 =	rddreg [dreg:$0x10]  }
0x121: {  	[hbm:s17], [sflag:s10] =	dma.local [spmem:s11], $0x2800  }
0x122: {  	_ =	swait.ge [sflag:s8], $0x2800  }
0x123: {  	s9 =	sadd.s32 $0x1, s9;
	s18 =	rddreg [dreg:$0xc]  }
0x124: {  	p0 =	sne.s32 s9, s18  }
.Ltmp1:
0x125: {  	_ = 	snop;
	(pc) =	sbr.rel @p0 .LBB2_1-.Ltmp1, $3  }
0x126: {  	_ =	sdelay $0x1  }
0x127: {  	[sflag:s8] =	ssyncset.done $0x0  }
0x128: {  	[sflag:s8] =	ssyncadd.s32 $0xFFFFD800  }
0x129: {  	_ =	sfence.sel $0x180000  }
0x12a: {  	[bflag:$0x0] =	sbarrier.arrive $0xFFFF  }
0x12b: {  	_ =	strace $0x9000004A  }
0x12c: {  	s0 =	stileid.u32;
	[bflag:$0x2] =	sbarrier.arrive $0xFFFF  }
0x12d: {  	p0 =	sne.s32 s0, $0x0;
	s0 =	rddreg [dreg:$0x3]  }
0x12e: {  	s0 =	sadd.s32 @!p0 $0x100000, s0  }
0x12f: {  	[sflag:s0] =	ssyncadd.tile.s32 @!p0 $0x1;
	_ =	shalt  }
.Lfunc_end2:
_tile_overlayer_lowered:
.L_overlay_start_2:
0x130: {  	(tag) =	ssettag $0x2  }
0x131: {  	s0 =	rddreg [dreg:$0x0];
	s2 =	stileid.u32  }
0x132: {  	s1 =	rddreg [dreg:$0x1];
	p0 =	sne.s32 s2, $0x0  }
0x133: {  	s3 =	rddreg [dreg:$0x2];
	[bflag:$0x3] =	sbarrier.arrive $0xFFFF;
	s2 =	simm.s32 @!p0 $0x1C0A  }
0x134: {  	[timem:s3], [sflag:s2] =	dma.local @!p0 [hbm:s0], s1  }
0x135: {  	s0 =	simm.s32 @!p0 $0xA  }
0x136: {  	_ =	swait.ge @!p0 [sflag:s0], s1  }
0x137: {  	s1 =	ssub.s32 @!p0 $0x0, s1;
	[sflag:s0] =	ssyncset.done @!p0 $0x0  }
0x138: {  	[sflag:s0] =	ssyncadd.s32 @!p0 s1  }
0x139: {  	[bflag:$0x3] =	sbarrier.arrive $0xFFFF  }
0x13a: {  	_ =	shalt  }

// kernel: kernel.14.cloned.1.call-start
scs
__scs_entry_jumppad:
0x0: {  	(pc) =	sbr.rel $0x88, $3  }
0x1: {  	(tag) =	ssettag $0x0;
	lr =	simm.s32 $0x1  }
0x2: {  	[smem:$0x3F9B] =	sst lr;
	_ =	strace $0xD0000000  }
0x3: {  	_ = 	snop  }
0x4: {  	_ = 	snop  }
0x5: {  	_ = 	snop  }
0x6: {  	_ = 	snop  }
0x7: {  	_ = 	snop  }
__scs_overlays_trampoline_lowered:
0x8: {  	[smem:$0x3FAA] =	sst s0  }
0x9: {  	[smem:$0x3FAB] =	sst s1  }
0xa: {  	[smem:$0x3FAC] =	sst s2  }
0xb: {  	[smem:$0x3FAD] =	sst s3  }
0xc: {  	[smem:$0x3FAE] =	sst s4  }
0xd: {  	[smem:$0x3FAF] =	sst s5  }
0xe: {  	[smem:$0x3FB0] =	sst s6  }
0xf: {  	[smem:$0x3FB1] =	sst s7  }
0x10: {  	[smem:$0x3FB2] =	sst s8  }
0x11: {  	[smem:$0x3FB3] =	sst s9;
	s0 =	simm.s32 @!p0 $0x0  }
0x12: {  	s1 =	sld [smem:$0x3F99];
	s0 =	simm.s32 @p0 $0x1  }
0x13: {  	[smem:$0x3FB4] =	sst s0;
	s0 =	simm.s32 @!p1 $0x0  }
0x14: {  	s2 =	sld [smem:$0x3F98];
	s0 =	simm.s32 @p1 $0x1  }
0x15: {  	[smem:$0x3FB5] =	sst s0;
	s0 =	simm.s32 @!p2 $0x0  }
0x16: {  	s3 =	sld [smem:$0x3FDB];
	s0 =	simm.s32 @p2 $0x1  }
0x17: {  	s4 =	simm.s32 $0x1BF5;
	[smem:$0x3FB7] =	sst s0  }
0x18: {  	s0 =	sld [smem:$0x3F9A];
	_ =	swait.ge [sflag:s4], $0x0  }
0x19: {  	s7 =	sld [smem:$0x3F9B]  }
0x1a: {  	s8 =	sadd.s32 $0xFFFFE003, lr  }
0x1b: {  	s9 =	sadd.s32 $0xFFFFFEF7, lr;
	s5 =	simm.s32 $0xFFFFFFFF;
	p2 =	slt.u32 s8, $0xFFFFF086  }
0x1c: {  	p1 =	slt.u32 s9, $0xF7A;
	s5 =	simm.s32 @!p2 $0x0  }
0x1d: {  	s5 =	simm.s32 @p1 $0x1;
	p0 =	seq.s32 s7, s2  }
0x1e: {  	s7 =	smul.u32 @!p0 $0xF7A, s2;
	p2 =	seq.s32 @!p0 s5, $0x0  }
0x1f: {  	s9 =	smul.u32 $0xF7A, s1;
	s8 =	simm.s32 @!p0 $0x1BF5;
	p2 =	por !p2, p0  }
0x20: {  	[sflag:s8] =	ssyncset.s32 @!p0 $0xFFFFF086;
	s6 =	sadd.s32 @!p0 s3, s7;
	s7 =	simm.s32 @!p0 $0x108  }
0x21: {  	s3 =	sadd.s32 s3, s9;
	s6 =	sadd.s32 @!p0 $0x88, s6;
	s7 =	simm.s32 @p2 $0x1082  }
0x22: {  	[simem:s7], [sflag:s8] =	dma.local @!p0 [hbm:s6], $0xF7A  }
0x23: {  	s9 =	sor.u32 $0xD0000000, s2;
	s6 =	simm.s32 $0x108;
	_ =	swait.ge @!p0 [sflag:s8], $0x0  }
0x24: {  	s3 =	sadd.s32 $0x88, s3;
	s6 =	simm.s32 @!p1 $0x1082;
	[sflag:s4] =	ssyncset.s32 $0xFFFFF086  }
0x25: {  	[simem:s6], [sflag:s4] =	dma.local [hbm:s3], $0xF7A  }
0x26: {  	[smem:$0x3F9B] =	sst s1;
	(tag) =	ssettag s2;
	_ =	strace s9  }
0x27: {  	s1 =	sld [smem:$0x3FAB]  }
0x28: {  	s2 =	sld [smem:$0x3FAC]  }
0x29: {  	s4 =	sld [smem:$0x3FAE]  }
0x2a: {  	p0 =	seq.s32 s5, $0x0;
	s5 =	sld [smem:$0x3FAF]  }
0x2b: {  	s6 =	sld [smem:$0x3FB0]  }
0x2c: {  	s7 =	sld [smem:$0x3FB1]  }
0x2d: {  	s3 =	simm.s32 $0x108;
	s8 =	sld [smem:$0x3FB2]  }
0x2e: {  	s3 =	simm.s32 @!p0 $0x1082;
	s9 =	sld [smem:$0x3FB3]  }
0x2f: {  	lr =	sadd.s32 s0, s3;
	s0 =	sld [smem:$0x3FAA]  }
0x30: {  	s3 =	sld [smem:$0x3FAD]  }
0x31: {  	[smem:$0x3FB6] =	sst s10  }
0x32: {  	s10 =	sld [smem:$0x3FB4];
	_ =	sdelay $0x3  }
0x33: {  	p0 =	seq.s32 s10, $0x1;
	s10 =	sld [smem:$0x3FB6];
	_ =	sdelay $0x3  }
0x34: {  	[smem:$0x3FB6] =	sst s10  }
0x35: {  	s10 =	sld [smem:$0x3FB5];
	_ =	sdelay $0x3  }
0x36: {  	p1 =	seq.s32 s10, $0x1;
	s10 =	sld [smem:$0x3FB6];
	_ =	sdelay $0x3  }
0x37: {  	[smem:$0x3FB6] =	sst s10  }
0x38: {  	s10 =	sld [smem:$0x3FB7]  }
0x39: {  	_ = 	snop;
	(pc) =	sbr.ind lr, $3  }
0x3a: {  	_ = 	snop  }
0x3b: {  	_ = 	snop  }
0x3c: {  	p2 =	seq.s32 s10, $0x1;
	s10 =	sld [smem:$0x3FB6]  }
0x3d: {  	_ =	shalt  }
0x3e: {  	_ =	shalt  }
0x3f: {  	_ =	shalt  }
0x40: {  	_ =	shalt  }
0x41: {  	_ =	shalt  }
0x42: {  	_ =	shalt  }
0x43: {  	_ =	shalt  }
0x44: {  	_ =	shalt  }
0x45: {  	_ =	shalt  }
0x46: {  	_ =	shalt  }
0x47: {  	_ =	shalt  }
0x48: {  	_ =	shalt  }
0x49: {  	_ =	shalt  }
0x4a: {  	_ =	shalt  }
0x4b: {  	_ =	shalt  }
0x4c: {  	_ =	shalt  }
0x4d: {  	_ =	shalt  }
0x4e: {  	_ =	shalt  }
0x4f: {  	_ =	shalt  }
0x50: {  	_ =	shalt  }
0x51: {  	_ =	shalt  }
0x52: {  	_ =	shalt  }
0x53: {  	_ =	shalt  }
0x54: {  	_ =	shalt  }
0x55: {  	_ =	shalt  }
0x56: {  	_ =	shalt  }
0x57: {  	_ =	shalt  }
0x58: {  	_ =	shalt  }
0x59: {  	_ =	shalt  }
0x5a: {  	_ =	shalt  }
0x5b: {  	_ =	shalt  }
0x5c: {  	_ =	shalt  }
0x5d: {  	_ =	shalt  }
0x5e: {  	_ =	shalt  }
0x5f: {  	_ =	shalt  }
0x60: {  	_ =	shalt  }
0x61: {  	_ =	shalt  }
0x62: {  	_ =	shalt  }
0x63: {  	_ =	shalt  }
0x64: {  	_ =	shalt  }
0x65: {  	_ =	shalt  }
0x66: {  	_ =	shalt  }
0x67: {  	_ =	shalt  }
0x68: {  	_ =	shalt  }
0x69: {  	_ =	shalt  }
0x6a: {  	_ =	shalt  }
0x6b: {  	_ =	shalt  }
0x6c: {  	_ =	shalt  }
0x6d: {  	_ =	shalt  }
0x6e: {  	_ =	shalt  }
0x6f: {  	_ =	shalt  }
0x70: {  	_ =	shalt  }
0x71: {  	_ =	shalt  }
0x72: {  	_ =	shalt  }
0x73: {  	_ =	shalt  }
0x74: {  	_ =	shalt  }
0x75: {  	_ =	shalt  }
0x76: {  	_ =	shalt  }
0x77: {  	_ =	shalt  }
0x78: {  	_ =	shalt  }
0x79: {  	_ =	shalt  }
0x7a: {  	_ =	shalt  }
0x7b: {  	_ =	shalt  }
0x7c: {  	_ =	shalt  }
0x7d: {  	_ =	shalt  }
0x7e: {  	_ =	shalt  }
0x7f: {  	_ =	shalt  }
0x80: {  	_ =	shalt  }
0x81: {  	_ =	shalt  }
0x82: {  	_ =	shalt  }
0x83: {  	_ =	shalt  }
0x84: {  	_ =	shalt  }
0x85: {  	_ =	shalt  }
0x86: {  	_ =	shalt  }
0x87: {  	_ =	shalt  }
.Lfunc_end0:
.L_simem_size_0:
called_computation.2_lowered:
.L_overlay_start_0:
0x88: {  	s2 =	sld [smem:$0x3FD9]  }
0x89: {  	s3 =	sld [smem:$0x3FFE];
	_ =	sdelay $0x1  }
0x8a: {  	s1 =	srdreg.scid  }
0x8b: {  	s0 =	sand.u32 $0x1, s1  }
0x8c: {  	s17 =	sshll.u32 s0, $0xA;
	s2 =	sadd.s32 s3, s2  }
0x8d: {  	s2 =	sadd.s32 s2, s17  }
0x8e: {  	[smem:$0x3FC2] =	sst s2  }
0x8f: {  	_ = 	snop  }
0x90: {  	s2 =	sld [smem:$0x3FD0];
	(tm) =	ssettm $0x1  }
0x91: {  	s18 =	sld [smem:$0x3FFB];
	_ =	sdelay $0x3  }
0x92: {  	_ =	strace s18  }
0x93: {  	s3 =	sld [smem:$0x3FFC];
	_ =	sdelay $0x3  }
0x94: {  	_ =	strace s3  }
0x95: {  	s3 =	sld [smem:$0x3FFD];
	_ =	sdelay $0x3  }
0x96: {  	_ =	strace s3  }
0x97: {  	_ =	strace $0x8FFFFFFF  }
0x98: {  	s19 =	sld [smem:$0x3FDB];
	_ =	sdelay $0x1  }
0x99: {  	s4 =	simm.s32 $_scs_section_size  }
0x9a: {  	s5 =	simm.s32 $_size__tile_overlayer_lowered;
	s6 =	simm.s32 $_tile_overlayer_lowered  }
0x9b: {  	s22 =	simm.s32 $0x1BFF;
	s21 =	sshll.u32 s6, $0x1;
	s3 =	sadd.s32 s4, s19  }
0x9c: {  	s7 =	simm.s32 $0x0;
	s20 =	sshll.u32 s5, $0x1;
	s5 =	sadd.s32 s21, s3  }
0x9d: {  	[timem:s7], [sflag:s22] =	dma.local [hbm:s5], s20  }
0x9e: {  	_ =	swait.ge [sflag:s22], s20  }
0x9f: {  	s4 =	ssub.s32 $0x0, s20;
	[sflag:s22] =	ssyncset.done $0x0  }
0xa0: {  	[sflag:s22] =	ssyncadd.s32 s4;
	_ =	sdelay $0x1  }
0xa1: {  	s23 =	simm.s32 $0x1B8B  }
0xa2: {  	_ =	swait.ge [sflag:s23], $0x1  }
0xa3: {  	[sflag:s23] =	ssyncset.done $0x0  }
0xa4: {  	s25 =	simm.s32 $0x1B8E;
	s24 =	sld [smem:$0x3FFE];
	[sflag:s23] =	ssyncadd.s32 $0xFFFFFFFF  }
0xa5: {  	s26 =	simm.s32 $execute0_lowered;
	[smem:$0x3FD2] =	sst s25  }
0xa6: {  	s5 =	sshll.u32 s26, $0x1;
	_ =	strace $0x8000004C;
	[dreg:$0x1] =	wrdreg $0xFFFFFFFF  }
0xa7: {  	s28 =	simm.s32 $_size_execute0_lowered;
	s3 =	sadd.s32 s3, s5;
	[dreg:$0x0] =	wrdreg $0x0  }
0xa8: {  	s5 =	sshll.u32 s28, $0x1;
	[dreg:$0x2] =	wrdreg s3  }
0xa9: {  	[dreg:$0x3] =	wrdreg s5  }
0xaa: {  	[dreg:$0x4] =	wrdreg $0xC0  }
0xab: {  	_ =	task [dreg:s7], $0x5FFFF  }
0xac: {  	[dreg:$0x1] =	wrdreg $0xFFFFFFFF  }
0xad: {  	[dreg:$0x0] =	wrdreg $0x60  }
0xae: {  	[dreg:$0x2] =	wrdreg s2  }
0xaf: {  	[dreg:$0x3] =	wrdreg s24  }
0xb0: {  	[dreg:$0x4] =	wrdreg $0x56A00  }
0xb1: {  	[dreg:$0x5] =	wrdreg $0x9  }
0xb2: {  	_ =	task.clear_ibuf [dreg:s7], $0x6FFFF;
	_ =	strace $0x9000004C  }
0xb3: {  	s29 =	simm.s32 $0x9;
	_ =	strace $0x8000004E  }
0xb4: {  	_ =	swait.ge [sflag:s29], $0x1  }
0xb5: {  	[sflag:s29] =	ssyncadd.s32 $0xFFFFFFFF  }
0xb6: {  	_ =	strace $0x9000004E  }
0xb7: {  	_ =	sfence  }
0xb8: {  	s30 =	sld [smem:$0x0];
	_ =	sdelay $0x2  }
0xb9: {  	s31 =	sshll.u32 s1, $0xD;
	s1 =	sshrl.u32 s1, $0x2  }
0xba: {  	s3 =	sand.u32 $0x4000, s31;
	s1 =	sadd.s32 s1, s30  }
0xbb: {  	s0 =	sor.u32 s3, s0;
	s1 =	sshll.u32 s1, $0x11  }
0xbc: {  	s0 =	sor.u32 s1, s0  }
0xbd: {  	s0 =	sadd.s32 $0x8F2B, s0  }
0xbe: {  	[sflag:s0] =	ssyncadd.remote.s32 $0x1  }
0xbf: {  	_ =	sfence.sel $0xFFFF  }
0xc0: {  	[dreg:$0x0] =	wrdreg $0xFFFFFFFF;
	(pc) =	sbr.abs _section_cstart, $3  }
0xc1: {  	[dreg:$0x1] =	wrdreg $0xFFFFFFFF  }
0xc2: {  	_ =	task.clear_ibuf [dreg:s7], $0x2FFFF;
	_ =	strace $0x9FFFFFFF  }
0xc3: {  	(tm) =	ssettm $0x7FFFFFFF  }
tec
execute0_lowered:
.L_overlay_start_1:
0x0: {  	(tag) =	ssettag $0x1  }
0x1: {  	s1 =	rddreg [dreg:$0x0]  }
0x2: {  	s0 =	rddreg [dreg:$0x1]  }
0x3: {  	s3 =	rddreg [dreg:$0x2]  }
0x4: {  	s2 =	srdreg.scid;
	s11 =	stileid.u32;
	s4 =	simm.s32 $0x0  }
0x5: {  	s16 =	simm.s32 $0x150;
	s28 =	simm.s32 $0x6;
	s29 =	simm.s32 $0x7  }
0x6: {  	s30 =	simm.s32 $0x3AA0;
	s31 =	simm.s32 $0x2;
	s2 =	sand.u32 $0x1, s2  }
0x7: {  	s6 =	smul.u32 $0xA000, s11;
	[smem:$0x7FF] =	sst s4;
	s9 =	sadd.s32 $0x16400, s0  }
0x8: {  	s22 =	smul.u32 $0x2760, s11;
	s26 =	sshll.u32 s11, $0x6;
	s5 =	sshll.u32 s2, $0x4  }
0x9: {  	s7 =	smul.u32 $0xA0000, s2;
	_ =	strace $0x8000004D;
	[dreg:$0x6] =	wrdreg s9  }
0xa: {  	s18 =	ssub.s32 $0x2, s2;
	s2 =	smul.u32 $0x27600, s2;
	s5 =	sor.u32 s11, s5  }
0xb: {  	s9 =	simm.s32 $0x0;
	s19 =	sshrl.u32 s18, $0x1;
	s8 =	smul.u32 $0x2760, s5  }
0xc: {  	s5 =	sadd.s32 $0x2400, s0;
	s7 =	sadd.s32 s6, s7;
	s6 =	sadd.s32 s6, s3  }
0xd: {  	s2 =	sadd.s32 s22, s2;
	s22 =	simm.s32 $0x5;
	s7 =	sshrl.u32 s7, $0x3  }
0xe: {  	s24 =	sadd.s32 $0x4ECE0, s2;
	s2 =	sadd.s32 $0xE0, s2;
	s11 =	sshrl.u32 s6, $0x3  }
0xf: {  	s6 =	simm.s32 $0x3;
	s10 =	sshrl.u32 s8, $0x3;
	s0 =	sadd.s32 s7, s0  }
0x10: {  	s7 =	ssub.s32 s18, s19;
	s21 =	sadd.s32 $0x150, s8;
	[dreg:$0x10] =	wrdreg s11  }
0x11: {  	s8 =	sadd.s32 $0x1C0, s8;
	s2 =	sshrl.u32 s2, $0x3;
	[dreg:$0x4] =	wrdreg s21  }
0x12: {  	s19 =	simm.s32 $0x70;
	s12 =	sadd.s32 s1, s10;
	[dreg:$0x5] =	wrdreg s8  }
0x13: {  	s0 =	sadd.s32 $0x17800, s0;
	s7 =	smax.u32 s7, $0x1;
	[dreg:$0x7] =	wrdreg s12  }
0x14: {  	s25 =	sadd.s32 s2, s1;
	s8 =	simm.s32 $0xA;
	[dreg:$0xb] =	wrdreg s0  }
0x15: {  	s10 =	sor.u32 $0x1C0A, s26;
	s21 =	simm.s32 $0x1C0;
	[dreg:$0xc] =	wrdreg s7  }
0x16: {  	s26 =	simm.s32 $0x230;
	s2 =	simm.s32 $0x8;
	[dreg:$0xe] =	wrdreg s25  }
0x17: {  	s20 =	sadd.s32 $0x9D80, s12;
	s13 =	sadd.s32 $0xE, s12;
	[dreg:$0xf] =	wrdreg s10  }
0x18: {  	s23 =	sadd.s32 $0x9D8E, s12;
	s0 =	sshrl.u32 s24, $0x3;
	[dreg:$0x8] =	wrdreg s20  }
0x19: {  	s24 =	simm.s32 $0x1;
	s25 =	simm.s32 $0xE0;
	[dreg:$0x9] =	wrdreg s13  }
0x1a: {  	[dreg:$0xa] =	wrdreg s23;
	s0 =	sadd.s32 s0, s1;
	s20 =	simm.s32 $0x2A0  }
0x1b: {  	s23 =	simm.s32 $0x1EA0;
	[dreg:$0xd] =	wrdreg s0;
	s0 =	simm.s32 $0x4  }
.LBB2_1:
0x1c: {  	s7 =	rddreg [dreg:$0x7]  }
0x1d: {  	[tilespmem:s4], [sflag:$0xA] =	stream.linear.gather [hbm4b:s7+s4], $0x70, $0x38;
	[tilespmem:$0xF6A0] =	vst v63  }
0x1e: {  	_ =	swait.ge [sflag:s8], $0x70  }
0x1f: {  	[sflag:s8] =	ssyncset.done $0x0  }
0x20: {  	s17 =	rddreg [dreg:$0x8];
	[sflag:s8] =	ssyncadd.s32 $0xFFFFFF90  }
0x21: {  	[tilespmem:s16], [sflag:$0xA] =	stream.linear.gather [hbm4b:s17+s4], $0x70, $0x38;
	[tilespmem:$0xF6A0] =	vst v63  }
0x22: {  	_ =	swait.ge [sflag:s8], $0x70  }
0x23: {  	[sflag:s8] =	ssyncset.done $0x0  }
0x24: {  	s18 =	rddreg [dreg:$0x6];
	[sflag:s8] =	ssyncadd.s32 $0xFFFFFF90  }
0x25: {  	[spmem:s11], [sflag:s10] =	dma.local [hbm:s18], $0x1400  }
0x26: {  	_ =	swait.ge [sflag:s8], $0x1400  }
0x27: {  	[sflag:s8] =	ssyncset.done $0x0  }
0x28: {  	[sflag:s8] =	ssyncadd.s32 $0xFFFFEC00  }
0x29: {  	[bflag:$0x0] =	sbarrier.arrive $0xFFFF  }
0x2a: {  	[tilespmem:s20], [sflag:$0x1] =	stream.indirect.gather [hbm4b:s5+s19], $0x40, s4, s19, $0xb8;
	[tilespmem:$0xF6A0] =	vst v63  }
0x2b: {  	s11 =	rddreg [dreg:$0x9]  }
0x2c: {  	[tilespmem:s19], [sflag:$0x5] =	stream.linear.gather [hbm4b:s11+s4], $0x70, $0x38;
	[tilespmem:$0xF6A0] =	vst v63  }
0x2d: {  	s12 =	rddreg [dreg:$0xa]  }
0x2e: {  	[tilespmem:s21], [sflag:$0x5] =	stream.linear.gather [hbm4b:s12+s4], $0x70, $0x38;
	[tilespmem:$0xF6A0] =	vst v63  }
0x2f: {  	_ =	swait.ge [sflag:s22], $0x70  }
0x30: {  	[sflag:s22] =	ssyncset.done $0x0  }
0x31: {  	[sflag:s22] =	ssyncadd.s32 $0xFFFFFF90  }
0x32: {  	_ =	swait.ge [sflag:s22], $0x70  }
0x33: {  	p0 =	por $0x1, $0x1;
	[sflag:s22] =	ssyncset.done $0x0  }
0x34: {  	s7 =	simm.s32 @!p0 $0x9;
	[sflag:s22] =	ssyncadd.s32 $0xFFFFFF90  }
0x35: {  	_ =	swait.ge @!p0 [sflag:s7], $0x1C00  }
0x36: {  	[sflag:s7] =	ssyncset.done @!p0 $0x0  }
0x37: {  	[sflag:s7] =	ssyncadd.s32 @!p0 $0xFFFFE400  }
0x38: {  	[tilespmem:s23], [sflag:$0x2] =	stream.indirect.gather [hbm4b:s5+s19], $0x40, s19, s19, $0xb8;
	[tilespmem:$0xF6A0] =	vst v63  }
0x39: {  	_ =	swait.ge [sflag:s24], $0x1C00  }
0x3a: {  	[sflag:s24] =	ssyncset.done $0x0  }
0x3b: {  	[sflag:s24] =	ssyncadd.s32 $0xFFFFE400  }
0x3c: {  	[spmem:s3] =	stream.indirect.scatter.add.f32 [tilespmem:s20], [sflag:$0x7], $0x40, s16, s19, $0xb8;
	[tilespmem:$0xF6A0] =	vst v63  }
0x3d: {  	s12 =	rddreg [dreg:$0xe]  }
0x3e: {  	[tilespmem:s25], [sflag:$0x6] =	stream.linear.gather [hbm4b:s12+s4], $0x70, $0x38;
	[tilespmem:$0xF6A0] =	vst v63  }
0x3f: {  	s13 =	rddreg [dreg:$0xd]  }
0x40: {  	[tilespmem:s26], [sflag:$0x6] =	stream.linear.gather [hbm4b:s13+s4], $0x70, $0x38;
	[tilespmem:$0xF6A0] =	vst v63  }
0x41: {  	_ =	swait.ge [sflag:s28], $0x70  }
0x42: {  	[sflag:s28] =	ssyncset.done $0x0  }
0x43: {  	[sflag:s28] =	ssyncadd.s32 $0xFFFFFF90  }
0x44: {  	_ =	swait.ge [sflag:s28], $0x70  }
0x45: {  	[sflag:s28] =	ssyncset.done $0x0  }
0x46: {  	[sflag:s28] =	ssyncadd.s32 $0xFFFFFF90  }
0x47: {  	_ =	swait.ge [sflag:s29], $0x1C00  }
0x48: {  	[sflag:s29] =	ssyncset.done $0x0  }
0x49: {  	s14 =	smin.u32 s4, $0x56;
	[sflag:s29] =	ssyncadd.s32 $0xFFFFE400  }
0x4a: {  	[tilespmem:s30], [sflag:$0x3] =	stream.indirect.gather [hbm4b:s5+s19], $0x40, s25, s19, $0xb8;
	[tilespmem:$0xF6A0] =	vst v63  }
0x4b: {  	s7 =	smul.u32 $0x70, s14;
	_ =	swait.ge [sflag:s31], $0x1C00  }
0x4c: {  	s15 =	rddreg [dreg:$0x4]  }
0x4d: {  	[sflag:s31] =	ssyncset.done $0x0;
	s7 =	sadd.s32 s7, s15  }
0x4e: {  	[sflag:s31] =	ssyncadd.s32 $0xFFFFE400;
	s7 =	sshrl.u32 s7, $0x3  }
0x4f: {  	[spmem:s3] =	stream.indirect.scatter.add.f32 [tilespmem:s23], [sflag:$0x8], $0x40, s21, s19, $0xb8;
	[tilespmem:$0xF6A0] =	vst v63  }
0x50: {  	s7 =	sadd.s32 s1, s7  }
0x51: {  	[tilespmem:s4], [sflag:$0x4] =	stream.linear.gather [hbm4b:s7+s4], $0x70, $0x38;
	[tilespmem:$0xF6A0] =	vst v63  }
0x52: {  	s7 =	sadd.s32 $0x9D80, s7  }
0x53: {  	[tilespmem:s16], [sflag:$0x4] =	stream.linear.gather [hbm4b:s7+s4], $0x70, $0x38;
	[tilespmem:$0xF6A0] =	vst v63  }
0x54: {  	_ =	swait.ge [sflag:s0], $0x70  }
0x55: {  	[sflag:s0] =	ssyncset.done $0x0  }
0x56: {  	[sflag:s0] =	ssyncadd.s32 $0xFFFFFF90  }
0x57: {  	_ =	swait.ge [sflag:s0], $0x70  }
0x58: {  	[sflag:s0] =	ssyncset.done $0x0  }
0x59: {  	[sflag:s0] =	ssyncadd.s32 $0xFFFFFF90  }
0x5a: {  	_ =	swait.ge [sflag:s2], $0x1C00  }
0x5b: {  	s17 =	smin.u32 s4, $0x55;
	s10 =	simm.s32 $0x6;
	[sflag:s2] =	ssyncset.done $0x0  }
0x5c: {  	s14 =	simm.s32 $0x9;
	s12 =	sadd.s32 $0x2A, s12;
	[sflag:s2] =	ssyncadd.s32 $0xFFFFE400  }
0x5d: {  	[tilespmem:s20], [sflag:$0x1] =	stream.indirect.gather [hbm4b:s5+s19], $0x40, s4, s19, $0xb8;
	[tilespmem:$0xF6A0] =	vst v63  }
0x5e: {  	s11 =	sadd.s32 $0x2A, s13;
	s8 =	smov.u32 s12;
	_ =	swait.ge [sflag:s6], $0x1C00  }
0x5f: {  	s13 =	smov.u32 s11;
	s15 =	smul.u32 $0x70, s17;
	[sflag:s6] =	ssyncset.done $0x0  }
0x60: {  	s7 =	simm.s32 $0x3;
	s18 =	rddreg [dreg:$0x5];
	[sflag:s6] =	ssyncadd.s32 $0xFFFFE400  }
.LBB2_2:
0x61: {  	[spmem:s3] =	stream.indirect.scatter.add.f32 [tilespmem:s30], [sflag:$0x9], $0x40, s26, s19, $0xb8;
	[tilespmem:$0xF6A0] =	vst v63  }
0x62: {  	s15 =	sadd.s32 s15, s18  }
0x63: {  	s15 =	sshrl.u32 s15, $0x3  }
0x64: {  	s15 =	sadd.s32 s1, s15  }
0x65: {  	[tilespmem:s19], [sflag:$0x5] =	stream.linear.gather [hbm4b:s15+s4], $0x70, $0x38;
	[tilespmem:$0xF6A0] =	vst v63  }
0x66: {  	s15 =	sadd.s32 $0x9D80, s15  }
0x67: {  	[tilespmem:s21], [sflag:$0x5] =	stream.linear.gather [hbm4b:s15+s4], $0x70, $0x38;
	[tilespmem:$0xF6A0] =	vst v63  }
0x68: {  	_ =	swait.ge [sflag:s22], $0x70  }
0x69: {  	[sflag:s22] =	ssyncset.done $0x0  }
0x6a: {  	[sflag:s22] =	ssyncadd.s32 $0xFFFFFF90  }
0x6b: {  	_ =	swait.ge [sflag:s22], $0x70  }
0x6c: {  	p1 =	seq.s32 s7, $0x0;
	[sflag:s22] =	ssyncset.done $0x0  }
0x6d: {  	s15 =	simm.s32 @!p1 $0x9;
	[sflag:s22] =	ssyncadd.s32 $0xFFFFFF90  }
0x6e: {  	_ =	swait.ge @!p1 [sflag:s15], $0x1C00  }
0x6f: {  	[sflag:s15] =	ssyncset.done @!p1 $0x0  }
0x70: {  	[sflag:s15] =	ssyncadd.s32 @!p1 $0xFFFFE400  }
0x71: {  	[tilespmem:s23], [sflag:$0x2] =	stream.indirect.gather [hbm4b:s5+s19], $0x40, s19, s19, $0xb8;
	[tilespmem:$0xF6A0] =	vst v63  }
0x72: {  	_ =	swait.ge [sflag:s24], $0x1C00  }
0x73: {  	[sflag:s24] =	ssyncset.done $0x0  }
0x74: {  	[sflag:s24] =	ssyncadd.s32 $0xFFFFE400  }
0x75: {  	[spmem:s3] =	stream.indirect.scatter.add.f32 [tilespmem:s20], [sflag:$0x7], $0x40, s16, s19, $0xb8;
	[tilespmem:$0xF6A0] =	vst v63  }
0x76: {  	_ = 	snop  }
0x77: {  	[tilespmem:s25], [sflag:$0x6] =	stream.linear.gather [hbm4b:s8+s4], $0x70, $0x38;
	[tilespmem:$0xF6A0] =	vst v63  }
0x78: {  	_ = 	snop  }
0x79: {  	[tilespmem:s26], [sflag:$0x6] =	stream.linear.gather [hbm4b:s13+s4], $0x70, $0x38;
	[tilespmem:$0xF6A0] =	vst v63  }
0x7a: {  	_ =	swait.ge [sflag:s28], $0x70  }
0x7b: {  	[sflag:s28] =	ssyncset.done $0x0  }
0x7c: {  	[sflag:s28] =	ssyncadd.s32 $0xFFFFFF90  }
0x7d: {  	_ =	swait.ge [sflag:s28], $0x70  }
0x7e: {  	[sflag:s28] =	ssyncset.done $0x0  }
0x7f: {  	[sflag:s28] =	ssyncadd.s32 $0xFFFFFF90  }
0x80: {  	_ =	swait.ge [sflag:s29], $0x1C00  }
0x81: {  	[sflag:s29] =	ssyncset.done $0x0  }
0x82: {  	s15 =	smin.u32 s7, $0x56;
	[sflag:s29] =	ssyncadd.s32 $0xFFFFE400  }
0x83: {  	[tilespmem:s30], [sflag:$0x3] =	stream.indirect.gather [hbm4b:s5+s19], $0x40, s25, s19, $0xb8;
	[tilespmem:$0xF6A0] =	vst v63  }
0x84: {  	s15 =	smul.u32 $0x70, s15;
	_ =	swait.ge [sflag:s31], $0x1C00  }
0x85: {  	s18 =	rddreg [dreg:$0x4]  }
0x86: {  	[sflag:s31] =	ssyncset.done $0x0;
	s15 =	sadd.s32 s15, s18  }
0x87: {  	[sflag:s31] =	ssyncadd.s32 $0xFFFFE400;
	s15 =	sshrl.u32 s15, $0x3  }
0x88: {  	[spmem:s3] =	stream.indirect.scatter.add.f32 [tilespmem:s23], [sflag:$0x8], $0x40, s21, s19, $0xb8;
	[tilespmem:$0xF6A0] =	vst v63  }
0x89: {  	s15 =	sadd.s32 s1, s15  }
0x8a: {  	[tilespmem:s4], [sflag:$0x4] =	stream.linear.gather [hbm4b:s15+s4], $0x70, $0x38;
	[tilespmem:$0xF6A0] =	vst v63  }
0x8b: {  	s15 =	sadd.s32 $0x9D80, s15  }
0x8c: {  	[tilespmem:s16], [sflag:$0x4] =	stream.linear.gather [hbm4b:s15+s4], $0x70, $0x38;
	[tilespmem:$0xF6A0] =	vst v63  }
0x8d: {  	_ =	swait.ge [sflag:s0], $0x70  }
0x8e: {  	[sflag:s0] =	ssyncset.done $0x0  }
0x8f: {  	[sflag:s0] =	ssyncadd.s32 $0xFFFFFF90  }
0x90: {  	_ =	swait.ge [sflag:s0], $0x70  }
0x91: {  	[sflag:s0] =	ssyncset.done $0x0  }
0x92: {  	s17 =	smov.u32 s10;
	[sflag:s0] =	ssyncadd.s32 $0xFFFFFF90  }
0x93: {  	s10 =	smov.u32 s14;
	s14 =	sadd.s32 $0x3, s14;
	_ =	swait.ge [sflag:s2], $0x1C00  }
0x94: {  	s11 =	sadd.s32 $0x2A, s11;
	p0 =	sne.s32 s14, $0x5A;
	[sflag:s2] =	ssyncset.done $0x0  }
.Ltmp0:
0x95: {  	s12 =	sadd.s32 $0x2A, s12;
	[sflag:s2] =	ssyncadd.s32 $0xFFFFE400;
	(pc) =	sbr.rel @p0 .LBB2_2-.Ltmp0, $4  }
0x96: {  	[tilespmem:s20], [sflag:$0x1] =	stream.indirect.gather [hbm4b:s5+s19], $0x40, s4, s19, $0xb8;
	[tilespmem:$0xF6A0] =	vst v63  }
0x97: {  	s8 =	smov.u32 s12;
	s13 =	smov.u32 s11;
	_ =	swait.ge [sflag:s6], $0x1C00  }
0x98: {  	s15 =	smin.u32 s7, $0x55;
	s7 =	smov.u32 s17;
	[sflag:s6] =	ssyncset.done $0x0  }
0x99: {  	s15 =	smul.u32 $0x70, s15;
	s18 =	rddreg [dreg:$0x5];
	[sflag:s6] =	ssyncadd.s32 $0xFFFFE400  }
0x9a: {  	[spmem:s3] =	stream.indirect.scatter.add.f32 [tilespmem:s30], [sflag:$0x9], $0x40, s26, s19, $0xb8;
	[tilespmem:$0xF6A0] =	vst v63  }
0x9b: {  	s14 =	sadd.s32 s15, s18  }
0x9c: {  	s14 =	sshrl.u32 s14, $0x3  }
0x9d: {  	s14 =	sadd.s32 s1, s14  }
0x9e: {  	[tilespmem:s19], [sflag:$0x5] =	stream.linear.gather [hbm4b:s14+s4], $0x70, $0x38;
	[tilespmem:$0xF6A0] =	vst v63  }
0x9f: {  	s14 =	sadd.s32 $0x9D80, s14  }
0xa0: {  	[tilespmem:s21], [sflag:$0x5] =	stream.linear.gather [hbm4b:s14+s4], $0x70, $0x38;
	[tilespmem:$0xF6A0] =	vst v63  }
0xa1: {  	_ =	swait.ge [sflag:s22], $0x70  }
0xa2: {  	[sflag:s22] =	ssyncset.done $0x0  }
0xa3: {  	[sflag:s22] =	ssyncadd.s32 $0xFFFFFF90  }
0xa4: {  	_ =	swait.ge [sflag:s22], $0x70  }
0xa5: {  	p0 =	seq.s32 s7, $0x0;
	[sflag:s22] =	ssyncset.done $0x0  }
0xa6: {  	s14 =	simm.s32 @!p0 $0x9;
	[sflag:s22] =	ssyncadd.s32 $0xFFFFFF90  }
0xa7: {  	_ =	swait.ge @!p0 [sflag:s14], $0x1C00  }
0xa8: {  	[sflag:s14] =	ssyncset.done @!p0 $0x0  }
0xa9: {  	[sflag:s14] =	ssyncadd.s32 @!p0 $0xFFFFE400  }
0xaa: {  	[tilespmem:s23], [sflag:$0x2] =	stream.indirect.gather [hbm4b:s5+s19], $0x40, s19, s19, $0xb8;
	[tilespmem:$0xF6A0] =	vst v63  }
0xab: {  	_ =	swait.ge [sflag:s24], $0x1C00  }
0xac: {  	[sflag:s24] =	ssyncset.done $0x0  }
0xad: {  	[sflag:s24] =	ssyncadd.s32 $0xFFFFE400  }
0xae: {  	[spmem:s3] =	stream.indirect.scatter.add.f32 [tilespmem:s20], [sflag:$0x7], $0x40, s16, s19, $0xb8;
	[tilespmem:$0xF6A0] =	vst v63  }
0xaf: {  	_ = 	snop  }
0xb0: {  	[tilespmem:s25], [sflag:$0x6] =	stream.linear.gather [hbm4b:s8+s4], $0x70, $0x38;
	[tilespmem:$0xF6A0] =	vst v63  }
0xb1: {  	_ = 	snop  }
0xb2: {  	[tilespmem:s26], [sflag:$0x6] =	stream.linear.gather [hbm4b:s13+s4], $0x70, $0x38;
	[tilespmem:$0xF6A0] =	vst v63  }
0xb3: {  	_ =	swait.ge [sflag:s28], $0x70  }
0xb4: {  	[sflag:s28] =	ssyncset.done $0x0  }
0xb5: {  	[sflag:s28] =	ssyncadd.s32 $0xFFFFFF90  }
0xb6: {  	_ =	swait.ge [sflag:s28], $0x70  }
0xb7: {  	[sflag:s28] =	ssyncset.done $0x0  }
0xb8: {  	[sflag:s28] =	ssyncadd.s32 $0xFFFFFF90  }
0xb9: {  	_ =	swait.ge [sflag:s29], $0x1C00  }
0xba: {  	[sflag:s29] =	ssyncset.done $0x0  }
0xbb: {  	s13 =	smin.u32 s7, $0x56;
	[sflag:s29] =	ssyncadd.s32 $0xFFFFE400  }
0xbc: {  	[tilespmem:s30], [sflag:$0x3] =	stream.indirect.gather [hbm4b:s5+s19], $0x40, s25, s19, $0xb8;
	[tilespmem:$0xF6A0] =	vst v63  }
0xbd: {  	s8 =	smul.u32 $0x70, s13;
	_ =	swait.ge [sflag:s31], $0x1C00  }
0xbe: {  	s14 =	rddreg [dreg:$0x4]  }
0xbf: {  	[sflag:s31] =	ssyncset.done $0x0;
	s8 =	sadd.s32 s8, s14  }
0xc0: {  	[sflag:s31] =	ssyncadd.s32 $0xFFFFE400;
	s8 =	sshrl.u32 s8, $0x3  }
0xc1: {  	[spmem:s3] =	stream.indirect.scatter.add.f32 [tilespmem:s23], [sflag:$0x8], $0x40, s21, s19, $0xb8;
	[tilespmem:$0xF6A0] =	vst v63  }
0xc2: {  	s8 =	sadd.s32 s1, s8  }
0xc3: {  	[tilespmem:s4], [sflag:$0x4] =	stream.linear.gather [hbm4b:s8+s4], $0x70, $0x38;
	[tilespmem:$0xF6A0] =	vst v63  }
0xc4: {  	s8 =	sadd.s32 $0x9D80, s8  }
0xc5: {  	[tilespmem:s16], [sflag:$0x4] =	stream.linear.gather [hbm4b:s8+s4], $0x70, $0x38;
	[tilespmem:$0xF6A0] =	vst v63  }
0xc6: {  	_ =	swait.ge [sflag:s0], $0x70  }
0xc7: {  	[sflag:s0] =	ssyncset.done $0x0  }
0xc8: {  	[sflag:s0] =	ssyncadd.s32 $0xFFFFFF90  }
0xc9: {  	_ =	swait.ge [sflag:s0], $0x70  }
0xca: {  	[sflag:s0] =	ssyncset.done $0x0  }
0xcb: {  	[sflag:s0] =	ssyncadd.s32 $0xFFFFFF90  }
0xcc: {  	_ =	swait.ge [sflag:s2], $0x1C00  }
0xcd: {  	[sflag:s2] =	ssyncset.done $0x0  }
0xce: {  	s15 =	smin.u32 s7, $0x55;
	[sflag:s2] =	ssyncadd.s32 $0xFFFFE400  }
0xcf: {  	[tilespmem:s20], [sflag:$0x1] =	stream.indirect.gather [hbm4b:s5+s19], $0x40, s4, s19, $0xb8;
	[tilespmem:$0xF6A0] =	vst v63  }
0xd0: {  	s7 =	smul.u32 $0x70, s15;
	_ =	swait.ge [sflag:s6], $0x1C00  }
0xd1: {  	s17 =	rddreg [dreg:$0x5];
	[sflag:s6] =	ssyncset.done $0x0  }
0xd2: {  	s7 =	sadd.s32 s7, s17;
	[sflag:s6] =	ssyncadd.s32 $0xFFFFE400  }
0xd3: {  	[spmem:s3] =	stream.indirect.scatter.add.f32 [tilespmem:s30], [sflag:$0x9], $0x40, s26, s19, $0xb8;
	[tilespmem:$0xF6A0] =	vst v63  }
0xd4: {  	s7 =	sshrl.u32 s7, $0x3  }
0xd5: {  	s7 =	sadd.s32 s1, s7  }
0xd6: {  	[tilespmem:s19], [sflag:$0x5] =	stream.linear.gather [hbm4b:s7+s4], $0x70, $0x38;
	[tilespmem:$0xF6A0] =	vst v63  }
0xd7: {  	s7 =	sadd.s32 $0x9D80, s7  }
0xd8: {  	[tilespmem:s21], [sflag:$0x5] =	stream.linear.gather [hbm4b:s7+s4], $0x70, $0x38;
	[tilespmem:$0xF6A0] =	vst v63  }
0xd9: {  	_ =	swait.ge [sflag:s22], $0x70  }
0xda: {  	[sflag:s22] =	ssyncset.done $0x0  }
0xdb: {  	[sflag:s22] =	ssyncadd.s32 $0xFFFFFF90  }
0xdc: {  	_ =	swait.ge [sflag:s22], $0x70  }
0xdd: {  	p0 =	seq.s32 s10, $0x0;
	[sflag:s22] =	ssyncset.done $0x0  }
0xde: {  	s7 =	simm.s32 @!p0 $0x9;
	[sflag:s22] =	ssyncadd.s32 $0xFFFFFF90  }
0xdf: {  	_ =	swait.ge @!p0 [sflag:s7], $0x1C00  }
0xe0: {  	[sflag:s7] =	ssyncset.done @!p0 $0x0  }
0xe1: {  	[sflag:s7] =	ssyncadd.s32 @!p0 $0xFFFFE400  }
0xe2: {  	[tilespmem:s23], [sflag:$0x2] =	stream.indirect.gather [hbm4b:s5+s19], $0x40, s19, s19, $0xb8;
	[tilespmem:$0xF6A0] =	vst v63  }
0xe3: {  	_ =	swait.ge [sflag:s24], $0x1C00  }
0xe4: {  	[sflag:s24] =	ssyncset.done $0x0  }
0xe5: {  	[sflag:s24] =	ssyncadd.s32 $0xFFFFE400  }
0xe6: {  	[spmem:s3] =	stream.indirect.scatter.add.f32 [tilespmem:s20], [sflag:$0x7], $0x40, s16, s19, $0xb8;
	[tilespmem:$0xF6A0] =	vst v63  }
0xe7: {  	s18 =	sadd.s32 $0x2A, s12  }
0xe8: {  	[tilespmem:s25], [sflag:$0x6] =	stream.linear.gather [hbm4b:s18+s4], $0x70, $0x38;
	[tilespmem:$0xF6A0] =	vst v63  }
0xe9: {  	s8 =	sadd.s32 $0x2A, s11  }
0xea: {  	[tilespmem:s26], [sflag:$0x6] =	stream.linear.gather [hbm4b:s8+s4], $0x70, $0x38;
	[tilespmem:$0xF6A0] =	vst v63  }
0xeb: {  	_ =	swait.ge [sflag:s28], $0x70  }
0xec: {  	[sflag:s28] =	ssyncset.done $0x0  }
0xed: {  	[sflag:s28] =	ssyncadd.s32 $0xFFFFFF90  }
0xee: {  	_ =	swait.ge [sflag:s28], $0x70  }
0xef: {  	[sflag:s28] =	ssyncset.done $0x0  }
0xf0: {  	[sflag:s28] =	ssyncadd.s32 $0xFFFFFF90  }
0xf1: {  	_ =	swait.ge [sflag:s29], $0x1C00  }
0xf2: {  	[sflag:s29] =	ssyncset.done $0x0  }
0xf3: {  	s11 =	smin.u32 s10, $0x56;
	[sflag:s29] =	ssyncadd.s32 $0xFFFFE400  }
0xf4: {  	[tilespmem:s30], [sflag:$0x3] =	stream.indirect.gather [hbm4b:s5+s19], $0x40, s25, s19, $0xb8;
	[tilespmem:$0xF6A0] =	vst v63  }
0xf5: {  	s7 =	smul.u32 $0x70, s11;
	_ =	swait.ge [sflag:s31], $0x1C00  }
0xf6: {  	s12 =	rddreg [dreg:$0x4]  }
0xf7: {  	[sflag:s31] =	ssyncset.done $0x0;
	s7 =	sadd.s32 s7, s12  }
0xf8: {  	[sflag:s31] =	ssyncadd.s32 $0xFFFFE400;
	s7 =	sshrl.u32 s7, $0x3  }
0xf9: {  	[spmem:s3] =	stream.indirect.scatter.add.f32 [tilespmem:s23], [sflag:$0x8], $0x40, s21, s19, $0xb8;
	[tilespmem:$0xF6A0] =	vst v63  }
0xfa: {  	s7 =	sadd.s32 s1, s7  }
0xfb: {  	[tilespmem:s4], [sflag:$0x4] =	stream.linear.gather [hbm4b:s7+s4], $0x70, $0x38;
	[tilespmem:$0xF6A0] =	vst v63  }
0xfc: {  	s7 =	sadd.s32 $0x9D80, s7  }
0xfd: {  	[tilespmem:s16], [sflag:$0x4] =	stream.linear.gather [hbm4b:s7+s4], $0x70, $0x38;
	[tilespmem:$0xF6A0] =	vst v63  }
0xfe: {  	_ =	swait.ge [sflag:s0], $0x70  }
0xff: {  	[sflag:s0] =	ssyncset.done $0x0  }
0x100: {  	[sflag:s0] =	ssyncadd.s32 $0xFFFFFF90  }
0x101: {  	_ =	swait.ge [sflag:s0], $0x70  }
0x102: {  	[sflag:s0] =	ssyncset.done $0x0  }
0x103: {  	[sflag:s0] =	ssyncadd.s32 $0xFFFFFF90  }
0x104: {  	_ =	swait.ge [sflag:s2], $0x1C00  }
0x105: {  	[sflag:s2] =	ssyncset.done $0x0  }
0x106: {  	s13 =	smin.u32 s10, $0x55;
	[sflag:s2] =	ssyncadd.s32 $0xFFFFE400  }
0x107: {  	[tilespmem:s20], [sflag:$0x1] =	stream.indirect.gather [hbm4b:s5+s19], $0x40, s4, s19, $0xb8;
	[tilespmem:$0xF6A0] =	vst v63  }
0x108: {  	s7 =	smul.u32 $0x70, s13;
	_ =	swait.ge [sflag:s6], $0x1C00  }
0x109: {  	s14 =	rddreg [dreg:$0x5];
	[sflag:s6] =	ssyncset.done $0x0  }
0x10a: {  	s7 =	sadd.s32 s7, s14;
	[sflag:s6] =	ssyncadd.s32 $0xFFFFE400  }
0x10b: {  	[spmem:s3] =	stream.indirect.scatter.add.f32 [tilespmem:s30], [sflag:$0x9], $0x40, s26, s19, $0xb8;
	[tilespmem:$0xF6A0] =	vst v63  }
0x10c: {  	s7 =	sshrl.u32 s7, $0x3  }
0x10d: {  	s7 =	sadd.s32 s1, s7  }
0x10e: {  	[tilespmem:s19], [sflag:$0x5] =	stream.linear.gather [hbm4b:s7+s4], $0x70, $0x38;
	[tilespmem:$0xF6A0] =	vst v63  }
0x10f: {  	s7 =	sadd.s32 $0x9D80, s7  }
0x110: {  	[tilespmem:s21], [sflag:$0x5] =	stream.linear.gather [hbm4b:s7+s4], $0x70, $0x38;
	[tilespmem:$0xF6A0] =	vst v63  }
0x111: {  	_ =	swait.ge [sflag:s24], $0x1C00  }
0x112: {  	[sflag:s24] =	ssyncset.done $0x0  }
0x113: {  	s15 =	simm.s32 $0x9;
	[sflag:s24] =	ssyncadd.s32 $0xFFFFE400  }
0x114: {  	_ =	swait.ge [sflag:s15], $0x1C00  }
0x115: {  	[sflag:s15] =	ssyncset.done $0x0  }
0x116: {  	[sflag:s15] =	ssyncadd.s32 $0xFFFFE400  }
0x117: {  	_ =	swait.ge [sflag:s22], $0x70  }
0x118: {  	[sflag:s22] =	ssyncset.done $0x0  }
0x119: {  	[sflag:s22] =	ssyncadd.s32 $0xFFFFFF90  }
0x11a: {  	_ =	swait.ge [sflag:s22], $0x70  }
0x11b: {  	[sflag:s22] =	ssyncset.done $0x0  }
0x11c: {  	[sflag:s22] =	ssyncadd.s32 $0xFFFFFF90  }
0x11d: {  	[bflag:$0x0] =	sbarrier.arrive $0xFFFF  }
0x11e: {  	s17 =	rddreg [dreg:$0xb]  }
0x11f: {  	s10 =	rddreg [dreg:$0xf]  }
0x120: {  	s8 =	simm.s32 $0xA;
	s11 =	rddreg [dreg:$0x10]  }
0x121: {  	[hbm:s17], [sflag:s10] =	dma.local [spmem:s11], $0x1400  }
0x122: {  	_ =	swait.ge [sflag:s8], $0x1400  }
0x123: {  	s9 =	sadd.s32 $0x1, s9;
	s18 =	rddreg [dreg:$0xc]  }
0x124: {  	p0 =	sne.s32 s9, s18  }
.Ltmp1:
0x125: {  	_ = 	snop;
	(pc) =	sbr.rel @p0 .LBB2_1-.Ltmp1, $3  }
0x126: {  	_ =	sdelay $0x1  }
0x127: {  	[sflag:s8] =	ssyncset.done $0x0  }
0x128: {  	[sflag:s8] =	ssyncadd.s32 $0xFFFFEC00  }
0x129: {  	_ =	sfence.sel $0x180000  }
0x12a: {  	[bflag:$0x0] =	sbarrier.arrive $0xFFFF  }
0x12b: {  	_ =	strace $0x9000004D  }
0x12c: {  	s0 =	stileid.u32;
	[bflag:$0x2] =	sbarrier.arrive $0xFFFF  }
0x12d: {  	p0 =	sne.s32 s0, $0x0;
	s0 =	rddreg [dreg:$0x3]  }
0x12e: {  	s0 =	sadd.s32 @!p0 $0x100000, s0  }
0x12f: {  	[sflag:s0] =	ssyncadd.tile.s32 @!p0 $0x1;
	_ =	shalt  }
.Lfunc_end2:
_tile_overlayer_lowered:
.L_overlay_start_2:
0x130: {  	(tag) =	ssettag $0x2  }
0x131: {  	s0 =	rddreg [dreg:$0x0];
	s2 =	stileid.u32  }
0x132: {  	s1 =	rddreg [dreg:$0x1];
	p0 =	sne.s32 s2, $0x0  }
0x133: {  	s3 =	rddreg [dreg:$0x2];
	[bflag:$0x3] =	sbarrier.arrive $0xFFFF;
	s2 =	simm.s32 @!p0 $0x1C0A  }
0x134: {  	[timem:s3], [sflag:s2] =	dma.local @!p0 [hbm:s0], s1  }
0x135: {  	s0 =	simm.s32 @!p0 $0xA  }
0x136: {  	_ =	swait.ge @!p0 [sflag:s0], s1  }
0x137: {  	s1 =	ssub.s32 @!p0 $0x0, s1;
	[sflag:s0] =	ssyncset.done @!p0 $0x0  }
0x138: {  	[sflag:s0] =	ssyncadd.s32 @!p0 s1  }
0x139: {  	[bflag:$0x3] =	sbarrier.arrive $0xFFFF  }
0x13a: {  	_ =	shalt  }

// kernel: kernel.8.cloned.1.call-start
scs
__scs_entry_jumppad:
0x0: {  	(pc) =	sbr.rel $0x88, $3  }
0x1: {  	(tag) =	ssettag $0x0;
	lr =	simm.s32 $0x1  }
0x2: {  	[smem:$0x3F9B] =	sst lr;
	_ =	strace $0xD0000000  }
0x3: {  	_ = 	snop  }
0x4: {  	_ = 	snop  }
0x5: {  	_ = 	snop  }
0x6: {  	_ = 	snop  }
0x7: {  	_ = 	snop  }
__scs_overlays_trampoline_lowered:
0x8: {  	[smem:$0x3FAA] =	sst s0  }
0x9: {  	[smem:$0x3FAB] =	sst s1  }
0xa: {  	[smem:$0x3FAC] =	sst s2  }
0xb: {  	[smem:$0x3FAD] =	sst s3  }
0xc: {  	[smem:$0x3FAE] =	sst s4  }
0xd: {  	[smem:$0x3FAF] =	sst s5  }
0xe: {  	[smem:$0x3FB0] =	sst s6  }
0xf: {  	[smem:$0x3FB1] =	sst s7  }
0x10: {  	[smem:$0x3FB2] =	sst s8  }
0x11: {  	[smem:$0x3FB3] =	sst s9;
	s0 =	simm.s32 @!p0 $0x0  }
0x12: {  	s1 =	sld [smem:$0x3F99];
	s0 =	simm.s32 @p0 $0x1  }
0x13: {  	[smem:$0x3FB4] =	sst s0;
	s0 =	simm.s32 @!p1 $0x0  }
0x14: {  	s2 =	sld [smem:$0x3F98];
	s0 =	simm.s32 @p1 $0x1  }
0x15: {  	[smem:$0x3FB5] =	sst s0;
	s0 =	simm.s32 @!p2 $0x0  }
0x16: {  	s3 =	sld [smem:$0x3FDB];
	s0 =	simm.s32 @p2 $0x1  }
0x17: {  	s4 =	simm.s32 $0x1BF5;
	[smem:$0x3FB7] =	sst s0  }
0x18: {  	s0 =	sld [smem:$0x3F9A];
	_ =	swait.ge [sflag:s4], $0x0  }
0x19: {  	s7 =	sld [smem:$0x3F9B]  }
0x1a: {  	s8 =	sadd.s32 $0xFFFFE003, lr  }
0x1b: {  	s9 =	sadd.s32 $0xFFFFFEF7, lr;
	s5 =	simm.s32 $0xFFFFFFFF;
	p2 =	slt.u32 s8, $0xFFFFF086  }
0x1c: {  	p1 =	slt.u32 s9, $0xF7A;
	s5 =	simm.s32 @!p2 $0x0  }
0x1d: {  	s5 =	simm.s32 @p1 $0x1;
	p0 =	seq.s32 s7, s2  }
0x1e: {  	s7 =	smul.u32 @!p0 $0xF7A, s2;
	p2 =	seq.s32 @!p0 s5, $0x0  }
0x1f: {  	s9 =	smul.u32 $0xF7A, s1;
	s8 =	simm.s32 @!p0 $0x1BF5;
	p2 =	por !p2, p0  }
0x20: {  	[sflag:s8] =	ssyncset.s32 @!p0 $0xFFFFF086;
	s6 =	sadd.s32 @!p0 s3, s7;
	s7 =	simm.s32 @!p0 $0x108  }
0x21: {  	s3 =	sadd.s32 s3, s9;
	s6 =	sadd.s32 @!p0 $0x88, s6;
	s7 =	simm.s32 @p2 $0x1082  }
0x22: {  	[simem:s7], [sflag:s8] =	dma.local @!p0 [hbm:s6], $0xF7A  }
0x23: {  	s9 =	sor.u32 $0xD0000000, s2;
	s6 =	simm.s32 $0x108;
	_ =	swait.ge @!p0 [sflag:s8], $0x0  }
0x24: {  	s3 =	sadd.s32 $0x88, s3;
	s6 =	simm.s32 @!p1 $0x1082;
	[sflag:s4] =	ssyncset.s32 $0xFFFFF086  }
0x25: {  	[simem:s6], [sflag:s4] =	dma.local [hbm:s3], $0xF7A  }
0x26: {  	[smem:$0x3F9B] =	sst s1;
	(tag) =	ssettag s2;
	_ =	strace s9  }
0x27: {  	s1 =	sld [smem:$0x3FAB]  }
0x28: {  	s2 =	sld [smem:$0x3FAC]  }
0x29: {  	s4 =	sld [smem:$0x3FAE]  }
0x2a: {  	p0 =	seq.s32 s5, $0x0;
	s5 =	sld [smem:$0x3FAF]  }
0x2b: {  	s6 =	sld [smem:$0x3FB0]  }
0x2c: {  	s7 =	sld [smem:$0x3FB1]  }
0x2d: {  	s3 =	simm.s32 $0x108;
	s8 =	sld [smem:$0x3FB2]  }
0x2e: {  	s3 =	simm.s32 @!p0 $0x1082;
	s9 =	sld [smem:$0x3FB3]  }
0x2f: {  	lr =	sadd.s32 s0, s3;
	s0 =	sld [smem:$0x3FAA]  }
0x30: {  	s3 =	sld [smem:$0x3FAD]  }
0x31: {  	[smem:$0x3FB6] =	sst s10  }
0x32: {  	s10 =	sld [smem:$0x3FB4];
	_ =	sdelay $0x3  }
0x33: {  	p0 =	seq.s32 s10, $0x1;
	s10 =	sld [smem:$0x3FB6];
	_ =	sdelay $0x3  }
0x34: {  	[smem:$0x3FB6] =	sst s10  }
0x35: {  	s10 =	sld [smem:$0x3FB5];
	_ =	sdelay $0x3  }
0x36: {  	p1 =	seq.s32 s10, $0x1;
	s10 =	sld [smem:$0x3FB6];
	_ =	sdelay $0x3  }
0x37: {  	[smem:$0x3FB6] =	sst s10  }
0x38: {  	s10 =	sld [smem:$0x3FB7]  }
0x39: {  	_ = 	snop;
	(pc) =	sbr.ind lr, $3  }
0x3a: {  	_ = 	snop  }
0x3b: {  	_ = 	snop  }
0x3c: {  	p2 =	seq.s32 s10, $0x1;
	s10 =	sld [smem:$0x3FB6]  }
0x3d: {  	_ =	shalt  }
0x3e: {  	_ =	shalt  }
0x3f: {  	_ =	shalt  }
0x40: {  	_ =	shalt  }
0x41: {  	_ =	shalt  }
0x42: {  	_ =	shalt  }
0x43: {  	_ =	shalt  }
0x44: {  	_ =	shalt  }
0x45: {  	_ =	shalt  }
0x46: {  	_ =	shalt  }
0x47: {  	_ =	shalt  }
0x48: {  	_ =	shalt  }
0x49: {  	_ =	shalt  }
0x4a: {  	_ =	shalt  }
0x4b: {  	_ =	shalt  }
0x4c: {  	_ =	shalt  }
0x4d: {  	_ =	shalt  }
0x4e: {  	_ =	shalt  }
0x4f: {  	_ =	shalt  }
0x50: {  	_ =	shalt  }
0x51: {  	_ =	shalt  }
0x52: {  	_ =	shalt  }
0x53: {  	_ =	shalt  }
0x54: {  	_ =	shalt  }
0x55: {  	_ =	shalt  }
0x56: {  	_ =	shalt  }
0x57: {  	_ =	shalt  }
0x58: {  	_ =	shalt  }
0x59: {  	_ =	shalt  }
0x5a: {  	_ =	shalt  }
0x5b: {  	_ =	shalt  }
0x5c: {  	_ =	shalt  }
0x5d: {  	_ =	shalt  }
0x5e: {  	_ =	shalt  }
0x5f: {  	_ =	shalt  }
0x60: {  	_ =	shalt  }
0x61: {  	_ =	shalt  }
0x62: {  	_ =	shalt  }
0x63: {  	_ =	shalt  }
0x64: {  	_ =	shalt  }
0x65: {  	_ =	shalt  }
0x66: {  	_ =	shalt  }
0x67: {  	_ =	shalt  }
0x68: {  	_ =	shalt  }
0x69: {  	_ =	shalt  }
0x6a: {  	_ =	shalt  }
0x6b: {  	_ =	shalt  }
0x6c: {  	_ =	shalt  }
0x6d: {  	_ =	shalt  }
0x6e: {  	_ =	shalt  }
0x6f: {  	_ =	shalt  }
0x70: {  	_ =	shalt  }
0x71: {  	_ =	shalt  }
0x72: {  	_ =	shalt  }
0x73: {  	_ =	shalt  }
0x74: {  	_ =	shalt  }
0x75: {  	_ =	shalt  }
0x76: {  	_ =	shalt  }
0x77: {  	_ =	shalt  }
0x78: {  	_ =	shalt  }
0x79: {  	_ =	shalt  }
0x7a: {  	_ =	shalt  }
0x7b: {  	_ =	shalt  }
0x7c: {  	_ =	shalt  }
0x7d: {  	_ =	shalt  }
0x7e: {  	_ =	shalt  }
0x7f: {  	_ =	shalt  }
0x80: {  	_ =	shalt  }
0x81: {  	_ =	shalt  }
0x82: {  	_ =	shalt  }
0x83: {  	_ =	shalt  }
0x84: {  	_ =	shalt  }
0x85: {  	_ =	shalt  }
0x86: {  	_ =	shalt  }
0x87: {  	_ =	shalt  }
.Lfunc_end0:
.L_simem_size_0:
called_computation_lowered:
.L_overlay_start_0:
0x88: {  	s2 =	sld [smem:$0x3FD9]  }
0x89: {  	s3 =	sld [smem:$0x3FFE];
	_ =	sdelay $0x1  }
0x8a: {  	s1 =	srdreg.scid  }
0x8b: {  	s0 =	sand.u32 $0x1, s1  }
0x8c: {  	s17 =	sshll.u32 s0, $0xA;
	s2 =	sadd.s32 s3, s2  }
0x8d: {  	s2 =	sadd.s32 s2, s17  }
0x8e: {  	[smem:$0x3FC2] =	sst s2  }
0x8f: {  	_ = 	snop  }
0x90: {  	s2 =	sld [smem:$0x3FD0];
	(tm) =	ssettm $0x1  }
0x91: {  	s18 =	sld [smem:$0x3FFB];
	_ =	sdelay $0x3  }
0x92: {  	_ =	strace s18  }
0x93: {  	s3 =	sld [smem:$0x3FFC];
	_ =	sdelay $0x3  }
0x94: {  	_ =	strace s3  }
0x95: {  	s3 =	sld [smem:$0x3FFD];
	_ =	sdelay $0x3  }
0x96: {  	_ =	strace s3  }
0x97: {  	_ =	strace $0x8FFFFFFF  }
0x98: {  	s19 =	sld [smem:$0x3FDB];
	_ =	sdelay $0x1  }
0x99: {  	s4 =	simm.s32 $_scs_section_size  }
0x9a: {  	s5 =	simm.s32 $_size__tile_overlayer_lowered;
	s6 =	simm.s32 $_tile_overlayer_lowered  }
0x9b: {  	s22 =	simm.s32 $0x1BFF;
	s21 =	sshll.u32 s6, $0x1;
	s3 =	sadd.s32 s4, s19  }
0x9c: {  	s7 =	simm.s32 $0x0;
	s20 =	sshll.u32 s5, $0x1;
	s5 =	sadd.s32 s21, s3  }
0x9d: {  	[timem:s7], [sflag:s22] =	dma.local [hbm:s5], s20  }
0x9e: {  	_ =	swait.ge [sflag:s22], s20  }
0x9f: {  	s4 =	ssub.s32 $0x0, s20;
	[sflag:s22] =	ssyncset.done $0x0  }
0xa0: {  	[sflag:s22] =	ssyncadd.s32 s4;
	_ =	sdelay $0x1  }
0xa1: {  	s23 =	simm.s32 $0x1B8B  }
0xa2: {  	_ =	swait.ge [sflag:s23], $0x1  }
0xa3: {  	[sflag:s23] =	ssyncset.done $0x0  }
0xa4: {  	s25 =	simm.s32 $0x1B8E;
	s24 =	sld [smem:$0x3FFE];
	[sflag:s23] =	ssyncadd.s32 $0xFFFFFFFF  }
0xa5: {  	s26 =	simm.s32 $execute0_lowered;
	[smem:$0x3FD2] =	sst s25  }
0xa6: {  	s5 =	sshll.u32 s26, $0x1;
	_ =	strace $0x80000046;
	[dreg:$0x1] =	wrdreg $0xFFFFFFFF  }
0xa7: {  	s28 =	simm.s32 $_size_execute0_lowered;
	s3 =	sadd.s32 s3, s5;
	[dreg:$0x0] =	wrdreg $0x0  }
0xa8: {  	s5 =	sshll.u32 s28, $0x1;
	[dreg:$0x2] =	wrdreg s3  }
0xa9: {  	[dreg:$0x3] =	wrdreg s5  }
0xaa: {  	[dreg:$0x4] =	wrdreg $0xC0  }
0xab: {  	_ =	task [dreg:s7], $0x5FFFF  }
0xac: {  	[dreg:$0x1] =	wrdreg $0xFFFFFFFF  }
0xad: {  	[dreg:$0x0] =	wrdreg $0x60  }
0xae: {  	[dreg:$0x2] =	wrdreg s2  }
0xaf: {  	[dreg:$0x3] =	wrdreg s24  }
0xb0: {  	[dreg:$0x4] =	wrdreg $0x4F300  }
0xb1: {  	[dreg:$0x5] =	wrdreg $0x51B00  }
0xb2: {  	[dreg:$0x6] =	wrdreg $0x9  }
0xb3: {  	_ =	task.clear_ibuf [dreg:s7], $0x7FFFF;
	_ =	strace $0x90000046  }
0xb4: {  	s29 =	simm.s32 $0x9;
	_ =	strace $0x80000048  }
0xb5: {  	_ =	swait.ge [sflag:s29], $0x1  }
0xb6: {  	[sflag:s29] =	ssyncadd.s32 $0xFFFFFFFF  }
0xb7: {  	_ =	strace $0x90000048  }
0xb8: {  	_ =	sfence  }
0xb9: {  	s30 =	sld [smem:$0x0];
	_ =	sdelay $0x2  }
0xba: {  	s31 =	sshll.u32 s1, $0xD;
	s1 =	sshrl.u32 s1, $0x2  }
0xbb: {  	s3 =	sand.u32 $0x4000, s31;
	s1 =	sadd.s32 s1, s30  }
0xbc: {  	s0 =	sor.u32 s3, s0;
	s1 =	sshll.u32 s1, $0x11  }
0xbd: {  	s0 =	sor.u32 s1, s0  }
0xbe: {  	s0 =	sadd.s32 $0x8F2B, s0  }
0xbf: {  	[sflag:s0] =	ssyncadd.remote.s32 $0x1  }
0xc0: {  	_ =	sfence.sel $0xFFFF  }
0xc1: {  	[dreg:$0x0] =	wrdreg $0xFFFFFFFF;
	(pc) =	sbr.abs _section_cstart, $3  }
0xc2: {  	[dreg:$0x1] =	wrdreg $0xFFFFFFFF  }
0xc3: {  	_ =	task.clear_ibuf [dreg:s7], $0x2FFFF;
	_ =	strace $0x9FFFFFFF  }
0xc4: {  	(tm) =	ssettm $0x7FFFFFFF  }
0xc5: {  	_ =	shalt  }
tec
execute0_lowered:
.L_overlay_start_1:
0x0: {  	(tag) =	ssettag $0x1  }
0x1: {  	s6 =	rddreg [dreg:$0x0]  }
0x2: {  	s7 =	rddreg [dreg:$0x1]  }
0x3: {  	s2 =	rddreg [dreg:$0x2]  }
0x4: {  	s0 =	srdreg.scid;
	s3 =	rddreg [dreg:$0x3]  }
0x5: {  	s1 =	stileid.u32;
	s4 =	simm.s32 $0x0;
	s16 =	simm.s32 $0x70  }
0x6: {  	s17 =	simm.s32 $0x4EC0;
	s18 =	simm.s32 $0x1;
	s19 =	simm.s32 $0x0  }
0x7: {  	s8 =	sand.u32 $0x1, s0;
	s0 =	rddreg [dreg:$0x4];
	s9 =	smul.u32 $0x280, s1  }
0x8: {  	[smem:$0x7FF] =	sst s4;
	s13 =	sshll.u32 s1, $0x6;
	s5 =	sshll.u32 s8, $0x4  }
0x9: {  	s10 =	smul.u32 $0x2800, s8;
	_ =	strace $0x80000047;
	s8 =	ssub.s32 $0x2, s8  }
0xa: {  	s13 =	sor.u32 $0x1C02, s13;
	s5 =	sor.u32 s1, s5;
	s12 =	sshrl.u32 s8, $0x1  }
0xb: {  	s14 =	sadd.s32 s9, s2;
	s15 =	sadd.s32 s9, s3;
	s11 =	smul.u32 $0x2760, s5  }
0xc: {  	s5 =	sadd.s32 $0x2400, s7;
	s10 =	sadd.s32 s9, s10;
	s31 =	ssub.s32 s8, s12  }
0xd: {  	s12 =	simm.s32 $0x2760;
	s14 =	sshrl.u32 s14, $0x3;
	s10 =	sshrl.u32 s10, $0x3  }
0xe: {  	s15 =	sshrl.u32 s15, $0x3;
	s11 =	sshrl.u32 s11, $0x3;
	s10 =	sadd.s32 s10, s7  }
0xf: {  	s6 =	sadd.s32 s6, s11;
	s8 =	sadd.s32 $0x3000, s10;
	s9 =	sadd.s32 $0x2600, s10  }
0x10: {  	v0 =	vimm.f32 $1.000000000e+00;
	s10 =	smax.u32 s31, $0x1;
	s11 =	simm.s32 $0x2;
	s7 =	sadd.s32 $0x9D80, s6  }
.LBB2_1:
0x11: {  	[tilespmem:s4], [sflag:$0x2] =	stream.linear.gather [hbm4b:s6+s4], $0x2760, $0x38;
	[tilespmem:$0x5430] =	vst v63  }
0x12: {  	_ =	swait.ge [sflag:s11], $0x2760  }
0x13: {  	[sflag:s11] =	ssyncset.done $0x0  }
0x14: {  	[sflag:s11] =	ssyncadd.s32 $0xFFFFD8A0  }
0x15: {  	[tilespmem:s12], [sflag:$0x2] =	stream.linear.gather [hbm4b:s7+s4], $0x2760, $0x38;
	[tilespmem:$0x5430] =	vst v63  }
0x16: {  	_ =	swait.ge [sflag:s11], $0x2760  }
0x17: {  	[sflag:s11] =	ssyncset.done $0x0  }
0x18: {  	[sflag:s11] =	ssyncadd.s32 $0xFFFFD8A0  }
0x19: {  	[spmem:s14], [sflag:s13] =	dma.local [hbm:s5], $0x50  }
0x1a: {  	_ =	swait.ge [sflag:s11], $0x50  }
0x1b: {  	[sflag:s11] =	ssyncset.done $0x0  }
0x1c: {  	[sflag:s11] =	ssyncadd.s32 $0xFFFFFFB0  }
0x1d: {  	[spmem:s15], [sflag:s13] =	dma.local [hbm:s5], $0x50  }
0x1e: {  	_ =	swait.ge [sflag:s11], $0x50  }
0x1f: {  	[sflag:s11] =	ssyncset.done $0x0  }
0x20: {  	[sflag:s11] =	ssyncadd.s32 $0xFFFFFFB0  }
0x21: {  	[tilespmem:$0x4EC0] =	vst v0  }
0x22: {  	[tilespmem:$0x4ED0] =	vst v0  }
0x23: {  	[tilespmem:$0x4EE0] =	vst v0  }
0x24: {  	[tilespmem:$0x4EF0] =	vst v0  }
0x25: {  	[tilespmem:$0x4F00] =	vst v0  }
0x26: {  	[tilespmem:$0x4F10] =	vst v0  }
0x27: {  	[tilespmem:$0x4F20] =	vst v0  }
0x28: {  	s20 =	simm.s32 $0x0;
	[bflag:$0x0] =	sbarrier.arrive $0xFFFF  }
0x29: {  	[spmem:s2] =	stream.indirect.scatter.add.f32 [tilespmem:s17], [sflag:$0x1], $0x1, s20, s16, $0xb8;
	[tilespmem:$0x5430] =	vst v63  }
0x2a: {  	s22 =	simm.s32 $0x2760  }
0x2b: {  	[spmem:s3] =	stream.indirect.scatter.add.f32 [tilespmem:s17], [sflag:$0x1], $0x1, s22, s16, $0xb8;
	[tilespmem:$0x5430] =	vst v63  }
0x2c: {  	s23 =	simm.s32 $0x70  }
0x2d: {  	[spmem:s2] =	stream.indirect.scatter.add.f32 [tilespmem:s17], [sflag:$0x1], $0x1, s23, s16, $0xb8;
	[tilespmem:$0x5430] =	vst v63  }
0x2e: {  	s24 =	simm.s32 $0x27D0  }
0x2f: {  	[spmem:s3] =	stream.indirect.scatter.add.f32 [tilespmem:s17], [sflag:$0x1], $0x1, s24, s16, $0xb8;
	[tilespmem:$0x5430] =	vst v63  }
0x30: {  	s25 =	simm.s32 $0xE0  }
0x31: {  	[spmem:s2] =	stream.indirect.scatter.add.f32 [tilespmem:s17], [sflag:$0x1], $0x1, s25, s16, $0xb8;
	[tilespmem:$0x5430] =	vst v63  }
0x32: {  	s26 =	simm.s32 $0x2840  }
0x33: {  	[spmem:s3] =	stream.indirect.scatter.add.f32 [tilespmem:s17], [sflag:$0x1], $0x1, s26, s16, $0xb8;
	[tilespmem:$0x5430] =	vst v63  }
0x34: {  	s28 =	simm.s32 $0x150  }
0x35: {  	[spmem:s2] =	stream.indirect.scatter.add.f32 [tilespmem:s17], [sflag:$0x1], $0x1, s28, s16, $0xb8;
	[tilespmem:$0x5430] =	vst v63  }
0x36: {  	s29 =	simm.s32 $0x28B0  }
0x37: {  	[spmem:s3] =	stream.indirect.scatter.add.f32 [tilespmem:s17], [sflag:$0x1], $0x1, s29, s16, $0xb8;
	[tilespmem:$0x5430] =	vst v63  }
0x38: {  	s30 =	simm.s32 $0x1C0  }
0x39: {  	[spmem:s2] =	stream.indirect.scatter.add.f32 [tilespmem:s17], [sflag:$0x1], $0x1, s30, s16, $0xb8;
	[tilespmem:$0x5430] =	vst v63  }
0x3a: {  	s31 =	simm.s32 $0x2920  }
0x3b: {  	[spmem:s3] =	stream.indirect.scatter.add.f32 [tilespmem:s17], [sflag:$0x1], $0x1, s31, s16, $0xb8;
	[tilespmem:$0x5430] =	vst v63  }
0x3c: {  	s21 =	simm.s32 $0x230  }
0x3d: {  	[spmem:s2] =	stream.indirect.scatter.add.f32 [tilespmem:s17], [sflag:$0x1], $0x1, s21, s16, $0xb8;
	[tilespmem:$0x5430] =	vst v63  }
0x3e: {  	s22 =	simm.s32 $0x2990  }
0x3f: {  	[spmem:s3] =	stream.indirect.scatter.add.f32 [tilespmem:s17], [sflag:$0x1], $0x1, s22, s16, $0xb8;
	[tilespmem:$0x5430] =	vst v63  }
0x40: {  	s23 =	simm.s32 $0x2A0  }
0x41: {  	[spmem:s2] =	stream.indirect.scatter.add.f32 [tilespmem:s17], [sflag:$0x1], $0x1, s23, s16, $0xb8;
	[tilespmem:$0x5430] =	vst v63  }
0x42: {  	s24 =	simm.s32 $0x2A00  }
0x43: {  	[spmem:s3] =	stream.indirect.scatter.add.f32 [tilespmem:s17], [sflag:$0x1], $0x1, s24, s16, $0xb8;
	[tilespmem:$0x5430] =	vst v63  }
0x44: {  	s25 =	simm.s32 $0x310  }
0x45: {  	[spmem:s2] =	stream.indirect.scatter.add.f32 [tilespmem:s17], [sflag:$0x1], $0x1, s25, s16, $0xb8;
	[tilespmem:$0x5430] =	vst v63  }
0x46: {  	s26 =	simm.s32 $0x2A70  }
0x47: {  	[spmem:s3] =	stream.indirect.scatter.add.f32 [tilespmem:s17], [sflag:$0x1], $0x1, s26, s16, $0xb8;
	[tilespmem:$0x5430] =	vst v63  }
0x48: {  	s28 =	simm.s32 $0x380  }
0x49: {  	[spmem:s2] =	stream.indirect.scatter.add.f32 [tilespmem:s17], [sflag:$0x1], $0x1, s28, s16, $0xb8;
	[tilespmem:$0x5430] =	vst v63  }
0x4a: {  	s29 =	simm.s32 $0x2AE0  }
0x4b: {  	[spmem:s3] =	stream.indirect.scatter.add.f32 [tilespmem:s17], [sflag:$0x1], $0x1, s29, s16, $0xb8;
	[tilespmem:$0x5430] =	vst v63  }
0x4c: {  	s30 =	simm.s32 $0x3F0  }
0x4d: {  	[spmem:s2] =	stream.indirect.scatter.add.f32 [tilespmem:s17], [sflag:$0x1], $0x1, s30, s16, $0xb8;
	[tilespmem:$0x5430] =	vst v63  }
0x4e: {  	s31 =	simm.s32 $0x2B50  }
0x4f: {  	[spmem:s3] =	stream.indirect.scatter.add.f32 [tilespmem:s17], [sflag:$0x1], $0x1, s31, s16, $0xb8;
	[tilespmem:$0x5430] =	vst v63  }
0x50: {  	_ =	swait.ge [sflag:s18], $0x70  }
0x51: {  	[sflag:s18] =	ssyncset.done $0x0  }
0x52: {  	[sflag:s18] =	ssyncadd.s32 $0xFFFFFF90  }
0x53: {  	_ =	swait.ge [sflag:s18], $0x70  }
0x54: {  	[sflag:s18] =	ssyncset.done $0x0  }
0x55: {  	[sflag:s18] =	ssyncadd.s32 $0xFFFFFF90  }
0x56: {  	_ =	swait.ge [sflag:s18], $0x70  }
0x57: {  	[sflag:s18] =	ssyncset.done $0x0  }
0x58: {  	[sflag:s18] =	ssyncadd.s32 $0xFFFFFF90  }
0x59: {  	_ =	swait.ge [sflag:s18], $0x70  }
0x5a: {  	[sflag:s18] =	ssyncset.done $0x0  }
0x5b: {  	[sflag:s18] =	ssyncadd.s32 $0xFFFFFF90  }
0x5c: {  	_ =	swait.ge [sflag:s18], $0x70  }
0x5d: {  	[sflag:s18] =	ssyncset.done $0x0  }
0x5e: {  	[sflag:s18] =	ssyncadd.s32 $0xFFFFFF90  }
0x5f: {  	_ =	swait.ge [sflag:s18], $0x70  }
0x60: {  	[sflag:s18] =	ssyncset.done $0x0  }
0x61: {  	[sflag:s18] =	ssyncadd.s32 $0xFFFFFF90  }
0x62: {  	_ =	swait.ge [sflag:s18], $0x70  }
0x63: {  	[sflag:s18] =	ssyncset.done $0x0  }
0x64: {  	[sflag:s18] =	ssyncadd.s32 $0xFFFFFF90  }
0x65: {  	_ =	swait.ge [sflag:s18], $0x70  }
0x66: {  	[sflag:s18] =	ssyncset.done $0x0  }
0x67: {  	[sflag:s18] =	ssyncadd.s32 $0xFFFFFF90  }
0x68: {  	_ =	swait.ge [sflag:s18], $0x70  }
0x69: {  	[sflag:s18] =	ssyncset.done $0x0  }
0x6a: {  	[sflag:s18] =	ssyncadd.s32 $0xFFFFFF90  }
0x6b: {  	_ =	swait.ge [sflag:s18], $0x70  }
0x6c: {  	[sflag:s18] =	ssyncset.done $0x0  }
0x6d: {  	[sflag:s18] =	ssyncadd.s32 $0xFFFFFF90  }
0x6e: {  	_ =	swait.ge [sflag:s18], $0x70  }
0x6f: {  	[sflag:s18] =	ssyncset.done $0x0  }
0x70: {  	[sflag:s18] =	ssyncadd.s32 $0xFFFFFF90  }
0x71: {  	_ =	swait.ge [sflag:s18], $0x70  }
0x72: {  	[sflag:s18] =	ssyncset.done $0x0  }
0x73: {  	[sflag:s18] =	ssyncadd.s32 $0xFFFFFF90  }
0x74: {  	_ =	swait.ge [sflag:s18], $0x70  }
0x75: {  	[sflag:s18] =	ssyncset.done $0x0  }
0x76: {  	[sflag:s18] =	ssyncadd.s32 $0xFFFFFF90  }
0x77: {  	_ =	swait.ge [sflag:s18], $0x70  }
0x78: {  	[sflag:s18] =	ssyncset.done $0x0  }
0x79: {  	[sflag:s18] =	ssyncadd.s32 $0xFFFFFF90  }
0x7a: {  	_ =	swait.ge [sflag:s18], $0x70  }
0x7b: {  	[sflag:s18] =	ssyncset.done $0x0  }
0x7c: {  	[sflag:s18] =	ssyncadd.s32 $0xFFFFFF90  }
0x7d: {  	_ =	swait.ge [sflag:s18], $0x70  }
0x7e: {  	[sflag:s18] =	ssyncset.done $0x0  }
0x7f: {  	[sflag:s18] =	ssyncadd.s32 $0xFFFFFF90  }
0x80: {  	_ =	swait.ge [sflag:s18], $0x70  }
0x81: {  	[sflag:s18] =	ssyncset.done $0x0  }
0x82: {  	[sflag:s18] =	ssyncadd.s32 $0xFFFFFF90  }
0x83: {  	_ =	swait.ge [sflag:s18], $0x70  }
0x84: {  	[sflag:s18] =	ssyncset.done $0x0  }
0x85: {  	[sflag:s18] =	ssyncadd.s32 $0xFFFFFF90  }
0x86: {  	_ =	swait.ge [sflag:s18], $0x70  }
0x87: {  	[sflag:s18] =	ssyncset.done $0x0  }
0x88: {  	[sflag:s18] =	ssyncadd.s32 $0xFFFFFF90  }
0x89: {  	_ =	swait.ge [sflag:s18], $0x70  }
0x8a: {  	s20 =	simm.s32 $0x1180;
	s23 =	simm.s32 $0x2300;
	[sflag:s18] =	ssyncset.done $0x0  }
.LBB2_2:
0x8b: {  	s22 =	sshra.s32 s20, $0x2  }
0x8c: {  	[sflag:s18] =	ssyncadd.s32 $0xFFFFFF90;
	s20 =	smov.u32 s23;
	s21 =	sadd.s32 $0x1180, s23  }
0x8d: {  	[spmem:s2] =	stream.indirect.scatter.add.f32 [tilespmem:s17], [sflag:$0x1], $0x1, s22, s16, $0xb8;
	[tilespmem:$0x5430] =	vst v63  }
0x8e: {  	p0 =	sne.s32 s23, $0x8C00;
	s23 =	sadd.s32 $0x2760, s22  }
0x8f: {  	[spmem:s3] =	stream.indirect.scatter.add.f32 [tilespmem:s17], [sflag:$0x1], $0x1, s23, s16, $0xb8;
	[tilespmem:$0x5430] =	vst v63  }
0x90: {  	s23 =	sadd.s32 $0x70, s22  }
0x91: {  	[spmem:s2] =	stream.indirect.scatter.add.f32 [tilespmem:s17], [sflag:$0x1], $0x1, s23, s16, $0xb8;
	[tilespmem:$0x5430] =	vst v63  }
0x92: {  	s23 =	sadd.s32 $0x27D0, s22  }
0x93: {  	[spmem:s3] =	stream.indirect.scatter.add.f32 [tilespmem:s17], [sflag:$0x1], $0x1, s23, s16, $0xb8;
	[tilespmem:$0x5430] =	vst v63  }
0x94: {  	s23 =	sadd.s32 $0xE0, s22  }
0x95: {  	[spmem:s2] =	stream.indirect.scatter.add.f32 [tilespmem:s17], [sflag:$0x1], $0x1, s23, s16, $0xb8;
	[tilespmem:$0x5430] =	vst v63  }
0x96: {  	s23 =	sadd.s32 $0x2840, s22  }
0x97: {  	[spmem:s3] =	stream.indirect.scatter.add.f32 [tilespmem:s17], [sflag:$0x1], $0x1, s23, s16, $0xb8;
	[tilespmem:$0x5430] =	vst v63  }
0x98: {  	s23 =	sadd.s32 $0x150, s22  }
0x99: {  	[spmem:s2] =	stream.indirect.scatter.add.f32 [tilespmem:s17], [sflag:$0x1], $0x1, s23, s16, $0xb8;
	[tilespmem:$0x5430] =	vst v63  }
0x9a: {  	s23 =	sadd.s32 $0x28B0, s22  }
0x9b: {  	[spmem:s3] =	stream.indirect.scatter.add.f32 [tilespmem:s17], [sflag:$0x1], $0x1, s23, s16, $0xb8;
	[tilespmem:$0x5430] =	vst v63  }
0x9c: {  	s23 =	sadd.s32 $0x1C0, s22  }
0x9d: {  	[spmem:s2] =	stream.indirect.scatter.add.f32 [tilespmem:s17], [sflag:$0x1], $0x1, s23, s16, $0xb8;
	[tilespmem:$0x5430] =	vst v63  }
0x9e: {  	s23 =	sadd.s32 $0x2920, s22  }
0x9f: {  	[spmem:s3] =	stream.indirect.scatter.add.f32 [tilespmem:s17], [sflag:$0x1], $0x1, s23, s16, $0xb8;
	[tilespmem:$0x5430] =	vst v63  }
0xa0: {  	s23 =	sadd.s32 $0x230, s22  }
0xa1: {  	[spmem:s2] =	stream.indirect.scatter.add.f32 [tilespmem:s17], [sflag:$0x1], $0x1, s23, s16, $0xb8;
	[tilespmem:$0x5430] =	vst v63  }
0xa2: {  	s23 =	sadd.s32 $0x2990, s22  }
0xa3: {  	[spmem:s3] =	stream.indirect.scatter.add.f32 [tilespmem:s17], [sflag:$0x1], $0x1, s23, s16, $0xb8;
	[tilespmem:$0x5430] =	vst v63  }
0xa4: {  	s23 =	sadd.s32 $0x2A0, s22  }
0xa5: {  	[spmem:s2] =	stream.indirect.scatter.add.f32 [tilespmem:s17], [sflag:$0x1], $0x1, s23, s16, $0xb8;
	[tilespmem:$0x5430] =	vst v63  }
0xa6: {  	s23 =	sadd.s32 $0x2A00, s22  }
0xa7: {  	[spmem:s3] =	stream.indirect.scatter.add.f32 [tilespmem:s17], [sflag:$0x1], $0x1, s23, s16, $0xb8;
	[tilespmem:$0x5430] =	vst v63  }
0xa8: {  	s23 =	sadd.s32 $0x310, s22  }
0xa9: {  	[spmem:s2] =	stream.indirect.scatter.add.f32 [tilespmem:s17], [sflag:$0x1], $0x1, s23, s16, $0xb8;
	[tilespmem:$0x5430] =	vst v63  }
0xaa: {  	s23 =	sadd.s32 $0x2A70, s22  }
0xab: {  	[spmem:s3] =	stream.indirect.scatter.add.f32 [tilespmem:s17], [sflag:$0x1], $0x1, s23, s16, $0xb8;
	[tilespmem:$0x5430] =	vst v63  }
0xac: {  	s23 =	sadd.s32 $0x380, s22  }
0xad: {  	[spmem:s2] =	stream.indirect.scatter.add.f32 [tilespmem:s17], [sflag:$0x1], $0x1, s23, s16, $0xb8;
	[tilespmem:$0x5430] =	vst v63  }
0xae: {  	s23 =	sadd.s32 $0x2AE0, s22  }
0xaf: {  	[spmem:s3] =	stream.indirect.scatter.add.f32 [tilespmem:s17], [sflag:$0x1], $0x1, s23, s16, $0xb8;
	[tilespmem:$0x5430] =	vst v63  }
0xb0: {  	s23 =	sadd.s32 $0x3F0, s22  }
0xb1: {  	[spmem:s2] =	stream.indirect.scatter.add.f32 [tilespmem:s17], [sflag:$0x1], $0x1, s23, s16, $0xb8;
	[tilespmem:$0x5430] =	vst v63  }
0xb2: {  	s22 =	sadd.s32 $0x2B50, s22  }
0xb3: {  	[spmem:s3] =	stream.indirect.scatter.add.f32 [tilespmem:s17], [sflag:$0x1], $0x1, s22, s16, $0xb8;
	[tilespmem:$0x5430] =	vst v63  }
0xb4: {  	_ =	swait.ge [sflag:s18], $0x70  }
0xb5: {  	[sflag:s18] =	ssyncset.done $0x0  }
0xb6: {  	[sflag:s18] =	ssyncadd.s32 $0xFFFFFF90  }
0xb7: {  	_ =	swait.ge [sflag:s18], $0x70  }
0xb8: {  	[sflag:s18] =	ssyncset.done $0x0  }
0xb9: {  	[sflag:s18] =	ssyncadd.s32 $0xFFFFFF90  }
0xba: {  	_ =	swait.ge [sflag:s18], $0x70  }
0xbb: {  	[sflag:s18] =	ssyncset.done $0x0  }
0xbc: {  	[sflag:s18] =	ssyncadd.s32 $0xFFFFFF90  }
0xbd: {  	_ =	swait.ge [sflag:s18], $0x70  }
0xbe: {  	[sflag:s18] =	ssyncset.done $0x0  }
0xbf: {  	[sflag:s18] =	ssyncadd.s32 $0xFFFFFF90  }
0xc0: {  	_ =	swait.ge [sflag:s18], $0x70  }
0xc1: {  	[sflag:s18] =	ssyncset.done $0x0  }
0xc2: {  	[sflag:s18] =	ssyncadd.s32 $0xFFFFFF90  }
0xc3: {  	_ =	swait.ge [sflag:s18], $0x70  }
0xc4: {  	[sflag:s18] =	ssyncset.done $0x0  }
0xc5: {  	[sflag:s18] =	ssyncadd.s32 $0xFFFFFF90  }
0xc6: {  	_ =	swait.ge [sflag:s18], $0x70  }
0xc7: {  	[sflag:s18] =	ssyncset.done $0x0  }
0xc8: {  	[sflag:s18] =	ssyncadd.s32 $0xFFFFFF90  }
0xc9: {  	_ =	swait.ge [sflag:s18], $0x70  }
0xca: {  	[sflag:s18] =	ssyncset.done $0x0  }
0xcb: {  	[sflag:s18] =	ssyncadd.s32 $0xFFFFFF90  }
0xcc: {  	_ =	swait.ge [sflag:s18], $0x70  }
0xcd: {  	[sflag:s18] =	ssyncset.done $0x0  }
0xce: {  	[sflag:s18] =	ssyncadd.s32 $0xFFFFFF90  }
0xcf: {  	_ =	swait.ge [sflag:s18], $0x70  }
0xd0: {  	[sflag:s18] =	ssyncset.done $0x0  }
0xd1: {  	[sflag:s18] =	ssyncadd.s32 $0xFFFFFF90  }
0xd2: {  	_ =	swait.ge [sflag:s18], $0x70  }
0xd3: {  	[sflag:s18] =	ssyncset.done $0x0  }
0xd4: {  	[sflag:s18] =	ssyncadd.s32 $0xFFFFFF90  }
0xd5: {  	_ =	swait.ge [sflag:s18], $0x70  }
0xd6: {  	[sflag:s18] =	ssyncset.done $0x0  }
0xd7: {  	[sflag:s18] =	ssyncadd.s32 $0xFFFFFF90  }
0xd8: {  	_ =	swait.ge [sflag:s18], $0x70  }
0xd9: {  	[sflag:s18] =	ssyncset.done $0x0  }
0xda: {  	[sflag:s18] =	ssyncadd.s32 $0xFFFFFF90  }
0xdb: {  	_ =	swait.ge [sflag:s18], $0x70  }
0xdc: {  	[sflag:s18] =	ssyncset.done $0x0  }
0xdd: {  	[sflag:s18] =	ssyncadd.s32 $0xFFFFFF90  }
0xde: {  	_ =	swait.ge [sflag:s18], $0x70  }
0xdf: {  	[sflag:s18] =	ssyncset.done $0x0  }
0xe0: {  	[sflag:s18] =	ssyncadd.s32 $0xFFFFFF90  }
0xe1: {  	_ =	swait.ge [sflag:s18], $0x70  }
0xe2: {  	[sflag:s18] =	ssyncset.done $0x0  }
0xe3: {  	[sflag:s18] =	ssyncadd.s32 $0xFFFFFF90  }
0xe4: {  	_ =	swait.ge [sflag:s18], $0x70  }
0xe5: {  	[sflag:s18] =	ssyncset.done $0x0  }
0xe6: {  	[sflag:s18] =	ssyncadd.s32 $0xFFFFFF90  }
0xe7: {  	_ =	swait.ge [sflag:s18], $0x70  }
0xe8: {  	[sflag:s18] =	ssyncset.done $0x0  }
0xe9: {  	[sflag:s18] =	ssyncadd.s32 $0xFFFFFF90  }
.Ltmp0:
0xea: {  	_ =	swait.ge [sflag:s18], $0x70;
	(pc) =	sbr.rel @p0 .LBB2_2-.Ltmp0, $4  }
0xeb: {  	[sflag:s18] =	ssyncset.done $0x0  }
0xec: {  	[sflag:s18] =	ssyncadd.s32 $0xFFFFFF90  }
0xed: {  	_ =	swait.ge [sflag:s18], $0x70  }
0xee: {  	s23 =	smov.u32 s21;
	[sflag:s18] =	ssyncset.done $0x0  }
0xef: {  	s20 =	sshra.s32 s20, $0x2;
	[sflag:s18] =	ssyncadd.s32 $0xFFFFFF90  }
0xf0: {  	[spmem:s2] =	stream.indirect.scatter.add.f32 [tilespmem:s17], [sflag:$0x1], $0x1, s20, s16, $0xb8;
	[tilespmem:$0x5430] =	vst v63  }
0xf1: {  	s21 =	sadd.s32 $0x2760, s20  }
0xf2: {  	[spmem:s3] =	stream.indirect.scatter.add.f32 [tilespmem:s17], [sflag:$0x1], $0x1, s21, s16, $0xb8;
	[tilespmem:$0x5430] =	vst v63  }
0xf3: {  	s23 =	sadd.s32 $0x70, s20  }
0xf4: {  	[spmem:s2] =	stream.indirect.scatter.add.f32 [tilespmem:s17], [sflag:$0x1], $0x1, s23, s16, $0xb8;
	[tilespmem:$0x5430] =	vst v63  }
0xf5: {  	s24 =	sadd.s32 $0x27D0, s20  }
0xf6: {  	[spmem:s3] =	stream.indirect.scatter.add.f32 [tilespmem:s17], [sflag:$0x1], $0x1, s24, s16, $0xb8;
	[tilespmem:$0x5430] =	vst v63  }
0xf7: {  	s25 =	sadd.s32 $0xE0, s20  }
0xf8: {  	[spmem:s2] =	stream.indirect.scatter.add.f32 [tilespmem:s17], [sflag:$0x1], $0x1, s25, s16, $0xb8;
	[tilespmem:$0x5430] =	vst v63  }
0xf9: {  	s26 =	sadd.s32 $0x2840, s20  }
0xfa: {  	[spmem:s3] =	stream.indirect.scatter.add.f32 [tilespmem:s17], [sflag:$0x1], $0x1, s26, s16, $0xb8;
	[tilespmem:$0x5430] =	vst v63  }
0xfb: {  	s28 =	sadd.s32 $0x150, s20  }
0xfc: {  	[spmem:s2] =	stream.indirect.scatter.add.f32 [tilespmem:s17], [sflag:$0x1], $0x1, s28, s16, $0xb8;
	[tilespmem:$0x5430] =	vst v63  }
0xfd: {  	s29 =	sadd.s32 $0x28B0, s20  }
0xfe: {  	[spmem:s3] =	stream.indirect.scatter.add.f32 [tilespmem:s17], [sflag:$0x1], $0x1, s29, s16, $0xb8;
	[tilespmem:$0x5430] =	vst v63  }
0xff: {  	s30 =	sadd.s32 $0x1C0, s20  }
0x100: {  	[spmem:s2] =	stream.indirect.scatter.add.f32 [tilespmem:s17], [sflag:$0x1], $0x1, s30, s16, $0xb8;
	[tilespmem:$0x5430] =	vst v63  }
0x101: {  	s31 =	sadd.s32 $0x2920, s20  }
0x102: {  	[spmem:s3] =	stream.indirect.scatter.add.f32 [tilespmem:s17], [sflag:$0x1], $0x1, s31, s16, $0xb8;
	[tilespmem:$0x5430] =	vst v63  }
0x103: {  	s22 =	sadd.s32 $0x230, s20  }
0x104: {  	[spmem:s2] =	stream.indirect.scatter.add.f32 [tilespmem:s17], [sflag:$0x1], $0x1, s22, s16, $0xb8;
	[tilespmem:$0x5430] =	vst v63  }
0x105: {  	s23 =	sadd.s32 $0x2990, s20  }
0x106: {  	[spmem:s3] =	stream.indirect.scatter.add.f32 [tilespmem:s17], [sflag:$0x1], $0x1, s23, s16, $0xb8;
	[tilespmem:$0x5430] =	vst v63  }
0x107: {  	s24 =	sadd.s32 $0x2A0, s20  }
0x108: {  	[spmem:s2] =	stream.indirect.scatter.add.f32 [tilespmem:s17], [sflag:$0x1], $0x1, s24, s16, $0xb8;
	[tilespmem:$0x5430] =	vst v63  }
0x109: {  	s25 =	sadd.s32 $0x2A00, s20  }
0x10a: {  	[spmem:s3] =	stream.indirect.scatter.add.f32 [tilespmem:s17], [sflag:$0x1], $0x1, s25, s16, $0xb8;
	[tilespmem:$0x5430] =	vst v63  }
0x10b: {  	s26 =	sadd.s32 $0x310, s20  }
0x10c: {  	[spmem:s2] =	stream.indirect.scatter.add.f32 [tilespmem:s17], [sflag:$0x1], $0x1, s26, s16, $0xb8;
	[tilespmem:$0x5430] =	vst v63  }
0x10d: {  	s28 =	sadd.s32 $0x2A70, s20  }
0x10e: {  	[spmem:s3] =	stream.indirect.scatter.add.f32 [tilespmem:s17], [sflag:$0x1], $0x1, s28, s16, $0xb8;
	[tilespmem:$0x5430] =	vst v63  }
0x10f: {  	s29 =	sadd.s32 $0x380, s20  }
0x110: {  	[spmem:s2] =	stream.indirect.scatter.add.f32 [tilespmem:s17], [sflag:$0x1], $0x1, s29, s16, $0xb8;
	[tilespmem:$0x5430] =	vst v63  }
0x111: {  	s30 =	sadd.s32 $0x2AE0, s20  }
0x112: {  	[spmem:s3] =	stream.indirect.scatter.add.f32 [tilespmem:s17], [sflag:$0x1], $0x1, s30, s16, $0xb8;
	[tilespmem:$0x5430] =	vst v63  }
0x113: {  	s31 =	sadd.s32 $0x3F0, s20  }
0x114: {  	[spmem:s2] =	stream.indirect.scatter.add.f32 [tilespmem:s17], [sflag:$0x1], $0x1, s31, s16, $0xb8;
	[tilespmem:$0x5430] =	vst v63  }
0x115: {  	s20 =	sadd.s32 $0x2B50, s20  }
0x116: {  	[spmem:s3] =	stream.indirect.scatter.add.f32 [tilespmem:s17], [sflag:$0x1], $0x1, s20, s16, $0xb8;
	[tilespmem:$0x5430] =	vst v63  }
0x117: {  	_ =	swait.ge [sflag:s18], $0x70  }
0x118: {  	[sflag:s18] =	ssyncset.done $0x0  }
0x119: {  	[sflag:s18] =	ssyncadd.s32 $0xFFFFFF90  }
0x11a: {  	_ =	swait.ge [sflag:s18], $0x70  }
0x11b: {  	[sflag:s18] =	ssyncset.done $0x0  }
0x11c: {  	[sflag:s18] =	ssyncadd.s32 $0xFFFFFF90  }
0x11d: {  	_ =	swait.ge [sflag:s18], $0x70  }
0x11e: {  	[sflag:s18] =	ssyncset.done $0x0  }
0x11f: {  	[sflag:s18] =	ssyncadd.s32 $0xFFFFFF90  }
0x120: {  	_ =	swait.ge [sflag:s18], $0x70  }
0x121: {  	[sflag:s18] =	ssyncset.done $0x0  }
0x122: {  	[sflag:s18] =	ssyncadd.s32 $0xFFFFFF90  }
0x123: {  	_ =	swait.ge [sflag:s18], $0x70  }
0x124: {  	[sflag:s18] =	ssyncset.done $0x0  }
0x125: {  	[sflag:s18] =	ssyncadd.s32 $0xFFFFFF90  }
0x126: {  	_ =	swait.ge [sflag:s18], $0x70  }
0x127: {  	[sflag:s18] =	ssyncset.done $0x0  }
0x128: {  	[sflag:s18] =	ssyncadd.s32 $0xFFFFFF90  }
0x129: {  	_ =	swait.ge [sflag:s18], $0x70  }
0x12a: {  	[sflag:s18] =	ssyncset.done $0x0  }
0x12b: {  	[sflag:s18] =	ssyncadd.s32 $0xFFFFFF90  }
0x12c: {  	_ =	swait.ge [sflag:s18], $0x70  }
0x12d: {  	[sflag:s18] =	ssyncset.done $0x0  }
0x12e: {  	[sflag:s18] =	ssyncadd.s32 $0xFFFFFF90  }
0x12f: {  	_ =	swait.ge [sflag:s18], $0x70  }
0x130: {  	[sflag:s18] =	ssyncset.done $0x0  }
0x131: {  	[sflag:s18] =	ssyncadd.s32 $0xFFFFFF90  }
0x132: {  	_ =	swait.ge [sflag:s18], $0x70  }
0x133: {  	[sflag:s18] =	ssyncset.done $0x0  }
0x134: {  	[sflag:s18] =	ssyncadd.s32 $0xFFFFFF90  }
0x135: {  	_ =	swait.ge [sflag:s18], $0x70  }
0x136: {  	[sflag:s18] =	ssyncset.done $0x0  }
0x137: {  	[sflag:s18] =	ssyncadd.s32 $0xFFFFFF90  }
0x138: {  	_ =	swait.ge [sflag:s18], $0x70  }
0x139: {  	[sflag:s18] =	ssyncset.done $0x0  }
0x13a: {  	[sflag:s18] =	ssyncadd.s32 $0xFFFFFF90  }
0x13b: {  	_ =	swait.ge [sflag:s18], $0x70  }
0x13c: {  	[sflag:s18] =	ssyncset.done $0x0  }
0x13d: {  	[sflag:s18] =	ssyncadd.s32 $0xFFFFFF90  }
0x13e: {  	_ =	swait.ge [sflag:s18], $0x70  }
0x13f: {  	[sflag:s18] =	ssyncset.done $0x0  }
0x140: {  	[sflag:s18] =	ssyncadd.s32 $0xFFFFFF90  }
0x141: {  	_ =	swait.ge [sflag:s18], $0x70  }
0x142: {  	[sflag:s18] =	ssyncset.done $0x0  }
0x143: {  	[sflag:s18] =	ssyncadd.s32 $0xFFFFFF90  }
0x144: {  	_ =	swait.ge [sflag:s18], $0x70  }
0x145: {  	[sflag:s18] =	ssyncset.done $0x0  }
0x146: {  	[sflag:s18] =	ssyncadd.s32 $0xFFFFFF90  }
0x147: {  	_ =	swait.ge [sflag:s18], $0x70  }
0x148: {  	[sflag:s18] =	ssyncset.done $0x0  }
0x149: {  	[sflag:s18] =	ssyncadd.s32 $0xFFFFFF90  }
0x14a: {  	_ =	swait.ge [sflag:s18], $0x70  }
0x14b: {  	[sflag:s18] =	ssyncset.done $0x0  }
0x14c: {  	[sflag:s18] =	ssyncadd.s32 $0xFFFFFF90  }
0x14d: {  	_ =	swait.ge [sflag:s18], $0x70  }
0x14e: {  	[sflag:s18] =	ssyncset.done $0x0  }
0x14f: {  	[sflag:s18] =	ssyncadd.s32 $0xFFFFFF90  }
0x150: {  	_ =	swait.ge [sflag:s18], $0x70  }
0x151: {  	[sflag:s18] =	ssyncset.done $0x0  }
0x152: {  	[sflag:s18] =	ssyncadd.s32 $0xFFFFFF90  }
0x153: {  	[bflag:$0x0] =	sbarrier.arrive $0xFFFF  }
0x154: {  	[hbm:s8], [sflag:s13] =	dma.local [spmem:s14], $0x50  }
0x155: {  	s19 =	sadd.s32 $0x1, s19;
	_ =	swait.ge [sflag:s11], $0x50  }
0x156: {  	p0 =	sne.s32 s19, s10;
	[sflag:s11] =	ssyncset.done $0x0  }
.Ltmp1:
0x157: {  	[sflag:s11] =	ssyncadd.s32 $0xFFFFFFB0;
	(pc) =	sbr.rel @p0 .LBB2_1-.Ltmp1, $4  }
0x158: {  	[hbm:s9], [sflag:s13] =	dma.local [spmem:s15], $0x50  }
0x159: {  	_ =	swait.ge [sflag:s11], $0x50  }
0x15a: {  	[sflag:s11] =	ssyncset.done $0x0  }
0x15b: {  	[sflag:s11] =	ssyncadd.s32 $0xFFFFFFB0  }
0x15c: {  	_ =	sfence.sel $0x180000  }
0x15d: {  	[bflag:$0x0] =	sbarrier.arrive $0xFFFF  }
0x15e: {  	p0 =	sne.s32 s1, $0x0;
	_ =	strace $0x90000047  }
0x15f: {  	s0 =	sadd.s32 @!p0 $0x100000, s0;
	[bflag:$0x2] =	sbarrier.arrive $0xFFFF  }
0x160: {  	[sflag:s0] =	ssyncadd.tile.s32 @!p0 $0x1;
	_ =	shalt  }
.Lfunc_end2:
_tile_overlayer_lowered:
.L_overlay_start_2:
0x161: {  	(tag) =	ssettag $0x2  }
0x162: {  	s0 =	rddreg [dreg:$0x0];
	s2 =	stileid.u32  }
0x163: {  	s1 =	rddreg [dreg:$0x1];
	p0 =	sne.s32 s2, $0x0  }
0x164: {  	s3 =	rddreg [dreg:$0x2];
	[bflag:$0x3] =	sbarrier.arrive $0xFFFF;
	s2 =	simm.s32 @!p0 $0x1C02  }
0x165: {  	[timem:s3], [sflag:s2] =	dma.local @!p0 [hbm:s0], s1  }
0x166: {  	s0 =	simm.s32 @!p0 $0x2  }
0x167: {  	_ =	swait.ge @!p0 [sflag:s0], s1  }
0x168: {  	s1 =	ssub.s32 @!p0 $0x0, s1;
	[sflag:s0] =	ssyncset.done @!p0 $0x0  }
0x169: {  	[sflag:s0] =	ssyncadd.s32 @!p0 s1  }
0x16a: {  	[bflag:$0x3] =	sbarrier.arrive $0xFFFF  }
0x16b: {  	_ =	shalt  }

</sc_bundles>
